<compile_context>
chip_gen: v7x
topology: tpu7x:2x2x1
jax: 0.10.2.dev20260603
libtpu: 0.0.44.dev20260713+nightly
codegen_flags: <defaults>
</compile_context>

<pallas_src>
import functools

import jax
import jax.numpy as jnp
from jax import lax
from jax.experimental import pallas as pl
from jax.experimental.pallas import tpu as pltpu
from jax.experimental.pallas import tpu_sc as plsc

_N_NODES = 10000
_D = 128
_N_GRAPHS = 512
_N_CONV = 3

_BLK = 1000
_NB = _N_NODES // _BLK

_NC = 2
_NS = 16
_CH = 128
_C = 157
_EPAD = _NS * _C * _CH
_HN = 5120
_NPAD = 5376
_RPT = _NPAD // _NS
_HN1 = _N_NODES - _HN


def _softplus(z):
    return jnp.maximum(z, 0.0) + jnp.log1p(jnp.exp(-jnp.abs(z)))


def _sigmoid(z):
    return 1.0 / (1.0 + jnp.exp(-z))


def _dot_t(a, b):
    return lax.dot_general(a, b, (((1,), (1,)), ((), ())),
                           preferred_element_type=jnp.float32)



def _embed_msg_body(nodes_ref, embw_ref, w1_ref, w2_ref, x_ref, m_ref):
    xb = _dot_t(nodes_ref[...], embw_ref[...])
    z1 = _dot_t(xb, w1_ref[...])
    z2 = _dot_t(xb, w2_ref[...])
    x_ref[...] = xb
    m_ref[...] = _sigmoid(z1) * _softplus(z2)


def _update_msg_body(x_ref, agg_ref, w1_ref, w2_ref, xn_ref, m_ref):
    xn = x_ref[...] + _softplus(agg_ref[...])
    z1 = _dot_t(xn, w1_ref[...])
    z2 = _dot_t(xn, w2_ref[...])
    xn_ref[...] = xn
    m_ref[...] = _sigmoid(z1) * _softplus(z2)


def _final_body(x_ref, agg_ref, gidx_ref, invc_ref, fcw_ref, fcb_ref,
                regw_ref, regb_ref, out_ref, acc_ref):
    i = pl.program_id(0)

    @pl.when(i == 0)
    def _():
        acc_ref[...] = jnp.zeros_like(acc_ref)

    xb = x_ref[...] + _softplus(agg_ref[...])
    g = gidx_ref[0]
    iota = lax.broadcasted_iota(jnp.int32, (_N_GRAPHS, _BLK), 0)
    onehot = (iota == g).astype(jnp.float32)
    acc_ref[...] += lax.dot_general(onehot, xb, (((1,), (0,)), ((), ())),
                                    preferred_element_type=jnp.float32)

    @pl.when(i == _NB - 1)
    def _():
        pooled = acc_ref[...] * invc_ref[...]
        y = _softplus(_dot_t(pooled, fcw_ref[0]) + fcb_ref[0])
        y = _softplus(_dot_t(y, fcw_ref[1]) + fcb_ref[1])
        out_ref[...] = (jnp.sum(y * regw_ref[...], axis=1, keepdims=True)
                        + regb_ref[...])


def _tc_embed_msg(nodes, emb_w, w1, w2):
    full = lambda i: (0, 0)
    blk = lambda i: (i, 0)
    return pl.pallas_call(
        _embed_msg_body,
        grid=(_NB,),
        in_specs=[
            pl.BlockSpec((_BLK, _D), blk),
            pl.BlockSpec((_D, _D), full),
            pl.BlockSpec((_D, _D), full),
            pl.BlockSpec((_D, _D), full),
        ],
        out_specs=[
            pl.BlockSpec((_BLK, _D), blk),
            pl.BlockSpec((_BLK, _D), blk),
        ],
        out_shape=[
            jax.ShapeDtypeStruct((_N_NODES, _D), jnp.float32),
            jax.ShapeDtypeStruct((_N_NODES, _D), jnp.float32),
        ],
    )(nodes, emb_w, w1, w2)


def _tc_update_msg(x, agg, w1, w2):
    full = lambda i: (0, 0)
    blk = lambda i: (i, 0)
    return pl.pallas_call(
        _update_msg_body,
        grid=(_NB,),
        in_specs=[
            pl.BlockSpec((_BLK, _D), blk),
            pl.BlockSpec((_BLK, _D), blk),
            pl.BlockSpec((_D, _D), full),
            pl.BlockSpec((_D, _D), full),
        ],
        out_specs=[
            pl.BlockSpec((_BLK, _D), blk),
            pl.BlockSpec((_BLK, _D), blk),
        ],
        out_shape=[
            jax.ShapeDtypeStruct((_N_NODES, _D), jnp.float32),
            jax.ShapeDtypeStruct((_N_NODES, _D), jnp.float32),
        ],
    )(x, agg, w1, w2)


def _tc_final(x, agg, gidx3d, inv_counts, fc_w, fc_b3d, reg_w, reg_b2d):
    blk = lambda i: (i, 0)
    return pl.pallas_call(
        _final_body,
        grid=(_NB,),
        in_specs=[
            pl.BlockSpec((_BLK, _D), blk),
            pl.BlockSpec((_BLK, _D), blk),
            pl.BlockSpec((1, 1, _BLK), lambda i: (i, 0, 0)),
            pl.BlockSpec((_N_GRAPHS, 1), lambda i: (0, 0)),
            pl.BlockSpec((2, _D, _D), lambda i: (0, 0, 0)),
            pl.BlockSpec((2, 1, _D), lambda i: (0, 0, 0)),
            pl.BlockSpec((1, _D), lambda i: (0, 0)),
            pl.BlockSpec((1, 1), lambda i: (0, 0)),
        ],
        out_specs=pl.BlockSpec((_N_GRAPHS, 1), lambda i: (0, 0)),
        out_shape=jax.ShapeDtypeStruct((_N_GRAPHS, 1), jnp.float32),
        scratch_shapes=[pltpu.VMEM((_N_GRAPHS, _D), jnp.float32)],
    )(x, agg, gidx3d, inv_counts, fc_w, fc_b3d, reg_w, reg_b2d)



def _sc_agg(m, zeros_acc, src_idx, tgt_idx, chunk_counts):
    mesh = plsc.VectorSubcoreMesh(core_axis_name="c", subcore_axis_name="s")

    @functools.partial(
        pl.kernel,
        out_type=jax.ShapeDtypeStruct((_NC, _NPAD, _D), jnp.float32),
        mesh=mesh,
        scratch_types=[
            pltpu.VMEM((_C, _CH), jnp.int32),
            pltpu.VMEM((_C, _CH), jnp.int32),
            pltpu.VMEM((_CH, _D), jnp.float32),
            pltpu.VMEM((_CH, _D), jnp.float32),
            pltpu.VMEM((_NS,), jnp.int32),
            pltpu.VMEM_SHARED((_NPAD, _D), jnp.float32),
            pltpu.SemaphoreType.DMA,
            pltpu.SemaphoreType.DMA,
        ],
    )
    def k(m_hbm, z_hbm, src_hbm, tgt_hbm, cnt_hbm, out_hbm, s_v, t_v,
          rows0_v, rows1_v, cnt_v, agg_sh, sem0, sem1):
        cid = lax.axis_index("c")
        sid = lax.axis_index("s")
        base = sid * _RPT

        pltpu.sync_copy(z_hbm.at[pl.ds(base, _RPT)],
                        agg_sh.at[pl.ds(base, _RPT)])

        pltpu.sync_copy(src_hbm.at[cid, sid], s_v)
        pltpu.sync_copy(tgt_hbm.at[cid, sid], t_v)
        pltpu.sync_copy(cnt_hbm.at[cid], cnt_v)
        n = cnt_v[pl.ds(sid, 1)][0]

        plsc.subcore_barrier()

        @pl.when(n > 0)
        def _():
            pltpu.async_copy(m_hbm.at[s_v.at[0]], rows0_v, sem0)

            def step(j, carry):
                jj = 2 * j
                pltpu.async_copy(m_hbm.at[s_v.at[jj + 1]], rows1_v, sem1)
                pltpu.make_async_copy(
                    m_hbm.at[s_v.at[jj]], rows0_v, sem0).wait()
                pltpu.sync_copy(rows0_v, agg_sh.at[t_v.at[jj]], add=True)
                nxt = jnp.minimum(jj + 2, n - 1)
                pltpu.async_copy(m_hbm.at[s_v.at[nxt]], rows0_v, sem0)
                pltpu.make_async_copy(
                    m_hbm.at[s_v.at[jj + 1]], rows1_v, sem1).wait()
                pltpu.sync_copy(rows1_v, agg_sh.at[t_v.at[jj + 1]], add=True)
                return carry
            lax.fori_loop(0, n // 2, step, 0)

            pltpu.make_async_copy(m_hbm.at[s_v.at[n - 1]], rows0_v,
                                  sem0).wait()

            @pl.when(n % 2 == 1)
            def _():
                pltpu.sync_copy(rows0_v, agg_sh.at[t_v.at[n - 1]], add=True)

        plsc.subcore_barrier()

        pltpu.sync_copy(agg_sh.at[pl.ds(base, _RPT)],
                        out_hbm.at[cid].at[pl.ds(base, _RPT)])

    return k(m, zeros_acc, src_idx, tgt_idx, chunk_counts)



def kernel(nodes, node_counts, edge_sources, edge_targets, graph_indices,
           emb_W, conv_W1, conv_W2, fc_W, fc_b, reg_W, reg_b):
    E = edge_sources.shape[0]
    pad = _EPAD - E
    eidx = jnp.arange(_EPAD, dtype=jnp.int32)
    ecnt = jnp.arange(E, dtype=jnp.int32)

    is1 = edge_targets >= _HN
    n0 = jnp.sum(~is1).astype(jnp.int32)
    c1 = jnp.cumsum(is1.astype(jnp.int32)).astype(jnp.int32)
    c0 = ecnt + 1 - c1
    pos0 = jnp.where(is1, n0 + c1 - 1, c0 - 1)
    pos1 = jnp.where(is1, c1 - 1, (E - n0) + c0 - 1)
    inv0 = jnp.zeros((E,), jnp.int32).at[pos0].set(ecnt, unique_indices=True)
    inv1 = jnp.zeros((E,), jnp.int32).at[pos1].set(ecnt, unique_indices=True)

    pad_src = eidx[:pad] % _N_NODES
    pad_tgt = jnp.full((pad,), _N_NODES, jnp.int32)
    src0 = jnp.concatenate([edge_sources[inv0], pad_src])
    src1 = jnp.concatenate([edge_sources[inv1], pad_src])
    t0 = jnp.concatenate([edge_targets[inv0], pad_tgt])
    t1 = jnp.concatenate([edge_targets[inv1], pad_tgt])
    tgt0 = jnp.where(t0 < _HN, t0, _HN + (eidx % (_NPAD - _HN)))
    tgt1 = jnp.where((t1 >= _HN) & (t1 < _N_NODES), t1 - _HN,
                     _HN1 + (eidx % (_NPAD - _HN1)))

    def _dist(a):
        return a.reshape(_C, _NS, _CH).transpose(1, 0, 2)
    src_p = jnp.stack([_dist(src0), _dist(src1)])
    tgt_p = jnp.stack([_dist(tgt0), _dist(tgt1)])

    sgrid = jnp.arange(_NS, dtype=jnp.int32)
    v0 = (n0 + _CH - 1) // _CH
    v1 = ((E - n0) + _CH - 1) // _CH
    chunk_counts = jnp.stack(
        [jnp.maximum(0, (v0 - sgrid + _NS - 1) // _NS).astype(jnp.int32),
         jnp.maximum(0, (v1 - sgrid + _NS - 1) // _NS).astype(jnp.int32)])
    zeros_acc = jnp.zeros((_NPAD, _D), jnp.float32)

    x, m = _tc_embed_msg(nodes, emb_W, conv_W1[0], conv_W2[0])
    for i in range(_N_CONV):
        partials = _sc_agg(m, zeros_acc, src_p, tgt_p, chunk_counts)
        agg = jnp.concatenate(
            [partials[0, :_HN], partials[1, :_N_NODES - _HN]])
        if i + 1 < _N_CONV:
            x, m = _tc_update_msg(x, agg, conv_W1[i + 1], conv_W2[i + 1])

    gidx3d = graph_indices.reshape(_NB, 1, _BLK)
    inv_counts = (1.0 / node_counts).reshape(_N_GRAPHS, 1)
    out2d = _tc_final(x, agg, gidx3d, inv_counts, fc_W,
                      fc_b.reshape(2, 1, _D), reg_W, reg_b.reshape(1, 1))
    return out2d[:, 0]

# --- scband reference (transcript-rebuilt; emitter-appended) ---
"""Pipeline reference for scband-ggnn-1726576856971 (READ-ONLY COPY).

The authoritative reference and input builder live on the scoring server;
editing this copy changes nothing except your own understanding.
"""

import jax, jax.numpy as jnp
import numpy as np

N_NODES = 10000
N_EDGES = 320000
N_GRAPHS = 512
D_IN = 128
D_H = 128
N_CONV = 3
N_FC = 2


def setup_inputs(seed: int = 0):
    key = jax.random.key(seed)
    ks = jax.random.split(key, 12)
    nodes = jax.random.normal(ks[0], (N_NODES, D_IN), dtype=jnp.float32)
    edge_sources = jax.random.randint(ks[1], (N_EDGES,), 0, N_NODES, dtype=jnp.int32)
    edge_targets = jax.random.randint(ks[2], (N_EDGES,), 0, N_NODES, dtype=jnp.int32)
    graph_indices = jnp.sort(jax.random.randint(ks[3], (N_NODES,), 0, N_GRAPHS, dtype=jnp.int32))
    node_counts = jnp.maximum(jnp.bincount(graph_indices, length=N_GRAPHS), 1).astype(jnp.float32)
    s = 1.0 / np.sqrt(D_H)
    emb_W = jax.random.uniform(ks[4], (D_H, D_IN), minval=-s, maxval=s, dtype=jnp.float32)
    conv_W1 = jax.random.uniform(ks[5], (N_CONV, D_H, D_H), minval=-s, maxval=s, dtype=jnp.float32)
    conv_W2 = jax.random.uniform(ks[6], (N_CONV, D_H, D_H), minval=-s, maxval=s, dtype=jnp.float32)
    fc_W = jax.random.uniform(ks[7], (N_FC, D_H, D_H), minval=-s, maxval=s, dtype=jnp.float32)
    fc_b = jnp.zeros((N_FC, D_H), dtype=jnp.float32)
    reg_W = jax.random.uniform(ks[8], (1, D_H), minval=-s, maxval=s, dtype=jnp.float32)
    reg_b = jnp.zeros((1,), dtype=jnp.float32)
    return {"nodes": nodes, "node_counts": node_counts, "edge_sources": edge_sources,
            "edge_targets": edge_targets, "graph_indices": graph_indices, "emb_W": emb_W,
            "conv_W1": conv_W1, "conv_W2": conv_W2, "fc_W": fc_W, "fc_b": fc_b,
            "reg_W": reg_W, "reg_b": reg_b}


def reference(nodes, node_counts, edge_sources, edge_targets, graph_indices,
              emb_W, conv_W1, conv_W2, fc_W, fc_b, reg_W, reg_b):
    # NodeEmbedding: Linear(n_node_feat, n_hidden_feat, bias=False)
    x = nodes @ emb_W.T
    # n_conv GatedGraphConvolution layers (edge network disabled: n_edge_net_layers=0)
    for i in range(N_CONV):
        z1 = x @ conv_W1[i].T
        z2 = jax.nn.softplus(x @ conv_W2[i].T)  # edge_activation on message branch
        gate = jax.nn.sigmoid(z1[edge_sources])  # gather per edge
        msg = gate * z2[edge_sources]
        agg = jax.ops.segment_sum(msg, edge_targets, num_segments=N_NODES)  # scatter-add
        x = x + jax.nn.softplus(agg)  # node_activation + residual (gated update)
    # GraphPooling: mean over nodes of each graph
    pooled = jax.ops.segment_sum(x, graph_indices, num_segments=N_GRAPHS) / node_counts[:, None]
    # n_fc FullConnection layers: Linear + activation
    y = pooled
    for i in range(N_FC):
        y = jax.nn.softplus(y @ fc_W[i].T + fc_b[i])
    # LinearRegression head -> scalar per graph
    out = y @ reg_W.T + reg_b
    return out[:, 0]

if __name__ == "__main__":
    import jax
    _d = setup_inputs()
    print(jax.jit(kernel)(*tuple(_d.values())))

</pallas_src>

<mosaic_0001>
#map = affine_map<(d0, d1) -> (0, 0)>
#map1 = affine_map<(d0, d1) -> (0, 0, 0, 0)>
#map2 = affine_map<(d0, d1) -> (0, 0, 0)>
module attributes {stable_mosaic.version = 14 : i64} {
  func.func @k(%arg0: i32, %arg1: i32, %arg2: memref<10000x128xf32, #tpu.memory_space<hbm>>, %arg3: memref<5376x128xf32, #tpu.memory_space<hbm>>, %arg4: memref<2x16x157x128xi32, #tpu.memory_space<hbm>>, %arg5: memref<2x16x157x128xi32, #tpu.memory_space<hbm>>, %arg6: memref<2x16xi32, #tpu.memory_space<hbm>>, %arg7: memref<2x5376x128xf32, #tpu.memory_space<hbm>>, %arg8: memref<157x128xi32, #tpu.memory_space<vmem>>, %arg9: memref<157x128xi32, #tpu.memory_space<vmem>>, %arg10: memref<128x128xf32, #tpu.memory_space<vmem>>, %arg11: memref<128x128xf32, #tpu.memory_space<vmem>>, %arg12: memref<16xi32, #tpu.memory_space<vmem>>, %arg13: memref<5376x128xf32, #tpu.memory_space<vmem_shared>>, %arg14: memref<!tpu.dma_semaphore, #tpu.memory_space<semaphore_mem>>, %arg15: memref<!tpu.dma_semaphore, #tpu.memory_space<semaphore_mem>>) attributes {dimension_semantics = [#tpu.dimension_semantics<core_parallel>, #tpu.dimension_semantics<subcore_parallel>], iteration_bounds = array<i64: 2, 16>, scalar_prefetch = 0 : i64, scratch_operands = 8 : i64, tpu.core_type = #tpu.core_type<sc_vector_subcore>, window_params = [{transform_indices = #map}, {transform_indices = #map}, {transform_indices = #map1}, {transform_indices = #map1}, {transform_indices = #map}, {transform_indices = #map2}]} {
    %mul3A = arith.constant 336 : i32
    %mul3A_0 = arith.muli %arg1, %mul3A : i32
    "tpu.region"() ({
      %run_scoped3A = tpu.sem_alloc : memref<!tpu.dma_semaphore, #tpu.memory_space<semaphore_mem>>
      %dma_start3A = arith.constant 0 : i32
      %dma_start3A_6 = tpu.memref_slice %arg13[%mul3A_0, %dma_start3A] : memref<5376x128xf32, #tpu.memory_space<vmem_shared>> -> memref<336x128xf32, #tpu.memory_space<vmem_shared>>
      %dma_start3A_7 = arith.constant 0 : i32
      %dma_start3A_8 = tpu.memref_slice %arg3[%mul3A_0, %dma_start3A_7] : memref<5376x128xf32, #tpu.memory_space<hbm>> -> memref<336x128xf32, #tpu.memory_space<hbm>>
      tpu.enqueue_dma source(%dma_start3A_8 : memref<336x128xf32, #tpu.memory_space<hbm>>) target(%dma_start3A_6 : memref<336x128xf32, #tpu.memory_space<vmem_shared>>) target_semaphore(%run_scoped3A : memref<!tpu.dma_semaphore, #tpu.memory_space<semaphore_mem>>)
      %dma_wait3A = arith.constant 0 : i32
      %dma_wait3A_9 = tpu.memref_slice %arg13[%mul3A_0, %dma_wait3A] : memref<5376x128xf32, #tpu.memory_space<vmem_shared>> -> memref<336x128xf32, #tpu.memory_space<vmem_shared>>
      %dma_wait3A_10 = arith.constant 0 : i32
      %dma_wait3A_11 = tpu.memref_slice %arg3[%mul3A_0, %dma_wait3A_10] : memref<5376x128xf32, #tpu.memory_space<hbm>> -> memref<336x128xf32, #tpu.memory_space<hbm>>
      tpu.wait_dma2 semaphore(%run_scoped3A : memref<!tpu.dma_semaphore, #tpu.memory_space<semaphore_mem>>) src(%dma_wait3A_11 : memref<336x128xf32, #tpu.memory_space<hbm>>) dst(%dma_wait3A_9 : memref<336x128xf32, #tpu.memory_space<vmem_shared>>)
      tpu.yield
    }) : () -> ()
    "tpu.region"() ({
      %run_scoped3A = tpu.sem_alloc : memref<!tpu.dma_semaphore, #tpu.memory_space<semaphore_mem>>
      %dma_start3A = arith.constant 0 : i32
      %dma_start3A_6 = arith.constant 0 : i32
      %dma_start3A_7 = tpu.memref_slice %arg4[%arg0, %arg1, %dma_start3A, %dma_start3A_6] : memref<2x16x157x128xi32, #tpu.memory_space<hbm>> -> memref<1x1x157x128xi32, #tpu.memory_space<hbm>>
      %dma_start3A_8 = tpu.memref_squeeze %dma_start3A_7 : memref<1x1x157x128xi32, #tpu.memory_space<hbm>> -> memref<157x128xi32, #tpu.memory_space<hbm>>
      %dma_start3A_9 = arith.constant 0 : i32
      %dma_start3A_10 = arith.constant 0 : i32
      %dma_start3A_11 = tpu.memref_slice %arg4[%arg0, %arg1, %dma_start3A_9, %dma_start3A_10] : memref<2x16x157x128xi32, #tpu.memory_space<hbm>> -> memref<1x1x157x128xi32, #tpu.memory_space<hbm>>
      %dma_start3A_12 = tpu.memref_squeeze %dma_start3A_11 : memref<1x1x157x128xi32, #tpu.memory_space<hbm>> -> memref<157x128xi32, #tpu.memory_space<hbm>>
      tpu.enqueue_dma source(%dma_start3A_12 : memref<157x128xi32, #tpu.memory_space<hbm>>) target(%arg8 : memref<157x128xi32, #tpu.memory_space<vmem>>) target_semaphore(%run_scoped3A : memref<!tpu.dma_semaphore, #tpu.memory_space<semaphore_mem>>)
      %dma_wait3A = arith.constant 0 : i32
      %dma_wait3A_13 = arith.constant 0 : i32
      %dma_wait3A_14 = tpu.memref_slice %arg4[%arg0, %arg1, %dma_wait3A, %dma_wait3A_13] : memref<2x16x157x128xi32, #tpu.memory_space<hbm>> -> memref<1x1x157x128xi32, #tpu.memory_space<hbm>>
      %dma_wait3A_15 = tpu.memref_squeeze %dma_wait3A_14 : memref<1x1x157x128xi32, #tpu.memory_space<hbm>> -> memref<157x128xi32, #tpu.memory_space<hbm>>
      %dma_wait3A_16 = arith.constant 0 : i32
      %dma_wait3A_17 = arith.constant 0 : i32
      %dma_wait3A_18 = tpu.memref_slice %arg4[%arg0, %arg1, %dma_wait3A_16, %dma_wait3A_17] : memref<2x16x157x128xi32, #tpu.memory_space<hbm>> -> memref<1x1x157x128xi32, #tpu.memory_space<hbm>>
      %dma_wait3A_19 = tpu.memref_squeeze %dma_wait3A_18 : memref<1x1x157x128xi32, #tpu.memory_space<hbm>> -> memref<157x128xi32, #tpu.memory_space<hbm>>
      tpu.wait_dma2 semaphore(%run_scoped3A : memref<!tpu.dma_semaphore, #tpu.memory_space<semaphore_mem>>) src(%dma_wait3A_19 : memref<157x128xi32, #tpu.memory_space<hbm>>) dst(%arg8 : memref<157x128xi32, #tpu.memory_space<vmem>>)
      tpu.yield
    }) : () -> ()
    "tpu.region"() ({
      %run_scoped3A = tpu.sem_alloc : memref<!tpu.dma_semaphore, #tpu.memory_space<semaphore_mem>>
      %dma_start3A = arith.constant 0 : i32
      %dma_start3A_6 = arith.constant 0 : i32
      %dma_start3A_7 = tpu.memref_slice %arg5[%arg0, %arg1, %dma_start3A, %dma_start3A_6] : memref<2x16x157x128xi32, #tpu.memory_space<hbm>> -> memref<1x1x157x128xi32, #tpu.memory_space<hbm>>
      %dma_start3A_8 = tpu.memref_squeeze %dma_start3A_7 : memref<1x1x157x128xi32, #tpu.memory_space<hbm>> -> memref<157x128xi32, #tpu.memory_space<hbm>>
      %dma_start3A_9 = arith.constant 0 : i32
      %dma_start3A_10 = arith.constant 0 : i32
      %dma_start3A_11 = tpu.memref_slice %arg5[%arg0, %arg1, %dma_start3A_9, %dma_start3A_10] : memref<2x16x157x128xi32, #tpu.memory_space<hbm>> -> memref<1x1x157x128xi32, #tpu.memory_space<hbm>>
      %dma_start3A_12 = tpu.memref_squeeze %dma_start3A_11 : memref<1x1x157x128xi32, #tpu.memory_space<hbm>> -> memref<157x128xi32, #tpu.memory_space<hbm>>
      tpu.enqueue_dma source(%dma_start3A_12 : memref<157x128xi32, #tpu.memory_space<hbm>>) target(%arg9 : memref<157x128xi32, #tpu.memory_space<vmem>>) target_semaphore(%run_scoped3A : memref<!tpu.dma_semaphore, #tpu.memory_space<semaphore_mem>>)
      %dma_wait3A = arith.constant 0 : i32
      %dma_wait3A_13 = arith.constant 0 : i32
      %dma_wait3A_14 = tpu.memref_slice %arg5[%arg0, %arg1, %dma_wait3A, %dma_wait3A_13] : memref<2x16x157x128xi32, #tpu.memory_space<hbm>> -> memref<1x1x157x128xi32, #tpu.memory_space<hbm>>
      %dma_wait3A_15 = tpu.memref_squeeze %dma_wait3A_14 : memref<1x1x157x128xi32, #tpu.memory_space<hbm>> -> memref<157x128xi32, #tpu.memory_space<hbm>>
      %dma_wait3A_16 = arith.constant 0 : i32
      %dma_wait3A_17 = arith.constant 0 : i32
      %dma_wait3A_18 = tpu.memref_slice %arg5[%arg0, %arg1, %dma_wait3A_16, %dma_wait3A_17] : memref<2x16x157x128xi32, #tpu.memory_space<hbm>> -> memref<1x1x157x128xi32, #tpu.memory_space<hbm>>
      %dma_wait3A_19 = tpu.memref_squeeze %dma_wait3A_18 : memref<1x1x157x128xi32, #tpu.memory_space<hbm>> -> memref<157x128xi32, #tpu.memory_space<hbm>>
      tpu.wait_dma2 semaphore(%run_scoped3A : memref<!tpu.dma_semaphore, #tpu.memory_space<semaphore_mem>>) src(%dma_wait3A_19 : memref<157x128xi32, #tpu.memory_space<hbm>>) dst(%arg9 : memref<157x128xi32, #tpu.memory_space<vmem>>)
      tpu.yield
    }) : () -> ()
    "tpu.region"() ({
      %run_scoped3A = tpu.sem_alloc : memref<!tpu.dma_semaphore, #tpu.memory_space<semaphore_mem>>
      %dma_start3A = arith.constant 0 : i32
      %dma_start3A_6 = tpu.memref_slice %arg6[%arg0, %dma_start3A] : memref<2x16xi32, #tpu.memory_space<hbm>> -> memref<1x16xi32, #tpu.memory_space<hbm>>
      %dma_start3A_7 = tpu.memref_squeeze %dma_start3A_6 : memref<1x16xi32, #tpu.memory_space<hbm>> -> memref<16xi32, #tpu.memory_space<hbm>>
      %dma_start3A_8 = arith.constant 0 : i32
      %dma_start3A_9 = tpu.memref_slice %arg6[%arg0, %dma_start3A_8] : memref<2x16xi32, #tpu.memory_space<hbm>> -> memref<1x16xi32, #tpu.memory_space<hbm>>
      %dma_start3A_10 = tpu.memref_squeeze %dma_start3A_9 : memref<1x16xi32, #tpu.memory_space<hbm>> -> memref<16xi32, #tpu.memory_space<hbm>>
      tpu.enqueue_dma source(%dma_start3A_10 : memref<16xi32, #tpu.memory_space<hbm>>) target(%arg12 : memref<16xi32, #tpu.memory_space<vmem>>) target_semaphore(%run_scoped3A : memref<!tpu.dma_semaphore, #tpu.memory_space<semaphore_mem>>)
      %dma_wait3A = arith.constant 0 : i32
      %dma_wait3A_11 = tpu.memref_slice %arg6[%arg0, %dma_wait3A] : memref<2x16xi32, #tpu.memory_space<hbm>> -> memref<1x16xi32, #tpu.memory_space<hbm>>
      %dma_wait3A_12 = tpu.memref_squeeze %dma_wait3A_11 : memref<1x16xi32, #tpu.memory_space<hbm>> -> memref<16xi32, #tpu.memory_space<hbm>>
      %dma_wait3A_13 = arith.constant 0 : i32
      %dma_wait3A_14 = tpu.memref_slice %arg6[%arg0, %dma_wait3A_13] : memref<2x16xi32, #tpu.memory_space<hbm>> -> memref<1x16xi32, #tpu.memory_space<hbm>>
      %dma_wait3A_15 = tpu.memref_squeeze %dma_wait3A_14 : memref<1x16xi32, #tpu.memory_space<hbm>> -> memref<16xi32, #tpu.memory_space<hbm>>
      tpu.wait_dma2 semaphore(%run_scoped3A : memref<!tpu.dma_semaphore, #tpu.memory_space<semaphore_mem>>) src(%dma_wait3A_15 : memref<16xi32, #tpu.memory_space<hbm>>) dst(%arg12 : memref<16xi32, #tpu.memory_space<vmem>>)
      tpu.yield
    }) : () -> ()
    %get3A = arith.index_cast %arg1 : i32 to index
    %get3A_1 = tpu.vector_load %arg12[%get3A] {strides = array<i32>} : memref<16xi32, #tpu.memory_space<vmem>>, vector<1xi32>,
    %get3A_2 = vector.shape_cast %get3A_1 : vector<1xi32> to vector<1xi32>
    %squeeze3A = vector.extract %get3A_2[0] : i32 from vector<1xi32>
    %barrier3A = arith.constant 0 : index
    tpu.barrier barrier_id(%barrier3A)
    %gt3A = arith.constant 0 : i32
    %gt3A_3 = arith.cmpi sgt, %squeeze3A, %gt3A : i32
    %convert_element_type3A = arith.extui %gt3A_3 : i1 to i32
    %cond3A = arith.constant 0 : i32
    %cond3A_4 = arith.cmpi ne, %convert_element_type3A, %cond3A : i32
    scf.if %cond3A_4 {
      %dma_start3A = arith.constant 0 : i32
      %dma_start3A_6 = arith.constant 0 : i32
      %dma_start3A_7 = tpu.memref_slice %arg8[%dma_start3A, %dma_start3A_6] : memref<157x128xi32, #tpu.memory_space<vmem>> -> memref<1x128xi32, #tpu.memory_space<vmem>>
      %dma_start3A_8 = tpu.memref_squeeze %dma_start3A_7 : memref<1x128xi32, #tpu.memory_space<vmem>> -> memref<128xi32, #tpu.memory_space<vmem>>
      %dma_start3A_9 = arith.constant 0 : i32
      %dma_start3A_10 = arith.constant 0 : i32
      %dma_start3A_11 = tpu.memref_slice %arg2[%dma_start3A_9, %dma_start3A_10] : memref<10000x128xf32, #tpu.memory_space<hbm>> -> memref<10000x128xf32, #tpu.memory_space<hbm>>
      tpu.enqueue_indirect_dma source(%dma_start3A_11 : memref<10000x128xf32, #tpu.memory_space<hbm>>) target(%arg10 : memref<128x128xf32, #tpu.memory_space<vmem>>) offsets(%dma_start3A_8 : memref<128xi32, #tpu.memory_space<vmem>>) semaphore(%arg14 : memref<!tpu.dma_semaphore, #tpu.memory_space<semaphore_mem>>)
      %jit3A = arith.constant 2 : i32
      %div3A = arith.divsi %squeeze3A, %jit3A : i32
      %sign3A = arith.constant 0 : i32
      %sign3A_12 = arith.cmpi sgt, %squeeze3A, %sign3A : i32
      %sign3A_13 = arith.extui %sign3A_12 : i1 to i32
      %sign3A_14 = arith.constant 0 : i32
      %sign3A_15 = arith.cmpi slt, %squeeze3A, %sign3A_14 : i32
      %sign3A_16 = arith.extui %sign3A_15 : i1 to i32
      %sign3A_17 = arith.subi %sign3A_13, %sign3A_16 : i32
      %sign3A_18 = arith.constant 0 : i32
      %sign3A_19 = arith.cmpi sgt, %jit3A, %sign3A_18 : i32
      %sign3A_20 = arith.extui %sign3A_19 : i1 to i32
      %sign3A_21 = arith.constant 0 : i32
      %sign3A_22 = arith.cmpi slt, %jit3A, %sign3A_21 : i32
      %sign3A_23 = arith.extui %sign3A_22 : i1 to i32
      %sign3A_24 = arith.subi %sign3A_20, %sign3A_23 : i32
      %ne3A = arith.cmpi ne, %sign3A_17, %sign3A_24 : i32
      %rem3A = arith.remsi %squeeze3A, %jit3A : i32
      %ne3A_25 = arith.constant 0 : i32
      %ne3A_26 = arith.cmpi ne, %rem3A, %ne3A_25 : i32
      %and3A = arith.andi %ne3A, %ne3A_26 : i1
      %sub3A = arith.constant 1 : i32
      %sub3A_27 = arith.subi %div3A, %sub3A : i32
      %select_n3A = arith.select %and3A, %sub3A_27, %div3A : i32
      %while3A = arith.constant 0 : i32
      %while3A_28 = arith.constant 0 : i32
      %while3A_29 = arith.subi %select_n3A, %while3A_28 : i32
      %while3A_30 = arith.addi %while3A_28, %while3A_29 : i32
      %while3A_31 = arith.constant 1 : i32
      %while3A_32 = arith.divsi %while3A_29, %while3A_31 : i32
      %while3A_33 = arith.muli %while3A_32, %while3A_31 : i32
      %while3A_34 = arith.addi %while3A_28, %while3A_33 : i32
      %while3A_35 = arith.constant 1 : i32
      scf.for %while3A_62 = %while3A_28 to %while3A_34 step %while3A_35  : i32 {
        %mul3A_63 = arith.constant 2 : i32
        %mul3A_64 = arith.muli %mul3A_63, %while3A_62 : i32
        %add3A_65 = arith.constant 1 : i32
        %add3A_66 = arith.addi %mul3A_64, %add3A_65 : i32
        %dma_start3A_67 = arith.constant 0 : i32
        %dma_start3A_68 = tpu.memref_slice %arg8[%add3A_66, %dma_start3A_67] : memref<157x128xi32, #tpu.memory_space<vmem>> -> memref<1x128xi32, #tpu.memory_space<vmem>>
        %dma_start3A_69 = tpu.memref_squeeze %dma_start3A_68 : memref<1x128xi32, #tpu.memory_space<vmem>> -> memref<128xi32, #tpu.memory_space<vmem>>
        %dma_start3A_70 = arith.constant 0 : i32
        %dma_start3A_71 = arith.constant 0 : i32
        %dma_start3A_72 = tpu.memref_slice %arg2[%dma_start3A_70, %dma_start3A_71] : memref<10000x128xf32, #tpu.memory_space<hbm>> -> memref<10000x128xf32, #tpu.memory_space<hbm>>
        tpu.enqueue_indirect_dma source(%dma_start3A_72 : memref<10000x128xf32, #tpu.memory_space<hbm>>) target(%arg11 : memref<128x128xf32, #tpu.memory_space<vmem>>) offsets(%dma_start3A_69 : memref<128xi32, #tpu.memory_space<vmem>>) semaphore(%arg15 : memref<!tpu.dma_semaphore, #tpu.memory_space<semaphore_mem>>)
        %dma_wait3A_73 = arith.constant 0 : i32
        %dma_wait3A_74 = tpu.memref_slice %arg8[%mul3A_64, %dma_wait3A_73] : memref<157x128xi32, #tpu.memory_space<vmem>> -> memref<1x128xi32, #tpu.memory_space<vmem>>
        %dma_wait3A_75 = tpu.memref_squeeze %dma_wait3A_74 : memref<1x128xi32, #tpu.memory_space<vmem>> -> memref<128xi32, #tpu.memory_space<vmem>>
        %dma_wait3A_76 = arith.constant 0 : i32
        %dma_wait3A_77 = arith.constant 0 : i32
        %dma_wait3A_78 = tpu.memref_slice %arg2[%dma_wait3A_76, %dma_wait3A_77] : memref<10000x128xf32, #tpu.memory_space<hbm>> -> memref<10000x128xf32, #tpu.memory_space<hbm>>
        tpu.wait_indirect_dma semaphore(%arg14 : memref<!tpu.dma_semaphore, #tpu.memory_space<semaphore_mem>>) src(%dma_wait3A_78 : memref<10000x128xf32, #tpu.memory_space<hbm>>) dst(%arg10 : memref<128x128xf32, #tpu.memory_space<vmem>>)
        "tpu.region"() ({
          %run_scoped3A = tpu.sem_alloc : memref<!tpu.dma_semaphore, #tpu.memory_space<semaphore_mem>>
          %dma_start3A_99 = arith.constant 0 : i32
          %dma_start3A_100 = tpu.memref_slice %arg9[%mul3A_64, %dma_start3A_99] : memref<157x128xi32, #tpu.memory_space<vmem>> -> memref<1x128xi32, #tpu.memory_space<vmem>>
          %dma_start3A_101 = tpu.memref_squeeze %dma_start3A_100 : memref<1x128xi32, #tpu.memory_space<vmem>> -> memref<128xi32, #tpu.memory_space<vmem>>
          %dma_start3A_102 = arith.constant 0 : i32
          %dma_start3A_103 = arith.constant 0 : i32
          %dma_start3A_104 = tpu.memref_slice %arg13[%dma_start3A_102, %dma_start3A_103] : memref<5376x128xf32, #tpu.memory_space<vmem_shared>> -> memref<5376x128xf32, #tpu.memory_space<vmem_shared>>
          tpu.enqueue_indirect_dma source(%arg10 : memref<128x128xf32, #tpu.memory_space<vmem>>) target(%dma_start3A_104 : memref<5376x128xf32, #tpu.memory_space<vmem_shared>>) offsets(%dma_start3A_101 : memref<128xi32, #tpu.memory_space<vmem>>) semaphore(%run_scoped3A : memref<!tpu.dma_semaphore, #tpu.memory_space<semaphore_mem>>) {add = true}
          %dma_wait3A_105 = arith.constant 0 : i32
          %dma_wait3A_106 = tpu.memref_slice %arg9[%mul3A_64, %dma_wait3A_105] : memref<157x128xi32, #tpu.memory_space<vmem>> -> memref<1x128xi32, #tpu.memory_space<vmem>>
          %dma_wait3A_107 = tpu.memref_squeeze %dma_wait3A_106 : memref<1x128xi32, #tpu.memory_space<vmem>> -> memref<128xi32, #tpu.memory_space<vmem>>
          %dma_wait3A_108 = arith.constant 0 : i32
          %dma_wait3A_109 = arith.constant 0 : i32
          %dma_wait3A_110 = tpu.memref_slice %arg13[%dma_wait3A_108, %dma_wait3A_109] : memref<5376x128xf32, #tpu.memory_space<vmem_shared>> -> memref<5376x128xf32, #tpu.memory_space<vmem_shared>>
          tpu.wait_indirect_dma semaphore(%run_scoped3A : memref<!tpu.dma_semaphore, #tpu.memory_space<semaphore_mem>>) src(%arg10 : memref<128x128xf32, #tpu.memory_space<vmem>>) dst(%dma_wait3A_110 : memref<5376x128xf32, #tpu.memory_space<vmem_shared>>)
          tpu.yield
        }) : () -> ()
        %add3A_79 = arith.constant 2 : i32
        %add3A_80 = arith.addi %mul3A_64, %add3A_79 : i32
        %sub3A_81 = arith.constant 1 : i32
        %sub3A_82 = arith.subi %squeeze3A, %sub3A_81 : i32
        %min3A = arith.minsi %add3A_80, %sub3A_82 : i32
        %dma_start3A_83 = arith.constant 0 : i32
        %dma_start3A_84 = tpu.memref_slice %arg8[%min3A, %dma_start3A_83] : memref<157x128xi32, #tpu.memory_space<vmem>> -> memref<1x128xi32, #tpu.memory_space<vmem>>
        %dma_start3A_85 = tpu.memref_squeeze %dma_start3A_84 : memref<1x128xi32, #tpu.memory_space<vmem>> -> memref<128xi32, #tpu.memory_space<vmem>>
        %dma_start3A_86 = arith.constant 0 : i32
        %dma_start3A_87 = arith.constant 0 : i32
        %dma_start3A_88 = tpu.memref_slice %arg2[%dma_start3A_86, %dma_start3A_87] : memref<10000x128xf32, #tpu.memory_space<hbm>> -> memref<10000x128xf32, #tpu.memory_space<hbm>>
        tpu.enqueue_indirect_dma source(%dma_start3A_88 : memref<10000x128xf32, #tpu.memory_space<hbm>>) target(%arg10 : memref<128x128xf32, #tpu.memory_space<vmem>>) offsets(%dma_start3A_85 : memref<128xi32, #tpu.memory_space<vmem>>) semaphore(%arg14 : memref<!tpu.dma_semaphore, #tpu.memory_space<semaphore_mem>>)
        %add3A_89 = arith.constant 1 : i32
        %add3A_90 = arith.addi %mul3A_64, %add3A_89 : i32
        %dma_wait3A_91 = arith.constant 0 : i32
        %dma_wait3A_92 = tpu.memref_slice %arg8[%add3A_90, %dma_wait3A_91] : memref<157x128xi32, #tpu.memory_space<vmem>> -> memref<1x128xi32, #tpu.memory_space<vmem>>
        %dma_wait3A_93 = tpu.memref_squeeze %dma_wait3A_92 : memref<1x128xi32, #tpu.memory_space<vmem>> -> memref<128xi32, #tpu.memory_space<vmem>>
        %dma_wait3A_94 = arith.constant 0 : i32
        %dma_wait3A_95 = arith.constant 0 : i32
        %dma_wait3A_96 = tpu.memref_slice %arg2[%dma_wait3A_94, %dma_wait3A_95] : memref<10000x128xf32, #tpu.memory_space<hbm>> -> memref<10000x128xf32, #tpu.memory_space<hbm>>
        tpu.wait_indirect_dma semaphore(%arg15 : memref<!tpu.dma_semaphore, #tpu.memory_space<semaphore_mem>>) src(%dma_wait3A_96 : memref<10000x128xf32, #tpu.memory_space<hbm>>) dst(%arg11 : memref<128x128xf32, #tpu.memory_space<vmem>>)
        %add3A_97 = arith.constant 1 : i32
        %add3A_98 = arith.addi %mul3A_64, %add3A_97 : i32
        "tpu.region"() ({
          %run_scoped3A = tpu.sem_alloc : memref<!tpu.dma_semaphore, #tpu.memory_space<semaphore_mem>>
          %dma_start3A_99 = arith.constant 0 : i32
          %dma_start3A_100 = tpu.memref_slice %arg9[%add3A_98, %dma_start3A_99] : memref<157x128xi32, #tpu.memory_space<vmem>> -> memref<1x128xi32, #tpu.memory_space<vmem>>
          %dma_start3A_101 = tpu.memref_squeeze %dma_start3A_100 : memref<1x128xi32, #tpu.memory_space<vmem>> -> memref<128xi32, #tpu.memory_space<vmem>>
          %dma_start3A_102 = arith.constant 0 : i32
          %dma_start3A_103 = arith.constant 0 : i32
          %dma_start3A_104 = tpu.memref_slice %arg13[%dma_start3A_102, %dma_start3A_103] : memref<5376x128xf32, #tpu.memory_space<vmem_shared>> -> memref<5376x128xf32, #tpu.memory_space<vmem_shared>>
          tpu.enqueue_indirect_dma source(%arg11 : memref<128x128xf32, #tpu.memory_space<vmem>>) target(%dma_start3A_104 : memref<5376x128xf32, #tpu.memory_space<vmem_shared>>) offsets(%dma_start3A_101 : memref<128xi32, #tpu.memory_space<vmem>>) semaphore(%run_scoped3A : memref<!tpu.dma_semaphore, #tpu.memory_space<semaphore_mem>>) {add = true}
          %dma_wait3A_105 = arith.constant 0 : i32
          %dma_wait3A_106 = tpu.memref_slice %arg9[%add3A_98, %dma_wait3A_105] : memref<157x128xi32, #tpu.memory_space<vmem>> -> memref<1x128xi32, #tpu.memory_space<vmem>>
          %dma_wait3A_107 = tpu.memref_squeeze %dma_wait3A_106 : memref<1x128xi32, #tpu.memory_space<vmem>> -> memref<128xi32, #tpu.memory_space<vmem>>
          %dma_wait3A_108 = arith.constant 0 : i32
          %dma_wait3A_109 = arith.constant 0 : i32
          %dma_wait3A_110 = tpu.memref_slice %arg13[%dma_wait3A_108, %dma_wait3A_109] : memref<5376x128xf32, #tpu.memory_space<vmem_shared>> -> memref<5376x128xf32, #tpu.memory_space<vmem_shared>>
          tpu.wait_indirect_dma semaphore(%run_scoped3A : memref<!tpu.dma_semaphore, #tpu.memory_space<semaphore_mem>>) src(%arg11 : memref<128x128xf32, #tpu.memory_space<vmem>>) dst(%dma_wait3A_110 : memref<5376x128xf32, #tpu.memory_space<vmem_shared>>)
          tpu.yield
        }) : () -> ()
      }
      %while3A_36 = arith.constant 1 : i32
      scf.for %while3A_62 = %while3A_34 to %while3A_30 step %while3A_36  : i32 {
        %mul3A_63 = arith.constant 2 : i32
        %mul3A_64 = arith.muli %mul3A_63, %while3A_62 : i32
        %add3A_65 = arith.constant 1 : i32
        %add3A_66 = arith.addi %mul3A_64, %add3A_65 : i32
        %dma_start3A_67 = arith.constant 0 : i32
        %dma_start3A_68 = tpu.memref_slice %arg8[%add3A_66, %dma_start3A_67] : memref<157x128xi32, #tpu.memory_space<vmem>> -> memref<1x128xi32, #tpu.memory_space<vmem>>
        %dma_start3A_69 = tpu.memref_squeeze %dma_start3A_68 : memref<1x128xi32, #tpu.memory_space<vmem>> -> memref<128xi32, #tpu.memory_space<vmem>>
        %dma_start3A_70 = arith.constant 0 : i32
        %dma_start3A_71 = arith.constant 0 : i32
        %dma_start3A_72 = tpu.memref_slice %arg2[%dma_start3A_70, %dma_start3A_71] : memref<10000x128xf32, #tpu.memory_space<hbm>> -> memref<10000x128xf32, #tpu.memory_space<hbm>>
        tpu.enqueue_indirect_dma source(%dma_start3A_72 : memref<10000x128xf32, #tpu.memory_space<hbm>>) target(%arg11 : memref<128x128xf32, #tpu.memory_space<vmem>>) offsets(%dma_start3A_69 : memref<128xi32, #tpu.memory_space<vmem>>) semaphore(%arg15 : memref<!tpu.dma_semaphore, #tpu.memory_space<semaphore_mem>>)
        %dma_wait3A_73 = arith.constant 0 : i32
        %dma_wait3A_74 = tpu.memref_slice %arg8[%mul3A_64, %dma_wait3A_73] : memref<157x128xi32, #tpu.memory_space<vmem>> -> memref<1x128xi32, #tpu.memory_space<vmem>>
        %dma_wait3A_75 = tpu.memref_squeeze %dma_wait3A_74 : memref<1x128xi32, #tpu.memory_space<vmem>> -> memref<128xi32, #tpu.memory_space<vmem>>
        %dma_wait3A_76 = arith.constant 0 : i32
        %dma_wait3A_77 = arith.constant 0 : i32
        %dma_wait3A_78 = tpu.memref_slice %arg2[%dma_wait3A_76, %dma_wait3A_77] : memref<10000x128xf32, #tpu.memory_space<hbm>> -> memref<10000x128xf32, #tpu.memory_space<hbm>>
        tpu.wait_indirect_dma semaphore(%arg14 : memref<!tpu.dma_semaphore, #tpu.memory_space<semaphore_mem>>) src(%dma_wait3A_78 : memref<10000x128xf32, #tpu.memory_space<hbm>>) dst(%arg10 : memref<128x128xf32, #tpu.memory_space<vmem>>)
        "tpu.region"() ({
          %run_scoped3A = tpu.sem_alloc : memref<!tpu.dma_semaphore, #tpu.memory_space<semaphore_mem>>
          %dma_start3A_99 = arith.constant 0 : i32
          %dma_start3A_100 = tpu.memref_slice %arg9[%mul3A_64, %dma_start3A_99] : memref<157x128xi32, #tpu.memory_space<vmem>> -> memref<1x128xi32, #tpu.memory_space<vmem>>
          %dma_start3A_101 = tpu.memref_squeeze %dma_start3A_100 : memref<1x128xi32, #tpu.memory_space<vmem>> -> memref<128xi32, #tpu.memory_space<vmem>>
          %dma_start3A_102 = arith.constant 0 : i32
          %dma_start3A_103 = arith.constant 0 : i32
          %dma_start3A_104 = tpu.memref_slice %arg13[%dma_start3A_102, %dma_start3A_103] : memref<5376x128xf32, #tpu.memory_space<vmem_shared>> -> memref<5376x128xf32, #tpu.memory_space<vmem_shared>>
          tpu.enqueue_indirect_dma source(%arg10 : memref<128x128xf32, #tpu.memory_space<vmem>>) target(%dma_start3A_104 : memref<5376x128xf32, #tpu.memory_space<vmem_shared>>) offsets(%dma_start3A_101 : memref<128xi32, #tpu.memory_space<vmem>>) semaphore(%run_scoped3A : memref<!tpu.dma_semaphore, #tpu.memory_space<semaphore_mem>>) {add = true}
          %dma_wait3A_105 = arith.constant 0 : i32
          %dma_wait3A_106 = tpu.memref_slice %arg9[%mul3A_64, %dma_wait3A_105] : memref<157x128xi32, #tpu.memory_space<vmem>> -> memref<1x128xi32, #tpu.memory_space<vmem>>
          %dma_wait3A_107 = tpu.memref_squeeze %dma_wait3A_106 : memref<1x128xi32, #tpu.memory_space<vmem>> -> memref<128xi32, #tpu.memory_space<vmem>>
          %dma_wait3A_108 = arith.constant 0 : i32
          %dma_wait3A_109 = arith.constant 0 : i32
          %dma_wait3A_110 = tpu.memref_slice %arg13[%dma_wait3A_108, %dma_wait3A_109] : memref<5376x128xf32, #tpu.memory_space<vmem_shared>> -> memref<5376x128xf32, #tpu.memory_space<vmem_shared>>
          tpu.wait_indirect_dma semaphore(%run_scoped3A : memref<!tpu.dma_semaphore, #tpu.memory_space<semaphore_mem>>) src(%arg10 : memref<128x128xf32, #tpu.memory_space<vmem>>) dst(%dma_wait3A_110 : memref<5376x128xf32, #tpu.memory_space<vmem_shared>>)
          tpu.yield
        }) : () -> ()
        %add3A_79 = arith.constant 2 : i32
        %add3A_80 = arith.addi %mul3A_64, %add3A_79 : i32
        %sub3A_81 = arith.constant 1 : i32
        %sub3A_82 = arith.subi %squeeze3A, %sub3A_81 : i32
        %min3A = arith.minsi %add3A_80, %sub3A_82 : i32
        %dma_start3A_83 = arith.constant 0 : i32
        %dma_start3A_84 = tpu.memref_slice %arg8[%min3A, %dma_start3A_83] : memref<157x128xi32, #tpu.memory_space<vmem>> -> memref<1x128xi32, #tpu.memory_space<vmem>>
        %dma_start3A_85 = tpu.memref_squeeze %dma_start3A_84 : memref<1x128xi32, #tpu.memory_space<vmem>> -> memref<128xi32, #tpu.memory_space<vmem>>
        %dma_start3A_86 = arith.constant 0 : i32
        %dma_start3A_87 = arith.constant 0 : i32
        %dma_start3A_88 = tpu.memref_slice %arg2[%dma_start3A_86, %dma_start3A_87] : memref<10000x128xf32, #tpu.memory_space<hbm>> -> memref<10000x128xf32, #tpu.memory_space<hbm>>
        tpu.enqueue_indirect_dma source(%dma_start3A_88 : memref<10000x128xf32, #tpu.memory_space<hbm>>) target(%arg10 : memref<128x128xf32, #tpu.memory_space<vmem>>) offsets(%dma_start3A_85 : memref<128xi32, #tpu.memory_space<vmem>>) semaphore(%arg14 : memref<!tpu.dma_semaphore, #tpu.memory_space<semaphore_mem>>)
        %add3A_89 = arith.constant 1 : i32
        %add3A_90 = arith.addi %mul3A_64, %add3A_89 : i32
        %dma_wait3A_91 = arith.constant 0 : i32
        %dma_wait3A_92 = tpu.memref_slice %arg8[%add3A_90, %dma_wait3A_91] : memref<157x128xi32, #tpu.memory_space<vmem>> -> memref<1x128xi32, #tpu.memory_space<vmem>>
        %dma_wait3A_93 = tpu.memref_squeeze %dma_wait3A_92 : memref<1x128xi32, #tpu.memory_space<vmem>> -> memref<128xi32, #tpu.memory_space<vmem>>
        %dma_wait3A_94 = arith.constant 0 : i32
        %dma_wait3A_95 = arith.constant 0 : i32
        %dma_wait3A_96 = tpu.memref_slice %arg2[%dma_wait3A_94, %dma_wait3A_95] : memref<10000x128xf32, #tpu.memory_space<hbm>> -> memref<10000x128xf32, #tpu.memory_space<hbm>>
        tpu.wait_indirect_dma semaphore(%arg15 : memref<!tpu.dma_semaphore, #tpu.memory_space<semaphore_mem>>) src(%dma_wait3A_96 : memref<10000x128xf32, #tpu.memory_space<hbm>>) dst(%arg11 : memref<128x128xf32, #tpu.memory_space<vmem>>)
        %add3A_97 = arith.constant 1 : i32
        %add3A_98 = arith.addi %mul3A_64, %add3A_97 : i32
        "tpu.region"() ({
          %run_scoped3A = tpu.sem_alloc : memref<!tpu.dma_semaphore, #tpu.memory_space<semaphore_mem>>
          %dma_start3A_99 = arith.constant 0 : i32
          %dma_start3A_100 = tpu.memref_slice %arg9[%add3A_98, %dma_start3A_99] : memref<157x128xi32, #tpu.memory_space<vmem>> -> memref<1x128xi32, #tpu.memory_space<vmem>>
          %dma_start3A_101 = tpu.memref_squeeze %dma_start3A_100 : memref<1x128xi32, #tpu.memory_space<vmem>> -> memref<128xi32, #tpu.memory_space<vmem>>
          %dma_start3A_102 = arith.constant 0 : i32
          %dma_start3A_103 = arith.constant 0 : i32
          %dma_start3A_104 = tpu.memref_slice %arg13[%dma_start3A_102, %dma_start3A_103] : memref<5376x128xf32, #tpu.memory_space<vmem_shared>> -> memref<5376x128xf32, #tpu.memory_space<vmem_shared>>
          tpu.enqueue_indirect_dma source(%arg11 : memref<128x128xf32, #tpu.memory_space<vmem>>) target(%dma_start3A_104 : memref<5376x128xf32, #tpu.memory_space<vmem_shared>>) offsets(%dma_start3A_101 : memref<128xi32, #tpu.memory_space<vmem>>) semaphore(%run_scoped3A : memref<!tpu.dma_semaphore, #tpu.memory_space<semaphore_mem>>) {add = true}
          %dma_wait3A_105 = arith.constant 0 : i32
          %dma_wait3A_106 = tpu.memref_slice %arg9[%add3A_98, %dma_wait3A_105] : memref<157x128xi32, #tpu.memory_space<vmem>> -> memref<1x128xi32, #tpu.memory_space<vmem>>
          %dma_wait3A_107 = tpu.memref_squeeze %dma_wait3A_106 : memref<1x128xi32, #tpu.memory_space<vmem>> -> memref<128xi32, #tpu.memory_space<vmem>>
          %dma_wait3A_108 = arith.constant 0 : i32
          %dma_wait3A_109 = arith.constant 0 : i32
          %dma_wait3A_110 = tpu.memref_slice %arg13[%dma_wait3A_108, %dma_wait3A_109] : memref<5376x128xf32, #tpu.memory_space<vmem_shared>> -> memref<5376x128xf32, #tpu.memory_space<vmem_shared>>
          tpu.wait_indirect_dma semaphore(%run_scoped3A : memref<!tpu.dma_semaphore, #tpu.memory_space<semaphore_mem>>) src(%arg11 : memref<128x128xf32, #tpu.memory_space<vmem>>) dst(%dma_wait3A_110 : memref<5376x128xf32, #tpu.memory_space<vmem_shared>>)
          tpu.yield
        }) : () -> ()
      }
      %sub3A_37 = arith.constant 1 : i32
      %sub3A_38 = arith.subi %squeeze3A, %sub3A_37 : i32
      %dma_wait3A = arith.constant 0 : i32
      %dma_wait3A_39 = tpu.memref_slice %arg8[%sub3A_38, %dma_wait3A] : memref<157x128xi32, #tpu.memory_space<vmem>> -> memref<1x128xi32, #tpu.memory_space<vmem>>
      %dma_wait3A_40 = tpu.memref_squeeze %dma_wait3A_39 : memref<1x128xi32, #tpu.memory_space<vmem>> -> memref<128xi32, #tpu.memory_space<vmem>>
      %dma_wait3A_41 = arith.constant 0 : i32
      %dma_wait3A_42 = arith.constant 0 : i32
      %dma_wait3A_43 = tpu.memref_slice %arg2[%dma_wait3A_41, %dma_wait3A_42] : memref<10000x128xf32, #tpu.memory_space<hbm>> -> memref<10000x128xf32, #tpu.memory_space<hbm>>
      tpu.wait_indirect_dma semaphore(%arg14 : memref<!tpu.dma_semaphore, #tpu.memory_space<semaphore_mem>>) src(%dma_wait3A_43 : memref<10000x128xf32, #tpu.memory_space<hbm>>) dst(%arg10 : memref<128x128xf32, #tpu.memory_space<vmem>>)
      %jit3A_44 = arith.constant 2 : i32
      %eq3A = arith.constant 0 : i32
      %eq3A_45 = arith.cmpi eq, %jit3A_44, %eq3A : i32
      %jit3A_46 = arith.constant 1 : i32
      %select_n3A_47 = arith.select %eq3A_45, %jit3A_46, %jit3A_44 : i32
      %rem3A_48 = arith.remsi %squeeze3A, %select_n3A_47 : i32
      %ne3A_49 = arith.constant 0 : i32
      %ne3A_50 = arith.cmpi ne, %rem3A_48, %ne3A_49 : i32
      %lt3A = arith.constant 0 : i32
      %lt3A_51 = arith.cmpi slt, %rem3A_48, %lt3A : i32
      %lt3A_52 = arith.constant 0 : i32
      %lt3A_53 = arith.cmpi slt, %select_n3A_47, %lt3A_52 : i32
      %ne3A_54 = arith.xori %lt3A_51, %lt3A_53 : i1
      %and3A_55 = arith.andi %ne3A_54, %ne3A_50 : i1
      %add3A = arith.addi %rem3A_48, %select_n3A_47 : i32
      %select_n3A_56 = arith.select %and3A_55, %add3A, %rem3A_48 : i32
      %eq3A_57 = arith.constant 1 : i32
      %eq3A_58 = arith.cmpi eq, %select_n3A_56, %eq3A_57 : i32
      %convert_element_type3A_59 = arith.extui %eq3A_58 : i1 to i32
      %cond3A_60 = arith.constant 0 : i32
      %cond3A_61 = arith.cmpi ne, %convert_element_type3A_59, %cond3A_60 : i32
      scf.if %cond3A_61 {
        %sub3A_62 = arith.constant 1 : i32
        %sub3A_63 = arith.subi %squeeze3A, %sub3A_62 : i32
        "tpu.region"() ({
          %run_scoped3A = tpu.sem_alloc : memref<!tpu.dma_semaphore, #tpu.memory_space<semaphore_mem>>
          %dma_start3A_64 = arith.constant 0 : i32
          %dma_start3A_65 = tpu.memref_slice %arg9[%sub3A_63, %dma_start3A_64] : memref<157x128xi32, #tpu.memory_space<vmem>> -> memref<1x128xi32, #tpu.memory_space<vmem>>
          %dma_start3A_66 = tpu.memref_squeeze %dma_start3A_65 : memref<1x128xi32, #tpu.memory_space<vmem>> -> memref<128xi32, #tpu.memory_space<vmem>>
          %dma_start3A_67 = arith.constant 0 : i32
          %dma_start3A_68 = arith.constant 0 : i32
          %dma_start3A_69 = tpu.memref_slice %arg13[%dma_start3A_67, %dma_start3A_68] : memref<5376x128xf32, #tpu.memory_space<vmem_shared>> -> memref<5376x128xf32, #tpu.memory_space<vmem_shared>>
          tpu.enqueue_indirect_dma source(%arg10 : memref<128x128xf32, #tpu.memory_space<vmem>>) target(%dma_start3A_69 : memref<5376x128xf32, #tpu.memory_space<vmem_shared>>) offsets(%dma_start3A_66 : memref<128xi32, #tpu.memory_space<vmem>>) semaphore(%run_scoped3A : memref<!tpu.dma_semaphore, #tpu.memory_space<semaphore_mem>>) {add = true}
          %dma_wait3A_70 = arith.constant 0 : i32
          %dma_wait3A_71 = tpu.memref_slice %arg9[%sub3A_63, %dma_wait3A_70] : memref<157x128xi32, #tpu.memory_space<vmem>> -> memref<1x128xi32, #tpu.memory_space<vmem>>
          %dma_wait3A_72 = tpu.memref_squeeze %dma_wait3A_71 : memref<1x128xi32, #tpu.memory_space<vmem>> -> memref<128xi32, #tpu.memory_space<vmem>>
          %dma_wait3A_73 = arith.constant 0 : i32
          %dma_wait3A_74 = arith.constant 0 : i32
          %dma_wait3A_75 = tpu.memref_slice %arg13[%dma_wait3A_73, %dma_wait3A_74] : memref<5376x128xf32, #tpu.memory_space<vmem_shared>> -> memref<5376x128xf32, #tpu.memory_space<vmem_shared>>
          tpu.wait_indirect_dma semaphore(%run_scoped3A : memref<!tpu.dma_semaphore, #tpu.memory_space<semaphore_mem>>) src(%arg10 : memref<128x128xf32, #tpu.memory_space<vmem>>) dst(%dma_wait3A_75 : memref<5376x128xf32, #tpu.memory_space<vmem_shared>>)
          tpu.yield
        }) : () -> ()
      } else {
      }
    } else {
    }
    %barrier3A_5 = arith.constant 0 : index
    tpu.barrier barrier_id(%barrier3A_5)
    "tpu.region"() ({
      %run_scoped3A = tpu.sem_alloc : memref<!tpu.dma_semaphore, #tpu.memory_space<semaphore_mem>>
      %dma_start3A = arith.constant 0 : i32
      %dma_start3A_6 = arith.constant 0 : i32
      %dma_start3A_7 = tpu.memref_slice %arg7[%arg0, %dma_start3A, %dma_start3A_6] : memref<2x5376x128xf32, #tpu.memory_space<hbm>> -> memref<1x5376x128xf32, #tpu.memory_space<hbm>>
      %dma_start3A_8 = tpu.memref_squeeze %dma_start3A_7 : memref<1x5376x128xf32, #tpu.memory_space<hbm>> -> memref<5376x128xf32, #tpu.memory_space<hbm>>
      %dma_start3A_9 = arith.constant 0 : i32
      %dma_start3A_10 = tpu.memref_slice %dma_start3A_8[%mul3A_0, %dma_start3A_9] : memref<5376x128xf32, #tpu.memory_space<hbm>> -> memref<336x128xf32, #tpu.memory_space<hbm>>
      %dma_start3A_11 = arith.constant 0 : i32
      %dma_start3A_12 = tpu.memref_slice %arg13[%mul3A_0, %dma_start3A_11] : memref<5376x128xf32, #tpu.memory_space<vmem_shared>> -> memref<336x128xf32, #tpu.memory_space<vmem_shared>>
      tpu.enqueue_dma source(%dma_start3A_12 : memref<336x128xf32, #tpu.memory_space<vmem_shared>>) target(%dma_start3A_10 : memref<336x128xf32, #tpu.memory_space<hbm>>) target_semaphore(%run_scoped3A : memref<!tpu.dma_semaphore, #tpu.memory_space<semaphore_mem>>)
      %dma_wait3A = arith.constant 0 : i32
      %dma_wait3A_13 = arith.constant 0 : i32
      %dma_wait3A_14 = tpu.memref_slice %arg7[%arg0, %dma_wait3A, %dma_wait3A_13] : memref<2x5376x128xf32, #tpu.memory_space<hbm>> -> memref<1x5376x128xf32, #tpu.memory_space<hbm>>
      %dma_wait3A_15 = tpu.memref_squeeze %dma_wait3A_14 : memref<1x5376x128xf32, #tpu.memory_space<hbm>> -> memref<5376x128xf32, #tpu.memory_space<hbm>>
      %dma_wait3A_16 = arith.constant 0 : i32
      %dma_wait3A_17 = tpu.memref_slice %dma_wait3A_15[%mul3A_0, %dma_wait3A_16] : memref<5376x128xf32, #tpu.memory_space<hbm>> -> memref<336x128xf32, #tpu.memory_space<hbm>>
      %dma_wait3A_18 = arith.constant 0 : i32
      %dma_wait3A_19 = tpu.memref_slice %arg13[%mul3A_0, %dma_wait3A_18] : memref<5376x128xf32, #tpu.memory_space<vmem_shared>> -> memref<336x128xf32, #tpu.memory_space<vmem_shared>>
      tpu.wait_dma2 semaphore(%run_scoped3A : memref<!tpu.dma_semaphore, #tpu.memory_space<semaphore_mem>>) src(%dma_wait3A_19 : memref<336x128xf32, #tpu.memory_space<vmem_shared>>) dst(%dma_wait3A_17 : memref<336x128xf32, #tpu.memory_space<hbm>>)
      tpu.yield
    }) : () -> ()
    return
  }
}

#map = affine_map<(d0, d1) -> (0, 0)>
#map1 = affine_map<(d0, d1) -> (0, 0, 0, 0)>
#map2 = affine_map<(d0, d1) -> (0, 0, 0)>
module attributes {stable_mosaic.version = 14 : i64} {
  func.func @k(%arg0: i32, %arg1: i32, %arg2: memref<10000x128xf32, #tpu.memory_space<hbm>>, %arg3: memref<5376x128xf32, #tpu.memory_space<hbm>>, %arg4: memref<2x16x157x128xi32, #tpu.memory_space<hbm>>, %arg5: memref<2x16x157x128xi32, #tpu.memory_space<hbm>>, %arg6: memref<2x16xi32, #tpu.memory_space<hbm>>, %arg7: memref<2x5376x128xf32, #tpu.memory_space<hbm>>, %arg8: memref<157x128xi32, #tpu.memory_space<vmem>>, %arg9: memref<157x128xi32, #tpu.memory_space<vmem>>, %arg10: memref<128x128xf32, #tpu.memory_space<vmem>>, %arg11: memref<128x128xf32, #tpu.memory_space<vmem>>, %arg12: memref<16xi32, #tpu.memory_space<vmem>>, %arg13: memref<5376x128xf32, #tpu.memory_space<vmem_shared>>, %arg14: memref<!tpu.dma_semaphore, #tpu.memory_space<semaphore_mem>>, %arg15: memref<!tpu.dma_semaphore, #tpu.memory_space<semaphore_mem>>) attributes {dimension_semantics = [#tpu.dimension_semantics<core_parallel>, #tpu.dimension_semantics<subcore_parallel>], iteration_bounds = array<i64: 2, 16>, scalar_prefetch = 0 : i64, scratch_operands = 8 : i64, tpu.core_type = #tpu.core_type<sc_vector_subcore>, window_params = [{transform_indices = #map}, {transform_indices = #map}, {transform_indices = #map1}, {transform_indices = #map1}, {transform_indices = #map}, {transform_indices = #map2}]} {
    %mul3A = arith.constant 336 : i32
    %mul3A_0 = arith.muli %arg1, %mul3A : i32
    "tpu.region"() ({
      %run_scoped3A = tpu.sem_alloc : memref<!tpu.dma_semaphore, #tpu.memory_space<semaphore_mem>>
      %dma_start3A = arith.constant 0 : i32
      %dma_start3A_6 = tpu.memref_slice %arg13[%mul3A_0, %dma_start3A] : memref<5376x128xf32, #tpu.memory_space<vmem_shared>> -> memref<336x128xf32, #tpu.memory_space<vmem_shared>>
      %dma_start3A_7 = arith.constant 0 : i32
      %dma_start3A_8 = tpu.memref_slice %arg3[%mul3A_0, %dma_start3A_7] : memref<5376x128xf32, #tpu.memory_space<hbm>> -> memref<336x128xf32, #tpu.memory_space<hbm>>
      tpu.enqueue_dma source(%dma_start3A_8 : memref<336x128xf32, #tpu.memory_space<hbm>>) target(%dma_start3A_6 : memref<336x128xf32, #tpu.memory_space<vmem_shared>>) target_semaphore(%run_scoped3A : memref<!tpu.dma_semaphore, #tpu.memory_space<semaphore_mem>>)
      %dma_wait3A = arith.constant 0 : i32
      %dma_wait3A_9 = tpu.memref_slice %arg13[%mul3A_0, %dma_wait3A] : memref<5376x128xf32, #tpu.memory_space<vmem_shared>> -> memref<336x128xf32, #tpu.memory_space<vmem_shared>>
      %dma_wait3A_10 = arith.constant 0 : i32
      %dma_wait3A_11 = tpu.memref_slice %arg3[%mul3A_0, %dma_wait3A_10] : memref<5376x128xf32, #tpu.memory_space<hbm>> -> memref<336x128xf32, #tpu.memory_space<hbm>>
      tpu.wait_dma2 semaphore(%run_scoped3A : memref<!tpu.dma_semaphore, #tpu.memory_space<semaphore_mem>>) src(%dma_wait3A_11 : memref<336x128xf32, #tpu.memory_space<hbm>>) dst(%dma_wait3A_9 : memref<336x128xf32, #tpu.memory_space<vmem_shared>>)
      tpu.yield
    }) : () -> ()
    "tpu.region"() ({
      %run_scoped3A = tpu.sem_alloc : memref<!tpu.dma_semaphore, #tpu.memory_space<semaphore_mem>>
      %dma_start3A = arith.constant 0 : i32
      %dma_start3A_6 = arith.constant 0 : i32
      %dma_start3A_7 = tpu.memref_slice %arg4[%arg0, %arg1, %dma_start3A, %dma_start3A_6] : memref<2x16x157x128xi32, #tpu.memory_space<hbm>> -> memref<1x1x157x128xi32, #tpu.memory_space<hbm>>
      %dma_start3A_8 = tpu.memref_squeeze %dma_start3A_7 : memref<1x1x157x128xi32, #tpu.memory_space<hbm>> -> memref<157x128xi32, #tpu.memory_space<hbm>>
      %dma_start3A_9 = arith.constant 0 : i32
      %dma_start3A_10 = arith.constant 0 : i32
      %dma_start3A_11 = tpu.memref_slice %arg4[%arg0, %arg1, %dma_start3A_9, %dma_start3A_10] : memref<2x16x157x128xi32, #tpu.memory_space<hbm>> -> memref<1x1x157x128xi32, #tpu.memory_space<hbm>>
      %dma_start3A_12 = tpu.memref_squeeze %dma_start3A_11 : memref<1x1x157x128xi32, #tpu.memory_space<hbm>> -> memref<157x128xi32, #tpu.memory_space<hbm>>
      tpu.enqueue_dma source(%dma_start3A_12 : memref<157x128xi32, #tpu.memory_space<hbm>>) target(%arg8 : memref<157x128xi32, #tpu.memory_space<vmem>>) target_semaphore(%run_scoped3A : memref<!tpu.dma_semaphore, #tpu.memory_space<semaphore_mem>>)
      %dma_wait3A = arith.constant 0 : i32
      %dma_wait3A_13 = arith.constant 0 : i32
      %dma_wait3A_14 = tpu.memref_slice %arg4[%arg0, %arg1, %dma_wait3A, %dma_wait3A_13] : memref<2x16x157x128xi32, #tpu.memory_space<hbm>> -> memref<1x1x157x128xi32, #tpu.memory_space<hbm>>
      %dma_wait3A_15 = tpu.memref_squeeze %dma_wait3A_14 : memref<1x1x157x128xi32, #tpu.memory_space<hbm>> -> memref<157x128xi32, #tpu.memory_space<hbm>>
      %dma_wait3A_16 = arith.constant 0 : i32
      %dma_wait3A_17 = arith.constant 0 : i32
      %dma_wait3A_18 = tpu.memref_slice %arg4[%arg0, %arg1, %dma_wait3A_16, %dma_wait3A_17] : memref<2x16x157x128xi32, #tpu.memory_space<hbm>> -> memref<1x1x157x128xi32, #tpu.memory_space<hbm>>
      %dma_wait3A_19 = tpu.memref_squeeze %dma_wait3A_18 : memref<1x1x157x128xi32, #tpu.memory_space<hbm>> -> memref<157x128xi32, #tpu.memory_space<hbm>>
      tpu.wait_dma2 semaphore(%run_scoped3A : memref<!tpu.dma_semaphore, #tpu.memory_space<semaphore_mem>>) src(%dma_wait3A_19 : memref<157x128xi32, #tpu.memory_space<hbm>>) dst(%arg8 : memref<157x128xi32, #tpu.memory_space<vmem>>)
      tpu.yield
    }) : () -> ()
    "tpu.region"() ({
      %run_scoped3A = tpu.sem_alloc : memref<!tpu.dma_semaphore, #tpu.memory_space<semaphore_mem>>
      %dma_start3A = arith.constant 0 : i32
      %dma_start3A_6 = arith.constant 0 : i32
      %dma_start3A_7 = tpu.memref_slice %arg5[%arg0, %arg1, %dma_start3A, %dma_start3A_6] : memref<2x16x157x128xi32, #tpu.memory_space<hbm>> -> memref<1x1x157x128xi32, #tpu.memory_space<hbm>>
      %dma_start3A_8 = tpu.memref_squeeze %dma_start3A_7 : memref<1x1x157x128xi32, #tpu.memory_space<hbm>> -> memref<157x128xi32, #tpu.memory_space<hbm>>
      %dma_start3A_9 = arith.constant 0 : i32
      %dma_start3A_10 = arith.constant 0 : i32
      %dma_start3A_11 = tpu.memref_slice %arg5[%arg0, %arg1, %dma_start3A_9, %dma_start3A_10] : memref<2x16x157x128xi32, #tpu.memory_space<hbm>> -> memref<1x1x157x128xi32, #tpu.memory_space<hbm>>
      %dma_start3A_12 = tpu.memref_squeeze %dma_start3A_11 : memref<1x1x157x128xi32, #tpu.memory_space<hbm>> -> memref<157x128xi32, #tpu.memory_space<hbm>>
      tpu.enqueue_dma source(%dma_start3A_12 : memref<157x128xi32, #tpu.memory_space<hbm>>) target(%arg9 : memref<157x128xi32, #tpu.memory_space<vmem>>) target_semaphore(%run_scoped3A : memref<!tpu.dma_semaphore, #tpu.memory_space<semaphore_mem>>)
      %dma_wait3A = arith.constant 0 : i32
      %dma_wait3A_13 = arith.constant 0 : i32
      %dma_wait3A_14 = tpu.memref_slice %arg5[%arg0, %arg1, %dma_wait3A, %dma_wait3A_13] : memref<2x16x157x128xi32, #tpu.memory_space<hbm>> -> memref<1x1x157x128xi32, #tpu.memory_space<hbm>>
      %dma_wait3A_15 = tpu.memref_squeeze %dma_wait3A_14 : memref<1x1x157x128xi32, #tpu.memory_space<hbm>> -> memref<157x128xi32, #tpu.memory_space<hbm>>
      %dma_wait3A_16 = arith.constant 0 : i32
      %dma_wait3A_17 = arith.constant 0 : i32
      %dma_wait3A_18 = tpu.memref_slice %arg5[%arg0, %arg1, %dma_wait3A_16, %dma_wait3A_17] : memref<2x16x157x128xi32, #tpu.memory_space<hbm>> -> memref<1x1x157x128xi32, #tpu.memory_space<hbm>>
      %dma_wait3A_19 = tpu.memref_squeeze %dma_wait3A_18 : memref<1x1x157x128xi32, #tpu.memory_space<hbm>> -> memref<157x128xi32, #tpu.memory_space<hbm>>
      tpu.wait_dma2 semaphore(%run_scoped3A : memref<!tpu.dma_semaphore, #tpu.memory_space<semaphore_mem>>) src(%dma_wait3A_19 : memref<157x128xi32, #tpu.memory_space<hbm>>) dst(%arg9 : memref<157x128xi32, #tpu.memory_space<vmem>>)
      tpu.yield
    }) : () -> ()
    "tpu.region"() ({
      %run_scoped3A = tpu.sem_alloc : memref<!tpu.dma_semaphore, #tpu.memory_space<semaphore_mem>>
      %dma_start3A = arith.constant 0 : i32
      %dma_start3A_6 = tpu.memref_slice %arg6[%arg0, %dma_start3A] : memref<2x16xi32, #tpu.memory_space<hbm>> -> memref<1x16xi32, #tpu.memory_space<hbm>>
      %dma_start3A_7 = tpu.memref_squeeze %dma_start3A_6 : memref<1x16xi32, #tpu.memory_space<hbm>> -> memref<16xi32, #tpu.memory_space<hbm>>
      %dma_start3A_8 = arith.constant 0 : i32
      %dma_start3A_9 = tpu.memref_slice %arg6[%arg0, %dma_start3A_8] : memref<2x16xi32, #tpu.memory_space<hbm>> -> memref<1x16xi32, #tpu.memory_space<hbm>>
      %dma_start3A_10 = tpu.memref_squeeze %dma_start3A_9 : memref<1x16xi32, #tpu.memory_space<hbm>> -> memref<16xi32, #tpu.memory_space<hbm>>
      tpu.enqueue_dma source(%dma_start3A_10 : memref<16xi32, #tpu.memory_space<hbm>>) target(%arg12 : memref<16xi32, #tpu.memory_space<vmem>>) target_semaphore(%run_scoped3A : memref<!tpu.dma_semaphore, #tpu.memory_space<semaphore_mem>>)
      %dma_wait3A = arith.constant 0 : i32
      %dma_wait3A_11 = tpu.memref_slice %arg6[%arg0, %dma_wait3A] : memref<2x16xi32, #tpu.memory_space<hbm>> -> memref<1x16xi32, #tpu.memory_space<hbm>>
      %dma_wait3A_12 = tpu.memref_squeeze %dma_wait3A_11 : memref<1x16xi32, #tpu.memory_space<hbm>> -> memref<16xi32, #tpu.memory_space<hbm>>
      %dma_wait3A_13 = arith.constant 0 : i32
      %dma_wait3A_14 = tpu.memref_slice %arg6[%arg0, %dma_wait3A_13] : memref<2x16xi32, #tpu.memory_space<hbm>> -> memref<1x16xi32, #tpu.memory_space<hbm>>
      %dma_wait3A_15 = tpu.memref_squeeze %dma_wait3A_14 : memref<1x16xi32, #tpu.memory_space<hbm>> -> memref<16xi32, #tpu.memory_space<hbm>>
      tpu.wait_dma2 semaphore(%run_scoped3A : memref<!tpu.dma_semaphore, #tpu.memory_space<semaphore_mem>>) src(%dma_wait3A_15 : memref<16xi32, #tpu.memory_space<hbm>>) dst(%arg12 : memref<16xi32, #tpu.memory_space<vmem>>)
      tpu.yield
    }) : () -> ()
    %get3A = arith.index_cast %arg1 : i32 to index
    %get3A_1 = tpu.vector_load %arg12[%get3A] {strides = array<i32>} : memref<16xi32, #tpu.memory_space<vmem>>, vector<1xi32>,
    %get3A_2 = vector.shape_cast %get3A_1 : vector<1xi32> to vector<1xi32>
    %squeeze3A = vector.extract %get3A_2[0] : i32 from vector<1xi32>
    %barrier3A = arith.constant 0 : index
    tpu.barrier barrier_id(%barrier3A)
    %gt3A = arith.constant 0 : i32
    %gt3A_3 = arith.cmpi sgt, %squeeze3A, %gt3A : i32
    %convert_element_type3A = arith.extui %gt3A_3 : i1 to i32
    %cond3A = arith.constant 0 : i32
    %cond3A_4 = arith.cmpi ne, %convert_element_type3A, %cond3A : i32
    scf.if %cond3A_4 {
      %dma_start3A = arith.constant 0 : i32
      %dma_start3A_6 = arith.constant 0 : i32
      %dma_start3A_7 = tpu.memref_slice %arg8[%dma_start3A, %dma_start3A_6] : memref<157x128xi32, #tpu.memory_space<vmem>> -> memref<1x128xi32, #tpu.memory_space<vmem>>
      %dma_start3A_8 = tpu.memref_squeeze %dma_start3A_7 : memref<1x128xi32, #tpu.memory_space<vmem>> -> memref<128xi32, #tpu.memory_space<vmem>>
      %dma_start3A_9 = arith.constant 0 : i32
      %dma_start3A_10 = arith.constant 0 : i32
      %dma_start3A_11 = tpu.memref_slice %arg2[%dma_start3A_9, %dma_start3A_10] : memref<10000x128xf32, #tpu.memory_space<hbm>> -> memref<10000x128xf32, #tpu.memory_space<hbm>>
      tpu.enqueue_indirect_dma source(%dma_start3A_11 : memref<10000x128xf32, #tpu.memory_space<hbm>>) target(%arg10 : memref<128x128xf32, #tpu.memory_space<vmem>>) offsets(%dma_start3A_8 : memref<128xi32, #tpu.memory_space<vmem>>) semaphore(%arg14 : memref<!tpu.dma_semaphore, #tpu.memory_space<semaphore_mem>>)
      %jit3A = arith.constant 2 : i32
      %div3A = arith.divsi %squeeze3A, %jit3A : i32
      %sign3A = arith.constant 0 : i32
      %sign3A_12 = arith.cmpi sgt, %squeeze3A, %sign3A : i32
      %sign3A_13 = arith.extui %sign3A_12 : i1 to i32
      %sign3A_14 = arith.constant 0 : i32
      %sign3A_15 = arith.cmpi slt, %squeeze3A, %sign3A_14 : i32
      %sign3A_16 = arith.extui %sign3A_15 : i1 to i32
      %sign3A_17 = arith.subi %sign3A_13, %sign3A_16 : i32
      %sign3A_18 = arith.constant 0 : i32
      %sign3A_19 = arith.cmpi sgt, %jit3A, %sign3A_18 : i32
      %sign3A_20 = arith.extui %sign3A_19 : i1 to i32
      %sign3A_21 = arith.constant 0 : i32
      %sign3A_22 = arith.cmpi slt, %jit3A, %sign3A_21 : i32
      %sign3A_23 = arith.extui %sign3A_22 : i1 to i32
      %sign3A_24 = arith.subi %sign3A_20, %sign3A_23 : i32
      %ne3A = arith.cmpi ne, %sign3A_17, %sign3A_24 : i32
      %rem3A = arith.remsi %squeeze3A, %jit3A : i32
      %ne3A_25 = arith.constant 0 : i32
      %ne3A_26 = arith.cmpi ne, %rem3A, %ne3A_25 : i32
      %and3A = arith.andi %ne3A, %ne3A_26 : i1
      %sub3A = arith.constant 1 : i32
      %sub3A_27 = arith.subi %div3A, %sub3A : i32
      %select_n3A = arith.select %and3A, %sub3A_27, %div3A : i32
      %while3A = arith.constant 0 : i32
      %while3A_28 = arith.constant 0 : i32
      %while3A_29 = arith.subi %select_n3A, %while3A_28 : i32
      %while3A_30 = arith.addi %while3A_28, %while3A_29 : i32
      %while3A_31 = arith.constant 1 : i32
      %while3A_32 = arith.divsi %while3A_29, %while3A_31 : i32
      %while3A_33 = arith.muli %while3A_32, %while3A_31 : i32
      %while3A_34 = arith.addi %while3A_28, %while3A_33 : i32
      %while3A_35 = arith.constant 1 : i32
      scf.for %while3A_62 = %while3A_28 to %while3A_34 step %while3A_35  : i32 {
        %mul3A_63 = arith.constant 2 : i32
        %mul3A_64 = arith.muli %mul3A_63, %while3A_62 : i32
        %add3A_65 = arith.constant 1 : i32
        %add3A_66 = arith.addi %mul3A_64, %add3A_65 : i32
        %dma_start3A_67 = arith.constant 0 : i32
        %dma_start3A_68 = tpu.memref_slice %arg8[%add3A_66, %dma_start3A_67] : memref<157x128xi32, #tpu.memory_space<vmem>> -> memref<1x128xi32, #tpu.memory_space<vmem>>
        %dma_start3A_69 = tpu.memref_squeeze %dma_start3A_68 : memref<1x128xi32, #tpu.memory_space<vmem>> -> memref<128xi32, #tpu.memory_space<vmem>>
        %dma_start3A_70 = arith.constant 0 : i32
        %dma_start3A_71 = arith.constant 0 : i32
        %dma_start3A_72 = tpu.memref_slice %arg2[%dma_start3A_70, %dma_start3A_71] : memref<10000x128xf32, #tpu.memory_space<hbm>> -> memref<10000x128xf32, #tpu.memory_space<hbm>>
        tpu.enqueue_indirect_dma source(%dma_start3A_72 : memref<10000x128xf32, #tpu.memory_space<hbm>>) target(%arg11 : memref<128x128xf32, #tpu.memory_space<vmem>>) offsets(%dma_start3A_69 : memref<128xi32, #tpu.memory_space<vmem>>) semaphore(%arg15 : memref<!tpu.dma_semaphore, #tpu.memory_space<semaphore_mem>>)
        %dma_wait3A_73 = arith.constant 0 : i32
        %dma_wait3A_74 = tpu.memref_slice %arg8[%mul3A_64, %dma_wait3A_73] : memref<157x128xi32, #tpu.memory_space<vmem>> -> memref<1x128xi32, #tpu.memory_space<vmem>>
        %dma_wait3A_75 = tpu.memref_squeeze %dma_wait3A_74 : memref<1x128xi32, #tpu.memory_space<vmem>> -> memref<128xi32, #tpu.memory_space<vmem>>
        %dma_wait3A_76 = arith.constant 0 : i32
        %dma_wait3A_77 = arith.constant 0 : i32
        %dma_wait3A_78 = tpu.memref_slice %arg2[%dma_wait3A_76, %dma_wait3A_77] : memref<10000x128xf32, #tpu.memory_space<hbm>> -> memref<10000x128xf32, #tpu.memory_space<hbm>>
        tpu.wait_indirect_dma semaphore(%arg14 : memref<!tpu.dma_semaphore, #tpu.memory_space<semaphore_mem>>) src(%dma_wait3A_78 : memref<10000x128xf32, #tpu.memory_space<hbm>>) dst(%arg10 : memref<128x128xf32, #tpu.memory_space<vmem>>)
        "tpu.region"() ({
          %run_scoped3A = tpu.sem_alloc : memref<!tpu.dma_semaphore, #tpu.memory_space<semaphore_mem>>
          %dma_start3A_99 = arith.constant 0 : i32
          %dma_start3A_100 = tpu.memref_slice %arg9[%mul3A_64, %dma_start3A_99] : memref<157x128xi32, #tpu.memory_space<vmem>> -> memref<1x128xi32, #tpu.memory_space<vmem>>
          %dma_start3A_101 = tpu.memref_squeeze %dma_start3A_100 : memref<1x128xi32, #tpu.memory_space<vmem>> -> memref<128xi32, #tpu.memory_space<vmem>>
          %dma_start3A_102 = arith.constant 0 : i32
          %dma_start3A_103 = arith.constant 0 : i32
          %dma_start3A_104 = tpu.memref_slice %arg13[%dma_start3A_102, %dma_start3A_103] : memref<5376x128xf32, #tpu.memory_space<vmem_shared>> -> memref<5376x128xf32, #tpu.memory_space<vmem_shared>>
          tpu.enqueue_indirect_dma source(%arg10 : memref<128x128xf32, #tpu.memory_space<vmem>>) target(%dma_start3A_104 : memref<5376x128xf32, #tpu.memory_space<vmem_shared>>) offsets(%dma_start3A_101 : memref<128xi32, #tpu.memory_space<vmem>>) semaphore(%run_scoped3A : memref<!tpu.dma_semaphore, #tpu.memory_space<semaphore_mem>>) {add = true}
          %dma_wait3A_105 = arith.constant 0 : i32
          %dma_wait3A_106 = tpu.memref_slice %arg9[%mul3A_64, %dma_wait3A_105] : memref<157x128xi32, #tpu.memory_space<vmem>> -> memref<1x128xi32, #tpu.memory_space<vmem>>
          %dma_wait3A_107 = tpu.memref_squeeze %dma_wait3A_106 : memref<1x128xi32, #tpu.memory_space<vmem>> -> memref<128xi32, #tpu.memory_space<vmem>>
          %dma_wait3A_108 = arith.constant 0 : i32
          %dma_wait3A_109 = arith.constant 0 : i32
          %dma_wait3A_110 = tpu.memref_slice %arg13[%dma_wait3A_108, %dma_wait3A_109] : memref<5376x128xf32, #tpu.memory_space<vmem_shared>> -> memref<5376x128xf32, #tpu.memory_space<vmem_shared>>
          tpu.wait_indirect_dma semaphore(%run_scoped3A : memref<!tpu.dma_semaphore, #tpu.memory_space<semaphore_mem>>) src(%arg10 : memref<128x128xf32, #tpu.memory_space<vmem>>) dst(%dma_wait3A_110 : memref<5376x128xf32, #tpu.memory_space<vmem_shared>>)
          tpu.yield
        }) : () -> ()
        %add3A_79 = arith.constant 2 : i32
        %add3A_80 = arith.addi %mul3A_64, %add3A_79 : i32
        %sub3A_81 = arith.constant 1 : i32
        %sub3A_82 = arith.subi %squeeze3A, %sub3A_81 : i32
        %min3A = arith.minsi %add3A_80, %sub3A_82 : i32
        %dma_start3A_83 = arith.constant 0 : i32
        %dma_start3A_84 = tpu.memref_slice %arg8[%min3A, %dma_start3A_83] : memref<157x128xi32, #tpu.memory_space<vmem>> -> memref<1x128xi32, #tpu.memory_space<vmem>>
        %dma_start3A_85 = tpu.memref_squeeze %dma_start3A_84 : memref<1x128xi32, #tpu.memory_space<vmem>> -> memref<128xi32, #tpu.memory_space<vmem>>
        %dma_start3A_86 = arith.constant 0 : i32
        %dma_start3A_87 = arith.constant 0 : i32
        %dma_start3A_88 = tpu.memref_slice %arg2[%dma_start3A_86, %dma_start3A_87] : memref<10000x128xf32, #tpu.memory_space<hbm>> -> memref<10000x128xf32, #tpu.memory_space<hbm>>
        tpu.enqueue_indirect_dma source(%dma_start3A_88 : memref<10000x128xf32, #tpu.memory_space<hbm>>) target(%arg10 : memref<128x128xf32, #tpu.memory_space<vmem>>) offsets(%dma_start3A_85 : memref<128xi32, #tpu.memory_space<vmem>>) semaphore(%arg14 : memref<!tpu.dma_semaphore, #tpu.memory_space<semaphore_mem>>)
        %add3A_89 = arith.constant 1 : i32
        %add3A_90 = arith.addi %mul3A_64, %add3A_89 : i32
        %dma_wait3A_91 = arith.constant 0 : i32
        %dma_wait3A_92 = tpu.memref_slice %arg8[%add3A_90, %dma_wait3A_91] : memref<157x128xi32, #tpu.memory_space<vmem>> -> memref<1x128xi32, #tpu.memory_space<vmem>>
        %dma_wait3A_93 = tpu.memref_squeeze %dma_wait3A_92 : memref<1x128xi32, #tpu.memory_space<vmem>> -> memref<128xi32, #tpu.memory_space<vmem>>
        %dma_wait3A_94 = arith.constant 0 : i32
        %dma_wait3A_95 = arith.constant 0 : i32
        %dma_wait3A_96 = tpu.memref_slice %arg2[%dma_wait3A_94, %dma_wait3A_95] : memref<10000x128xf32, #tpu.memory_space<hbm>> -> memref<10000x128xf32, #tpu.memory_space<hbm>>
        tpu.wait_indirect_dma semaphore(%arg15 : memref<!tpu.dma_semaphore, #tpu.memory_space<semaphore_mem>>) src(%dma_wait3A_96 : memref<10000x128xf32, #tpu.memory_space<hbm>>) dst(%arg11 : memref<128x128xf32, #tpu.memory_space<vmem>>)
        %add3A_97 = arith.constant 1 : i32
        %add3A_98 = arith.addi %mul3A_64, %add3A_97 : i32
        "tpu.region"() ({
          %run_scoped3A = tpu.sem_alloc : memref<!tpu.dma_semaphore, #tpu.memory_space<semaphore_mem>>
          %dma_start3A_99 = arith.constant 0 : i32
          %dma_start3A_100 = tpu.memref_slice %arg9[%add3A_98, %dma_start3A_99] : memref<157x128xi32, #tpu.memory_space<vmem>> -> memref<1x128xi32, #tpu.memory_space<vmem>>
          %dma_start3A_101 = tpu.memref_squeeze %dma_start3A_100 : memref<1x128xi32, #tpu.memory_space<vmem>> -> memref<128xi32, #tpu.memory_space<vmem>>
          %dma_start3A_102 = arith.constant 0 : i32
          %dma_start3A_103 = arith.constant 0 : i32
          %dma_start3A_104 = tpu.memref_slice %arg13[%dma_start3A_102, %dma_start3A_103] : memref<5376x128xf32, #tpu.memory_space<vmem_shared>> -> memref<5376x128xf32, #tpu.memory_space<vmem_shared>>
          tpu.enqueue_indirect_dma source(%arg11 : memref<128x128xf32, #tpu.memory_space<vmem>>) target(%dma_start3A_104 : memref<5376x128xf32, #tpu.memory_space<vmem_shared>>) offsets(%dma_start3A_101 : memref<128xi32, #tpu.memory_space<vmem>>) semaphore(%run_scoped3A : memref<!tpu.dma_semaphore, #tpu.memory_space<semaphore_mem>>) {add = true}
          %dma_wait3A_105 = arith.constant 0 : i32
          %dma_wait3A_106 = tpu.memref_slice %arg9[%add3A_98, %dma_wait3A_105] : memref<157x128xi32, #tpu.memory_space<vmem>> -> memref<1x128xi32, #tpu.memory_space<vmem>>
          %dma_wait3A_107 = tpu.memref_squeeze %dma_wait3A_106 : memref<1x128xi32, #tpu.memory_space<vmem>> -> memref<128xi32, #tpu.memory_space<vmem>>
          %dma_wait3A_108 = arith.constant 0 : i32
          %dma_wait3A_109 = arith.constant 0 : i32
          %dma_wait3A_110 = tpu.memref_slice %arg13[%dma_wait3A_108, %dma_wait3A_109] : memref<5376x128xf32, #tpu.memory_space<vmem_shared>> -> memref<5376x128xf32, #tpu.memory_space<vmem_shared>>
          tpu.wait_indirect_dma semaphore(%run_scoped3A : memref<!tpu.dma_semaphore, #tpu.memory_space<semaphore_mem>>) src(%arg11 : memref<128x128xf32, #tpu.memory_space<vmem>>) dst(%dma_wait3A_110 : memref<5376x128xf32, #tpu.memory_space<vmem_shared>>)
          tpu.yield
        }) : () -> ()
      }
      %while3A_36 = arith.constant 1 : i32
      scf.for %while3A_62 = %while3A_34 to %while3A_30 step %while3A_36  : i32 {
        %mul3A_63 = arith.constant 2 : i32
        %mul3A_64 = arith.muli %mul3A_63, %while3A_62 : i32
        %add3A_65 = arith.constant 1 : i32
        %add3A_66 = arith.addi %mul3A_64, %add3A_65 : i32
        %dma_start3A_67 = arith.constant 0 : i32
        %dma_start3A_68 = tpu.memref_slice %arg8[%add3A_66, %dma_start3A_67] : memref<157x128xi32, #tpu.memory_space<vmem>> -> memref<1x128xi32, #tpu.memory_space<vmem>>
        %dma_start3A_69 = tpu.memref_squeeze %dma_start3A_68 : memref<1x128xi32, #tpu.memory_space<vmem>> -> memref<128xi32, #tpu.memory_space<vmem>>
        %dma_start3A_70 = arith.constant 0 : i32
        %dma_start3A_71 = arith.constant 0 : i32
        %dma_start3A_72 = tpu.memref_slice %arg2[%dma_start3A_70, %dma_start3A_71] : memref<10000x128xf32, #tpu.memory_space<hbm>> -> memref<10000x128xf32, #tpu.memory_space<hbm>>
        tpu.enqueue_indirect_dma source(%dma_start3A_72 : memref<10000x128xf32, #tpu.memory_space<hbm>>) target(%arg11 : memref<128x128xf32, #tpu.memory_space<vmem>>) offsets(%dma_start3A_69 : memref<128xi32, #tpu.memory_space<vmem>>) semaphore(%arg15 : memref<!tpu.dma_semaphore, #tpu.memory_space<semaphore_mem>>)
        %dma_wait3A_73 = arith.constant 0 : i32
        %dma_wait3A_74 = tpu.memref_slice %arg8[%mul3A_64, %dma_wait3A_73] : memref<157x128xi32, #tpu.memory_space<vmem>> -> memref<1x128xi32, #tpu.memory_space<vmem>>
        %dma_wait3A_75 = tpu.memref_squeeze %dma_wait3A_74 : memref<1x128xi32, #tpu.memory_space<vmem>> -> memref<128xi32, #tpu.memory_space<vmem>>
        %dma_wait3A_76 = arith.constant 0 : i32
        %dma_wait3A_77 = arith.constant 0 : i32
        %dma_wait3A_78 = tpu.memref_slice %arg2[%dma_wait3A_76, %dma_wait3A_77] : memref<10000x128xf32, #tpu.memory_space<hbm>> -> memref<10000x128xf32, #tpu.memory_space<hbm>>
        tpu.wait_indirect_dma semaphore(%arg14 : memref<!tpu.dma_semaphore, #tpu.memory_space<semaphore_mem>>) src(%dma_wait3A_78 : memref<10000x128xf32, #tpu.memory_space<hbm>>) dst(%arg10 : memref<128x128xf32, #tpu.memory_space<vmem>>)
        "tpu.region"() ({
          %run_scoped3A = tpu.sem_alloc : memref<!tpu.dma_semaphore, #tpu.memory_space<semaphore_mem>>
          %dma_start3A_99 = arith.constant 0 : i32
          %dma_start3A_100 = tpu.memref_slice %arg9[%mul3A_64, %dma_start3A_99] : memref<157x128xi32, #tpu.memory_space<vmem>> -> memref<1x128xi32, #tpu.memory_space<vmem>>
          %dma_start3A_101 = tpu.memref_squeeze %dma_start3A_100 : memref<1x128xi32, #tpu.memory_space<vmem>> -> memref<128xi32, #tpu.memory_space<vmem>>
          %dma_start3A_102 = arith.constant 0 : i32
          %dma_start3A_103 = arith.constant 0 : i32
          %dma_start3A_104 = tpu.memref_slice %arg13[%dma_start3A_102, %dma_start3A_103] : memref<5376x128xf32, #tpu.memory_space<vmem_shared>> -> memref<5376x128xf32, #tpu.memory_space<vmem_shared>>
          tpu.enqueue_indirect_dma source(%arg10 : memref<128x128xf32, #tpu.memory_space<vmem>>) target(%dma_start3A_104 : memref<5376x128xf32, #tpu.memory_space<vmem_shared>>) offsets(%dma_start3A_101 : memref<128xi32, #tpu.memory_space<vmem>>) semaphore(%run_scoped3A : memref<!tpu.dma_semaphore, #tpu.memory_space<semaphore_mem>>) {add = true}
          %dma_wait3A_105 = arith.constant 0 : i32
          %dma_wait3A_106 = tpu.memref_slice %arg9[%mul3A_64, %dma_wait3A_105] : memref<157x128xi32, #tpu.memory_space<vmem>> -> memref<1x128xi32, #tpu.memory_space<vmem>>
          %dma_wait3A_107 = tpu.memref_squeeze %dma_wait3A_106 : memref<1x128xi32, #tpu.memory_space<vmem>> -> memref<128xi32, #tpu.memory_space<vmem>>
          %dma_wait3A_108 = arith.constant 0 : i32
          %dma_wait3A_109 = arith.constant 0 : i32
          %dma_wait3A_110 = tpu.memref_slice %arg13[%dma_wait3A_108, %dma_wait3A_109] : memref<5376x128xf32, #tpu.memory_space<vmem_shared>> -> memref<5376x128xf32, #tpu.memory_space<vmem_shared>>
          tpu.wait_indirect_dma semaphore(%run_scoped3A : memref<!tpu.dma_semaphore, #tpu.memory_space<semaphore_mem>>) src(%arg10 : memref<128x128xf32, #tpu.memory_space<vmem>>) dst(%dma_wait3A_110 : memref<5376x128xf32, #tpu.memory_space<vmem_shared>>)
          tpu.yield
        }) : () -> ()
        %add3A_79 = arith.constant 2 : i32
        %add3A_80 = arith.addi %mul3A_64, %add3A_79 : i32
        %sub3A_81 = arith.constant 1 : i32
        %sub3A_82 = arith.subi %squeeze3A, %sub3A_81 : i32
        %min3A = arith.minsi %add3A_80, %sub3A_82 : i32
        %dma_start3A_83 = arith.constant 0 : i32
        %dma_start3A_84 = tpu.memref_slice %arg8[%min3A, %dma_start3A_83] : memref<157x128xi32, #tpu.memory_space<vmem>> -> memref<1x128xi32, #tpu.memory_space<vmem>>
        %dma_start3A_85 = tpu.memref_squeeze %dma_start3A_84 : memref<1x128xi32, #tpu.memory_space<vmem>> -> memref<128xi32, #tpu.memory_space<vmem>>
        %dma_start3A_86 = arith.constant 0 : i32
        %dma_start3A_87 = arith.constant 0 : i32
        %dma_start3A_88 = tpu.memref_slice %arg2[%dma_start3A_86, %dma_start3A_87] : memref<10000x128xf32, #tpu.memory_space<hbm>> -> memref<10000x128xf32, #tpu.memory_space<hbm>>
        tpu.enqueue_indirect_dma source(%dma_start3A_88 : memref<10000x128xf32, #tpu.memory_space<hbm>>) target(%arg10 : memref<128x128xf32, #tpu.memory_space<vmem>>) offsets(%dma_start3A_85 : memref<128xi32, #tpu.memory_space<vmem>>) semaphore(%arg14 : memref<!tpu.dma_semaphore, #tpu.memory_space<semaphore_mem>>)
        %add3A_89 = arith.constant 1 : i32
        %add3A_90 = arith.addi %mul3A_64, %add3A_89 : i32
        %dma_wait3A_91 = arith.constant 0 : i32
        %dma_wait3A_92 = tpu.memref_slice %arg8[%add3A_90, %dma_wait3A_91] : memref<157x128xi32, #tpu.memory_space<vmem>> -> memref<1x128xi32, #tpu.memory_space<vmem>>
        %dma_wait3A_93 = tpu.memref_squeeze %dma_wait3A_92 : memref<1x128xi32, #tpu.memory_space<vmem>> -> memref<128xi32, #tpu.memory_space<vmem>>
        %dma_wait3A_94 = arith.constant 0 : i32
        %dma_wait3A_95 = arith.constant 0 : i32
        %dma_wait3A_96 = tpu.memref_slice %arg2[%dma_wait3A_94, %dma_wait3A_95] : memref<10000x128xf32, #tpu.memory_space<hbm>> -> memref<10000x128xf32, #tpu.memory_space<hbm>>
        tpu.wait_indirect_dma semaphore(%arg15 : memref<!tpu.dma_semaphore, #tpu.memory_space<semaphore_mem>>) src(%dma_wait3A_96 : memref<10000x128xf32, #tpu.memory_space<hbm>>) dst(%arg11 : memref<128x128xf32, #tpu.memory_space<vmem>>)
        %add3A_97 = arith.constant 1 : i32
        %add3A_98 = arith.addi %mul3A_64, %add3A_97 : i32
        "tpu.region"() ({
          %run_scoped3A = tpu.sem_alloc : memref<!tpu.dma_semaphore, #tpu.memory_space<semaphore_mem>>
          %dma_start3A_99 = arith.constant 0 : i32
          %dma_start3A_100 = tpu.memref_slice %arg9[%add3A_98, %dma_start3A_99] : memref<157x128xi32, #tpu.memory_space<vmem>> -> memref<1x128xi32, #tpu.memory_space<vmem>>
          %dma_start3A_101 = tpu.memref_squeeze %dma_start3A_100 : memref<1x128xi32, #tpu.memory_space<vmem>> -> memref<128xi32, #tpu.memory_space<vmem>>
          %dma_start3A_102 = arith.constant 0 : i32
          %dma_start3A_103 = arith.constant 0 : i32
          %dma_start3A_104 = tpu.memref_slice %arg13[%dma_start3A_102, %dma_start3A_103] : memref<5376x128xf32, #tpu.memory_space<vmem_shared>> -> memref<5376x128xf32, #tpu.memory_space<vmem_shared>>
          tpu.enqueue_indirect_dma source(%arg11 : memref<128x128xf32, #tpu.memory_space<vmem>>) target(%dma_start3A_104 : memref<5376x128xf32, #tpu.memory_space<vmem_shared>>) offsets(%dma_start3A_101 : memref<128xi32, #tpu.memory_space<vmem>>) semaphore(%run_scoped3A : memref<!tpu.dma_semaphore, #tpu.memory_space<semaphore_mem>>) {add = true}
          %dma_wait3A_105 = arith.constant 0 : i32
          %dma_wait3A_106 = tpu.memref_slice %arg9[%add3A_98, %dma_wait3A_105] : memref<157x128xi32, #tpu.memory_space<vmem>> -> memref<1x128xi32, #tpu.memory_space<vmem>>
          %dma_wait3A_107 = tpu.memref_squeeze %dma_wait3A_106 : memref<1x128xi32, #tpu.memory_space<vmem>> -> memref<128xi32, #tpu.memory_space<vmem>>
          %dma_wait3A_108 = arith.constant 0 : i32
          %dma_wait3A_109 = arith.constant 0 : i32
          %dma_wait3A_110 = tpu.memref_slice %arg13[%dma_wait3A_108, %dma_wait3A_109] : memref<5376x128xf32, #tpu.memory_space<vmem_shared>> -> memref<5376x128xf32, #tpu.memory_space<vmem_shared>>
          tpu.wait_indirect_dma semaphore(%run_scoped3A : memref<!tpu.dma_semaphore, #tpu.memory_space<semaphore_mem>>) src(%arg11 : memref<128x128xf32, #tpu.memory_space<vmem>>) dst(%dma_wait3A_110 : memref<5376x128xf32, #tpu.memory_space<vmem_shared>>)
          tpu.yield
        }) : () -> ()
      }
      %sub3A_37 = arith.constant 1 : i32
      %sub3A_38 = arith.subi %squeeze3A, %sub3A_37 : i32
      %dma_wait3A = arith.constant 0 : i32
      %dma_wait3A_39 = tpu.memref_slice %arg8[%sub3A_38, %dma_wait3A] : memref<157x128xi32, #tpu.memory_space<vmem>> -> memref<1x128xi32, #tpu.memory_space<vmem>>
      %dma_wait3A_40 = tpu.memref_squeeze %dma_wait3A_39 : memref<1x128xi32, #tpu.memory_space<vmem>> -> memref<128xi32, #tpu.memory_space<vmem>>
      %dma_wait3A_41 = arith.constant 0 : i32
      %dma_wait3A_42 = arith.constant 0 : i32
      %dma_wait3A_43 = tpu.memref_slice %arg2[%dma_wait3A_41, %dma_wait3A_42] : memref<10000x128xf32, #tpu.memory_space<hbm>> -> memref<10000x128xf32, #tpu.memory_space<hbm>>
      tpu.wait_indirect_dma semaphore(%arg14 : memref<!tpu.dma_semaphore, #tpu.memory_space<semaphore_mem>>) src(%dma_wait3A_43 : memref<10000x128xf32, #tpu.memory_space<hbm>>) dst(%arg10 : memref<128x128xf32, #tpu.memory_space<vmem>>)
      %jit3A_44 = arith.constant 2 : i32
      %eq3A = arith.constant 0 : i32
      %eq3A_45 = arith.cmpi eq, %jit3A_44, %eq3A : i32
      %jit3A_46 = arith.constant 1 : i32
      %select_n3A_47 = arith.select %eq3A_45, %jit3A_46, %jit3A_44 : i32
      %rem3A_48 = arith.remsi %squeeze3A, %select_n3A_47 : i32
      %ne3A_49 = arith.constant 0 : i32
      %ne3A_50 = arith.cmpi ne, %rem3A_48, %ne3A_49 : i32
      %lt3A = arith.constant 0 : i32
      %lt3A_51 = arith.cmpi slt, %rem3A_48, %lt3A : i32
      %lt3A_52 = arith.constant 0 : i32
      %lt3A_53 = arith.cmpi slt, %select_n3A_47, %lt3A_52 : i32
      %ne3A_54 = arith.xori %lt3A_51, %lt3A_53 : i1
      %and3A_55 = arith.andi %ne3A_54, %ne3A_50 : i1
      %add3A = arith.addi %rem3A_48, %select_n3A_47 : i32
      %select_n3A_56 = arith.select %and3A_55, %add3A, %rem3A_48 : i32
      %eq3A_57 = arith.constant 1 : i32
      %eq3A_58 = arith.cmpi eq, %select_n3A_56, %eq3A_57 : i32
      %convert_element_type3A_59 = arith.extui %eq3A_58 : i1 to i32
      %cond3A_60 = arith.constant 0 : i32
      %cond3A_61 = arith.cmpi ne, %convert_element_type3A_59, %cond3A_60 : i32
      scf.if %cond3A_61 {
        %sub3A_62 = arith.constant 1 : i32
        %sub3A_63 = arith.subi %squeeze3A, %sub3A_62 : i32
        "tpu.region"() ({
          %run_scoped3A = tpu.sem_alloc : memref<!tpu.dma_semaphore, #tpu.memory_space<semaphore_mem>>
          %dma_start3A_64 = arith.constant 0 : i32
          %dma_start3A_65 = tpu.memref_slice %arg9[%sub3A_63, %dma_start3A_64] : memref<157x128xi32, #tpu.memory_space<vmem>> -> memref<1x128xi32, #tpu.memory_space<vmem>>
          %dma_start3A_66 = tpu.memref_squeeze %dma_start3A_65 : memref<1x128xi32, #tpu.memory_space<vmem>> -> memref<128xi32, #tpu.memory_space<vmem>>
          %dma_start3A_67 = arith.constant 0 : i32
          %dma_start3A_68 = arith.constant 0 : i32
          %dma_start3A_69 = tpu.memref_slice %arg13[%dma_start3A_67, %dma_start3A_68] : memref<5376x128xf32, #tpu.memory_space<vmem_shared>> -> memref<5376x128xf32, #tpu.memory_space<vmem_shared>>
          tpu.enqueue_indirect_dma source(%arg10 : memref<128x128xf32, #tpu.memory_space<vmem>>) target(%dma_start3A_69 : memref<5376x128xf32, #tpu.memory_space<vmem_shared>>) offsets(%dma_start3A_66 : memref<128xi32, #tpu.memory_space<vmem>>) semaphore(%run_scoped3A : memref<!tpu.dma_semaphore, #tpu.memory_space<semaphore_mem>>) {add = true}
          %dma_wait3A_70 = arith.constant 0 : i32
          %dma_wait3A_71 = tpu.memref_slice %arg9[%sub3A_63, %dma_wait3A_70] : memref<157x128xi32, #tpu.memory_space<vmem>> -> memref<1x128xi32, #tpu.memory_space<vmem>>
          %dma_wait3A_72 = tpu.memref_squeeze %dma_wait3A_71 : memref<1x128xi32, #tpu.memory_space<vmem>> -> memref<128xi32, #tpu.memory_space<vmem>>
          %dma_wait3A_73 = arith.constant 0 : i32
          %dma_wait3A_74 = arith.constant 0 : i32
          %dma_wait3A_75 = tpu.memref_slice %arg13[%dma_wait3A_73, %dma_wait3A_74] : memref<5376x128xf32, #tpu.memory_space<vmem_shared>> -> memref<5376x128xf32, #tpu.memory_space<vmem_shared>>
          tpu.wait_indirect_dma semaphore(%run_scoped3A : memref<!tpu.dma_semaphore, #tpu.memory_space<semaphore_mem>>) src(%arg10 : memref<128x128xf32, #tpu.memory_space<vmem>>) dst(%dma_wait3A_75 : memref<5376x128xf32, #tpu.memory_space<vmem_shared>>)
          tpu.yield
        }) : () -> ()
      } else {
      }
    } else {
    }
    %barrier3A_5 = arith.constant 0 : index
    tpu.barrier barrier_id(%barrier3A_5)
    "tpu.region"() ({
      %run_scoped3A = tpu.sem_alloc : memref<!tpu.dma_semaphore, #tpu.memory_space<semaphore_mem>>
      %dma_start3A = arith.constant 0 : i32
      %dma_start3A_6 = arith.constant 0 : i32
      %dma_start3A_7 = tpu.memref_slice %arg7[%arg0, %dma_start3A, %dma_start3A_6] : memref<2x5376x128xf32, #tpu.memory_space<hbm>> -> memref<1x5376x128xf32, #tpu.memory_space<hbm>>
      %dma_start3A_8 = tpu.memref_squeeze %dma_start3A_7 : memref<1x5376x128xf32, #tpu.memory_space<hbm>> -> memref<5376x128xf32, #tpu.memory_space<hbm>>
      %dma_start3A_9 = arith.constant 0 : i32
      %dma_start3A_10 = tpu.memref_slice %dma_start3A_8[%mul3A_0, %dma_start3A_9] : memref<5376x128xf32, #tpu.memory_space<hbm>> -> memref<336x128xf32, #tpu.memory_space<hbm>>
      %dma_start3A_11 = arith.constant 0 : i32
      %dma_start3A_12 = tpu.memref_slice %arg13[%mul3A_0, %dma_start3A_11] : memref<5376x128xf32, #tpu.memory_space<vmem_shared>> -> memref<336x128xf32, #tpu.memory_space<vmem_shared>>
      tpu.enqueue_dma source(%dma_start3A_12 : memref<336x128xf32, #tpu.memory_space<vmem_shared>>) target(%dma_start3A_10 : memref<336x128xf32, #tpu.memory_space<hbm>>) target_semaphore(%run_scoped3A : memref<!tpu.dma_semaphore, #tpu.memory_space<semaphore_mem>>)
      %dma_wait3A = arith.constant 0 : i32
      %dma_wait3A_13 = arith.constant 0 : i32
      %dma_wait3A_14 = tpu.memref_slice %arg7[%arg0, %dma_wait3A, %dma_wait3A_13] : memref<2x5376x128xf32, #tpu.memory_space<hbm>> -> memref<1x5376x128xf32, #tpu.memory_space<hbm>>
      %dma_wait3A_15 = tpu.memref_squeeze %dma_wait3A_14 : memref<1x5376x128xf32, #tpu.memory_space<hbm>> -> memref<5376x128xf32, #tpu.memory_space<hbm>>
      %dma_wait3A_16 = arith.constant 0 : i32
      %dma_wait3A_17 = tpu.memref_slice %dma_wait3A_15[%mul3A_0, %dma_wait3A_16] : memref<5376x128xf32, #tpu.memory_space<hbm>> -> memref<336x128xf32, #tpu.memory_space<hbm>>
      %dma_wait3A_18 = arith.constant 0 : i32
      %dma_wait3A_19 = tpu.memref_slice %arg13[%mul3A_0, %dma_wait3A_18] : memref<5376x128xf32, #tpu.memory_space<vmem_shared>> -> memref<336x128xf32, #tpu.memory_space<vmem_shared>>
      tpu.wait_dma2 semaphore(%run_scoped3A : memref<!tpu.dma_semaphore, #tpu.memory_space<semaphore_mem>>) src(%dma_wait3A_19 : memref<336x128xf32, #tpu.memory_space<vmem_shared>>) dst(%dma_wait3A_17 : memref<336x128xf32, #tpu.memory_space<hbm>>)
      tpu.yield
    }) : () -> ()
    return
  }
}

#map = affine_map<(d0, d1) -> (0, 0)>
#map1 = affine_map<(d0, d1) -> (0, 0, 0, 0)>
#map2 = affine_map<(d0, d1) -> (0, 0, 0)>
module attributes {stable_mosaic.version = 14 : i64} {
  func.func @k(%arg0: i32, %arg1: i32, %arg2: memref<10000x128xf32, #tpu.memory_space<hbm>>, %arg3: memref<5376x128xf32, #tpu.memory_space<hbm>>, %arg4: memref<2x16x157x128xi32, #tpu.memory_space<hbm>>, %arg5: memref<2x16x157x128xi32, #tpu.memory_space<hbm>>, %arg6: memref<2x16xi32, #tpu.memory_space<hbm>>, %arg7: memref<2x5376x128xf32, #tpu.memory_space<hbm>>, %arg8: memref<157x128xi32, #tpu.memory_space<vmem>>, %arg9: memref<157x128xi32, #tpu.memory_space<vmem>>, %arg10: memref<128x128xf32, #tpu.memory_space<vmem>>, %arg11: memref<128x128xf32, #tpu.memory_space<vmem>>, %arg12: memref<16xi32, #tpu.memory_space<vmem>>, %arg13: memref<5376x128xf32, #tpu.memory_space<vmem_shared>>, %arg14: memref<!tpu.dma_semaphore, #tpu.memory_space<semaphore_mem>>, %arg15: memref<!tpu.dma_semaphore, #tpu.memory_space<semaphore_mem>>) attributes {dimension_semantics = [#tpu.dimension_semantics<core_parallel>, #tpu.dimension_semantics<subcore_parallel>], iteration_bounds = array<i64: 2, 16>, scalar_prefetch = 0 : i64, scratch_operands = 8 : i64, tpu.core_type = #tpu.core_type<sc_vector_subcore>, window_params = [{transform_indices = #map}, {transform_indices = #map}, {transform_indices = #map1}, {transform_indices = #map1}, {transform_indices = #map}, {transform_indices = #map2}]} {
    %mul3A = arith.constant 336 : i32
    %mul3A_0 = arith.muli %arg1, %mul3A : i32
    "tpu.region"() ({
      %run_scoped3A = tpu.sem_alloc : memref<!tpu.dma_semaphore, #tpu.memory_space<semaphore_mem>>
      %dma_start3A = arith.constant 0 : i32
      %dma_start3A_6 = tpu.memref_slice %arg13[%mul3A_0, %dma_start3A] : memref<5376x128xf32, #tpu.memory_space<vmem_shared>> -> memref<336x128xf32, #tpu.memory_space<vmem_shared>>
      %dma_start3A_7 = arith.constant 0 : i32
      %dma_start3A_8 = tpu.memref_slice %arg3[%mul3A_0, %dma_start3A_7] : memref<5376x128xf32, #tpu.memory_space<hbm>> -> memref<336x128xf32, #tpu.memory_space<hbm>>
      tpu.enqueue_dma source(%dma_start3A_8 : memref<336x128xf32, #tpu.memory_space<hbm>>) target(%dma_start3A_6 : memref<336x128xf32, #tpu.memory_space<vmem_shared>>) target_semaphore(%run_scoped3A : memref<!tpu.dma_semaphore, #tpu.memory_space<semaphore_mem>>)
      %dma_wait3A = arith.constant 0 : i32
      %dma_wait3A_9 = tpu.memref_slice %arg13[%mul3A_0, %dma_wait3A] : memref<5376x128xf32, #tpu.memory_space<vmem_shared>> -> memref<336x128xf32, #tpu.memory_space<vmem_shared>>
      %dma_wait3A_10 = arith.constant 0 : i32
      %dma_wait3A_11 = tpu.memref_slice %arg3[%mul3A_0, %dma_wait3A_10] : memref<5376x128xf32, #tpu.memory_space<hbm>> -> memref<336x128xf32, #tpu.memory_space<hbm>>
      tpu.wait_dma2 semaphore(%run_scoped3A : memref<!tpu.dma_semaphore, #tpu.memory_space<semaphore_mem>>) src(%dma_wait3A_11 : memref<336x128xf32, #tpu.memory_space<hbm>>) dst(%dma_wait3A_9 : memref<336x128xf32, #tpu.memory_space<vmem_shared>>)
      tpu.yield
    }) : () -> ()
    "tpu.region"() ({
      %run_scoped3A = tpu.sem_alloc : memref<!tpu.dma_semaphore, #tpu.memory_space<semaphore_mem>>
      %dma_start3A = arith.constant 0 : i32
      %dma_start3A_6 = arith.constant 0 : i32
      %dma_start3A_7 = tpu.memref_slice %arg4[%arg0, %arg1, %dma_start3A, %dma_start3A_6] : memref<2x16x157x128xi32, #tpu.memory_space<hbm>> -> memref<1x1x157x128xi32, #tpu.memory_space<hbm>>
      %dma_start3A_8 = tpu.memref_squeeze %dma_start3A_7 : memref<1x1x157x128xi32, #tpu.memory_space<hbm>> -> memref<157x128xi32, #tpu.memory_space<hbm>>
      %dma_start3A_9 = arith.constant 0 : i32
      %dma_start3A_10 = arith.constant 0 : i32
      %dma_start3A_11 = tpu.memref_slice %arg4[%arg0, %arg1, %dma_start3A_9, %dma_start3A_10] : memref<2x16x157x128xi32, #tpu.memory_space<hbm>> -> memref<1x1x157x128xi32, #tpu.memory_space<hbm>>
      %dma_start3A_12 = tpu.memref_squeeze %dma_start3A_11 : memref<1x1x157x128xi32, #tpu.memory_space<hbm>> -> memref<157x128xi32, #tpu.memory_space<hbm>>
      tpu.enqueue_dma source(%dma_start3A_12 : memref<157x128xi32, #tpu.memory_space<hbm>>) target(%arg8 : memref<157x128xi32, #tpu.memory_space<vmem>>) target_semaphore(%run_scoped3A : memref<!tpu.dma_semaphore, #tpu.memory_space<semaphore_mem>>)
      %dma_wait3A = arith.constant 0 : i32
      %dma_wait3A_13 = arith.constant 0 : i32
      %dma_wait3A_14 = tpu.memref_slice %arg4[%arg0, %arg1, %dma_wait3A, %dma_wait3A_13] : memref<2x16x157x128xi32, #tpu.memory_space<hbm>> -> memref<1x1x157x128xi32, #tpu.memory_space<hbm>>
      %dma_wait3A_15 = tpu.memref_squeeze %dma_wait3A_14 : memref<1x1x157x128xi32, #tpu.memory_space<hbm>> -> memref<157x128xi32, #tpu.memory_space<hbm>>
      %dma_wait3A_16 = arith.constant 0 : i32
      %dma_wait3A_17 = arith.constant 0 : i32
      %dma_wait3A_18 = tpu.memref_slice %arg4[%arg0, %arg1, %dma_wait3A_16, %dma_wait3A_17] : memref<2x16x157x128xi32, #tpu.memory_space<hbm>> -> memref<1x1x157x128xi32, #tpu.memory_space<hbm>>
      %dma_wait3A_19 = tpu.memref_squeeze %dma_wait3A_18 : memref<1x1x157x128xi32, #tpu.memory_space<hbm>> -> memref<157x128xi32, #tpu.memory_space<hbm>>
      tpu.wait_dma2 semaphore(%run_scoped3A : memref<!tpu.dma_semaphore, #tpu.memory_space<semaphore_mem>>) src(%dma_wait3A_19 : memref<157x128xi32, #tpu.memory_space<hbm>>) dst(%arg8 : memref<157x128xi32, #tpu.memory_space<vmem>>)
      tpu.yield
    }) : () -> ()
    "tpu.region"() ({
      %run_scoped3A = tpu.sem_alloc : memref<!tpu.dma_semaphore, #tpu.memory_space<semaphore_mem>>
      %dma_start3A = arith.constant 0 : i32
      %dma_start3A_6 = arith.constant 0 : i32
      %dma_start3A_7 = tpu.memref_slice %arg5[%arg0, %arg1, %dma_start3A, %dma_start3A_6] : memref<2x16x157x128xi32, #tpu.memory_space<hbm>> -> memref<1x1x157x128xi32, #tpu.memory_space<hbm>>
      %dma_start3A_8 = tpu.memref_squeeze %dma_start3A_7 : memref<1x1x157x128xi32, #tpu.memory_space<hbm>> -> memref<157x128xi32, #tpu.memory_space<hbm>>
      %dma_start3A_9 = arith.constant 0 : i32
      %dma_start3A_10 = arith.constant 0 : i32
      %dma_start3A_11 = tpu.memref_slice %arg5[%arg0, %arg1, %dma_start3A_9, %dma_start3A_10] : memref<2x16x157x128xi32, #tpu.memory_space<hbm>> -> memref<1x1x157x128xi32, #tpu.memory_space<hbm>>
      %dma_start3A_12 = tpu.memref_squeeze %dma_start3A_11 : memref<1x1x157x128xi32, #tpu.memory_space<hbm>> -> memref<157x128xi32, #tpu.memory_space<hbm>>
      tpu.enqueue_dma source(%dma_start3A_12 : memref<157x128xi32, #tpu.memory_space<hbm>>) target(%arg9 : memref<157x128xi32, #tpu.memory_space<vmem>>) target_semaphore(%run_scoped3A : memref<!tpu.dma_semaphore, #tpu.memory_space<semaphore_mem>>)
      %dma_wait3A = arith.constant 0 : i32
      %dma_wait3A_13 = arith.constant 0 : i32
      %dma_wait3A_14 = tpu.memref_slice %arg5[%arg0, %arg1, %dma_wait3A, %dma_wait3A_13] : memref<2x16x157x128xi32, #tpu.memory_space<hbm>> -> memref<1x1x157x128xi32, #tpu.memory_space<hbm>>
      %dma_wait3A_15 = tpu.memref_squeeze %dma_wait3A_14 : memref<1x1x157x128xi32, #tpu.memory_space<hbm>> -> memref<157x128xi32, #tpu.memory_space<hbm>>
      %dma_wait3A_16 = arith.constant 0 : i32
      %dma_wait3A_17 = arith.constant 0 : i32
      %dma_wait3A_18 = tpu.memref_slice %arg5[%arg0, %arg1, %dma_wait3A_16, %dma_wait3A_17] : memref<2x16x157x128xi32, #tpu.memory_space<hbm>> -> memref<1x1x157x128xi32, #tpu.memory_space<hbm>>
      %dma_wait3A_19 = tpu.memref_squeeze %dma_wait3A_18 : memref<1x1x157x128xi32, #tpu.memory_space<hbm>> -> memref<157x128xi32, #tpu.memory_space<hbm>>
      tpu.wait_dma2 semaphore(%run_scoped3A : memref<!tpu.dma_semaphore, #tpu.memory_space<semaphore_mem>>) src(%dma_wait3A_19 : memref<157x128xi32, #tpu.memory_space<hbm>>) dst(%arg9 : memref<157x128xi32, #tpu.memory_space<vmem>>)
      tpu.yield
    }) : () -> ()
    "tpu.region"() ({
      %run_scoped3A = tpu.sem_alloc : memref<!tpu.dma_semaphore, #tpu.memory_space<semaphore_mem>>
      %dma_start3A = arith.constant 0 : i32
      %dma_start3A_6 = tpu.memref_slice %arg6[%arg0, %dma_start3A] : memref<2x16xi32, #tpu.memory_space<hbm>> -> memref<1x16xi32, #tpu.memory_space<hbm>>
      %dma_start3A_7 = tpu.memref_squeeze %dma_start3A_6 : memref<1x16xi32, #tpu.memory_space<hbm>> -> memref<16xi32, #tpu.memory_space<hbm>>
      %dma_start3A_8 = arith.constant 0 : i32
      %dma_start3A_9 = tpu.memref_slice %arg6[%arg0, %dma_start3A_8] : memref<2x16xi32, #tpu.memory_space<hbm>> -> memref<1x16xi32, #tpu.memory_space<hbm>>
      %dma_start3A_10 = tpu.memref_squeeze %dma_start3A_9 : memref<1x16xi32, #tpu.memory_space<hbm>> -> memref<16xi32, #tpu.memory_space<hbm>>
      tpu.enqueue_dma source(%dma_start3A_10 : memref<16xi32, #tpu.memory_space<hbm>>) target(%arg12 : memref<16xi32, #tpu.memory_space<vmem>>) target_semaphore(%run_scoped3A : memref<!tpu.dma_semaphore, #tpu.memory_space<semaphore_mem>>)
      %dma_wait3A = arith.constant 0 : i32
      %dma_wait3A_11 = tpu.memref_slice %arg6[%arg0, %dma_wait3A] : memref<2x16xi32, #tpu.memory_space<hbm>> -> memref<1x16xi32, #tpu.memory_space<hbm>>
      %dma_wait3A_12 = tpu.memref_squeeze %dma_wait3A_11 : memref<1x16xi32, #tpu.memory_space<hbm>> -> memref<16xi32, #tpu.memory_space<hbm>>
      %dma_wait3A_13 = arith.constant 0 : i32
      %dma_wait3A_14 = tpu.memref_slice %arg6[%arg0, %dma_wait3A_13] : memref<2x16xi32, #tpu.memory_space<hbm>> -> memref<1x16xi32, #tpu.memory_space<hbm>>
      %dma_wait3A_15 = tpu.memref_squeeze %dma_wait3A_14 : memref<1x16xi32, #tpu.memory_space<hbm>> -> memref<16xi32, #tpu.memory_space<hbm>>
      tpu.wait_dma2 semaphore(%run_scoped3A : memref<!tpu.dma_semaphore, #tpu.memory_space<semaphore_mem>>) src(%dma_wait3A_15 : memref<16xi32, #tpu.memory_space<hbm>>) dst(%arg12 : memref<16xi32, #tpu.memory_space<vmem>>)
      tpu.yield
    }) : () -> ()
    %get3A = arith.index_cast %arg1 : i32 to index
    %get3A_1 = tpu.vector_load %arg12[%get3A] {strides = array<i32>} : memref<16xi32, #tpu.memory_space<vmem>>, vector<1xi32>,
    %get3A_2 = vector.shape_cast %get3A_1 : vector<1xi32> to vector<1xi32>
    %squeeze3A = vector.extract %get3A_2[0] : i32 from vector<1xi32>
    %barrier3A = arith.constant 0 : index
    tpu.barrier barrier_id(%barrier3A)
    %gt3A = arith.constant 0 : i32
    %gt3A_3 = arith.cmpi sgt, %squeeze3A, %gt3A : i32
    %convert_element_type3A = arith.extui %gt3A_3 : i1 to i32
    %cond3A = arith.constant 0 : i32
    %cond3A_4 = arith.cmpi ne, %convert_element_type3A, %cond3A : i32
    scf.if %cond3A_4 {
      %dma_start3A = arith.constant 0 : i32
      %dma_start3A_6 = arith.constant 0 : i32
      %dma_start3A_7 = tpu.memref_slice %arg8[%dma_start3A, %dma_start3A_6] : memref<157x128xi32, #tpu.memory_space<vmem>> -> memref<1x128xi32, #tpu.memory_space<vmem>>
      %dma_start3A_8 = tpu.memref_squeeze %dma_start3A_7 : memref<1x128xi32, #tpu.memory_space<vmem>> -> memref<128xi32, #tpu.memory_space<vmem>>
      %dma_start3A_9 = arith.constant 0 : i32
      %dma_start3A_10 = arith.constant 0 : i32
      %dma_start3A_11 = tpu.memref_slice %arg2[%dma_start3A_9, %dma_start3A_10] : memref<10000x128xf32, #tpu.memory_space<hbm>> -> memref<10000x128xf32, #tpu.memory_space<hbm>>
      tpu.enqueue_indirect_dma source(%dma_start3A_11 : memref<10000x128xf32, #tpu.memory_space<hbm>>) target(%arg10 : memref<128x128xf32, #tpu.memory_space<vmem>>) offsets(%dma_start3A_8 : memref<128xi32, #tpu.memory_space<vmem>>) semaphore(%arg14 : memref<!tpu.dma_semaphore, #tpu.memory_space<semaphore_mem>>)
      %jit3A = arith.constant 2 : i32
      %div3A = arith.divsi %squeeze3A, %jit3A : i32
      %sign3A = arith.constant 0 : i32
      %sign3A_12 = arith.cmpi sgt, %squeeze3A, %sign3A : i32
      %sign3A_13 = arith.extui %sign3A_12 : i1 to i32
      %sign3A_14 = arith.constant 0 : i32
      %sign3A_15 = arith.cmpi slt, %squeeze3A, %sign3A_14 : i32
      %sign3A_16 = arith.extui %sign3A_15 : i1 to i32
      %sign3A_17 = arith.subi %sign3A_13, %sign3A_16 : i32
      %sign3A_18 = arith.constant 0 : i32
      %sign3A_19 = arith.cmpi sgt, %jit3A, %sign3A_18 : i32
      %sign3A_20 = arith.extui %sign3A_19 : i1 to i32
      %sign3A_21 = arith.constant 0 : i32
      %sign3A_22 = arith.cmpi slt, %jit3A, %sign3A_21 : i32
      %sign3A_23 = arith.extui %sign3A_22 : i1 to i32
      %sign3A_24 = arith.subi %sign3A_20, %sign3A_23 : i32
      %ne3A = arith.cmpi ne, %sign3A_17, %sign3A_24 : i32
      %rem3A = arith.remsi %squeeze3A, %jit3A : i32
      %ne3A_25 = arith.constant 0 : i32
      %ne3A_26 = arith.cmpi ne, %rem3A, %ne3A_25 : i32
      %and3A = arith.andi %ne3A, %ne3A_26 : i1
      %sub3A = arith.constant 1 : i32
      %sub3A_27 = arith.subi %div3A, %sub3A : i32
      %select_n3A = arith.select %and3A, %sub3A_27, %div3A : i32
      %while3A = arith.constant 0 : i32
      %while3A_28 = arith.constant 0 : i32
      %while3A_29 = arith.subi %select_n3A, %while3A_28 : i32
      %while3A_30 = arith.addi %while3A_28, %while3A_29 : i32
      %while3A_31 = arith.constant 1 : i32
      %while3A_32 = arith.divsi %while3A_29, %while3A_31 : i32
      %while3A_33 = arith.muli %while3A_32, %while3A_31 : i32
      %while3A_34 = arith.addi %while3A_28, %while3A_33 : i32
      %while3A_35 = arith.constant 1 : i32
      scf.for %while3A_62 = %while3A_28 to %while3A_34 step %while3A_35  : i32 {
        %mul3A_63 = arith.constant 2 : i32
        %mul3A_64 = arith.muli %mul3A_63, %while3A_62 : i32
        %add3A_65 = arith.constant 1 : i32
        %add3A_66 = arith.addi %mul3A_64, %add3A_65 : i32
        %dma_start3A_67 = arith.constant 0 : i32
        %dma_start3A_68 = tpu.memref_slice %arg8[%add3A_66, %dma_start3A_67] : memref<157x128xi32, #tpu.memory_space<vmem>> -> memref<1x128xi32, #tpu.memory_space<vmem>>
        %dma_start3A_69 = tpu.memref_squeeze %dma_start3A_68 : memref<1x128xi32, #tpu.memory_space<vmem>> -> memref<128xi32, #tpu.memory_space<vmem>>
        %dma_start3A_70 = arith.constant 0 : i32
        %dma_start3A_71 = arith.constant 0 : i32
        %dma_start3A_72 = tpu.memref_slice %arg2[%dma_start3A_70, %dma_start3A_71] : memref<10000x128xf32, #tpu.memory_space<hbm>> -> memref<10000x128xf32, #tpu.memory_space<hbm>>
        tpu.enqueue_indirect_dma source(%dma_start3A_72 : memref<10000x128xf32, #tpu.memory_space<hbm>>) target(%arg11 : memref<128x128xf32, #tpu.memory_space<vmem>>) offsets(%dma_start3A_69 : memref<128xi32, #tpu.memory_space<vmem>>) semaphore(%arg15 : memref<!tpu.dma_semaphore, #tpu.memory_space<semaphore_mem>>)
        %dma_wait3A_73 = arith.constant 0 : i32
        %dma_wait3A_74 = tpu.memref_slice %arg8[%mul3A_64, %dma_wait3A_73] : memref<157x128xi32, #tpu.memory_space<vmem>> -> memref<1x128xi32, #tpu.memory_space<vmem>>
        %dma_wait3A_75 = tpu.memref_squeeze %dma_wait3A_74 : memref<1x128xi32, #tpu.memory_space<vmem>> -> memref<128xi32, #tpu.memory_space<vmem>>
        %dma_wait3A_76 = arith.constant 0 : i32
        %dma_wait3A_77 = arith.constant 0 : i32
        %dma_wait3A_78 = tpu.memref_slice %arg2[%dma_wait3A_76, %dma_wait3A_77] : memref<10000x128xf32, #tpu.memory_space<hbm>> -> memref<10000x128xf32, #tpu.memory_space<hbm>>
        tpu.wait_indirect_dma semaphore(%arg14 : memref<!tpu.dma_semaphore, #tpu.memory_space<semaphore_mem>>) src(%dma_wait3A_78 : memref<10000x128xf32, #tpu.memory_space<hbm>>) dst(%arg10 : memref<128x128xf32, #tpu.memory_space<vmem>>)
        "tpu.region"() ({
          %run_scoped3A = tpu.sem_alloc : memref<!tpu.dma_semaphore, #tpu.memory_space<semaphore_mem>>
          %dma_start3A_99 = arith.constant 0 : i32
          %dma_start3A_100 = tpu.memref_slice %arg9[%mul3A_64, %dma_start3A_99] : memref<157x128xi32, #tpu.memory_space<vmem>> -> memref<1x128xi32, #tpu.memory_space<vmem>>
          %dma_start3A_101 = tpu.memref_squeeze %dma_start3A_100 : memref<1x128xi32, #tpu.memory_space<vmem>> -> memref<128xi32, #tpu.memory_space<vmem>>
          %dma_start3A_102 = arith.constant 0 : i32
          %dma_start3A_103 = arith.constant 0 : i32
          %dma_start3A_104 = tpu.memref_slice %arg13[%dma_start3A_102, %dma_start3A_103] : memref<5376x128xf32, #tpu.memory_space<vmem_shared>> -> memref<5376x128xf32, #tpu.memory_space<vmem_shared>>
          tpu.enqueue_indirect_dma source(%arg10 : memref<128x128xf32, #tpu.memory_space<vmem>>) target(%dma_start3A_104 : memref<5376x128xf32, #tpu.memory_space<vmem_shared>>) offsets(%dma_start3A_101 : memref<128xi32, #tpu.memory_space<vmem>>) semaphore(%run_scoped3A : memref<!tpu.dma_semaphore, #tpu.memory_space<semaphore_mem>>) {add = true}
          %dma_wait3A_105 = arith.constant 0 : i32
          %dma_wait3A_106 = tpu.memref_slice %arg9[%mul3A_64, %dma_wait3A_105] : memref<157x128xi32, #tpu.memory_space<vmem>> -> memref<1x128xi32, #tpu.memory_space<vmem>>
          %dma_wait3A_107 = tpu.memref_squeeze %dma_wait3A_106 : memref<1x128xi32, #tpu.memory_space<vmem>> -> memref<128xi32, #tpu.memory_space<vmem>>
          %dma_wait3A_108 = arith.constant 0 : i32
          %dma_wait3A_109 = arith.constant 0 : i32
          %dma_wait3A_110 = tpu.memref_slice %arg13[%dma_wait3A_108, %dma_wait3A_109] : memref<5376x128xf32, #tpu.memory_space<vmem_shared>> -> memref<5376x128xf32, #tpu.memory_space<vmem_shared>>
          tpu.wait_indirect_dma semaphore(%run_scoped3A : memref<!tpu.dma_semaphore, #tpu.memory_space<semaphore_mem>>) src(%arg10 : memref<128x128xf32, #tpu.memory_space<vmem>>) dst(%dma_wait3A_110 : memref<5376x128xf32, #tpu.memory_space<vmem_shared>>)
          tpu.yield
        }) : () -> ()
        %add3A_79 = arith.constant 2 : i32
        %add3A_80 = arith.addi %mul3A_64, %add3A_79 : i32
        %sub3A_81 = arith.constant 1 : i32
        %sub3A_82 = arith.subi %squeeze3A, %sub3A_81 : i32
        %min3A = arith.minsi %add3A_80, %sub3A_82 : i32
        %dma_start3A_83 = arith.constant 0 : i32
        %dma_start3A_84 = tpu.memref_slice %arg8[%min3A, %dma_start3A_83] : memref<157x128xi32, #tpu.memory_space<vmem>> -> memref<1x128xi32, #tpu.memory_space<vmem>>
        %dma_start3A_85 = tpu.memref_squeeze %dma_start3A_84 : memref<1x128xi32, #tpu.memory_space<vmem>> -> memref<128xi32, #tpu.memory_space<vmem>>
        %dma_start3A_86 = arith.constant 0 : i32
        %dma_start3A_87 = arith.constant 0 : i32
        %dma_start3A_88 = tpu.memref_slice %arg2[%dma_start3A_86, %dma_start3A_87] : memref<10000x128xf32, #tpu.memory_space<hbm>> -> memref<10000x128xf32, #tpu.memory_space<hbm>>
        tpu.enqueue_indirect_dma source(%dma_start3A_88 : memref<10000x128xf32, #tpu.memory_space<hbm>>) target(%arg10 : memref<128x128xf32, #tpu.memory_space<vmem>>) offsets(%dma_start3A_85 : memref<128xi32, #tpu.memory_space<vmem>>) semaphore(%arg14 : memref<!tpu.dma_semaphore, #tpu.memory_space<semaphore_mem>>)
        %add3A_89 = arith.constant 1 : i32
        %add3A_90 = arith.addi %mul3A_64, %add3A_89 : i32
        %dma_wait3A_91 = arith.constant 0 : i32
        %dma_wait3A_92 = tpu.memref_slice %arg8[%add3A_90, %dma_wait3A_91] : memref<157x128xi32, #tpu.memory_space<vmem>> -> memref<1x128xi32, #tpu.memory_space<vmem>>
        %dma_wait3A_93 = tpu.memref_squeeze %dma_wait3A_92 : memref<1x128xi32, #tpu.memory_space<vmem>> -> memref<128xi32, #tpu.memory_space<vmem>>
        %dma_wait3A_94 = arith.constant 0 : i32
        %dma_wait3A_95 = arith.constant 0 : i32
        %dma_wait3A_96 = tpu.memref_slice %arg2[%dma_wait3A_94, %dma_wait3A_95] : memref<10000x128xf32, #tpu.memory_space<hbm>> -> memref<10000x128xf32, #tpu.memory_space<hbm>>
        tpu.wait_indirect_dma semaphore(%arg15 : memref<!tpu.dma_semaphore, #tpu.memory_space<semaphore_mem>>) src(%dma_wait3A_96 : memref<10000x128xf32, #tpu.memory_space<hbm>>) dst(%arg11 : memref<128x128xf32, #tpu.memory_space<vmem>>)
        %add3A_97 = arith.constant 1 : i32
        %add3A_98 = arith.addi %mul3A_64, %add3A_97 : i32
        "tpu.region"() ({
          %run_scoped3A = tpu.sem_alloc : memref<!tpu.dma_semaphore, #tpu.memory_space<semaphore_mem>>
          %dma_start3A_99 = arith.constant 0 : i32
          %dma_start3A_100 = tpu.memref_slice %arg9[%add3A_98, %dma_start3A_99] : memref<157x128xi32, #tpu.memory_space<vmem>> -> memref<1x128xi32, #tpu.memory_space<vmem>>
          %dma_start3A_101 = tpu.memref_squeeze %dma_start3A_100 : memref<1x128xi32, #tpu.memory_space<vmem>> -> memref<128xi32, #tpu.memory_space<vmem>>
          %dma_start3A_102 = arith.constant 0 : i32
          %dma_start3A_103 = arith.constant 0 : i32
          %dma_start3A_104 = tpu.memref_slice %arg13[%dma_start3A_102, %dma_start3A_103] : memref<5376x128xf32, #tpu.memory_space<vmem_shared>> -> memref<5376x128xf32, #tpu.memory_space<vmem_shared>>
          tpu.enqueue_indirect_dma source(%arg11 : memref<128x128xf32, #tpu.memory_space<vmem>>) target(%dma_start3A_104 : memref<5376x128xf32, #tpu.memory_space<vmem_shared>>) offsets(%dma_start3A_101 : memref<128xi32, #tpu.memory_space<vmem>>) semaphore(%run_scoped3A : memref<!tpu.dma_semaphore, #tpu.memory_space<semaphore_mem>>) {add = true}
          %dma_wait3A_105 = arith.constant 0 : i32
          %dma_wait3A_106 = tpu.memref_slice %arg9[%add3A_98, %dma_wait3A_105] : memref<157x128xi32, #tpu.memory_space<vmem>> -> memref<1x128xi32, #tpu.memory_space<vmem>>
          %dma_wait3A_107 = tpu.memref_squeeze %dma_wait3A_106 : memref<1x128xi32, #tpu.memory_space<vmem>> -> memref<128xi32, #tpu.memory_space<vmem>>
          %dma_wait3A_108 = arith.constant 0 : i32
          %dma_wait3A_109 = arith.constant 0 : i32
          %dma_wait3A_110 = tpu.memref_slice %arg13[%dma_wait3A_108, %dma_wait3A_109] : memref<5376x128xf32, #tpu.memory_space<vmem_shared>> -> memref<5376x128xf32, #tpu.memory_space<vmem_shared>>
          tpu.wait_indirect_dma semaphore(%run_scoped3A : memref<!tpu.dma_semaphore, #tpu.memory_space<semaphore_mem>>) src(%arg11 : memref<128x128xf32, #tpu.memory_space<vmem>>) dst(%dma_wait3A_110 : memref<5376x128xf32, #tpu.memory_space<vmem_shared>>)
          tpu.yield
        }) : () -> ()
      }
      %while3A_36 = arith.constant 1 : i32
      scf.for %while3A_62 = %while3A_34 to %while3A_30 step %while3A_36  : i32 {
        %mul3A_63 = arith.constant 2 : i32
        %mul3A_64 = arith.muli %mul3A_63, %while3A_62 : i32
        %add3A_65 = arith.constant 1 : i32
        %add3A_66 = arith.addi %mul3A_64, %add3A_65 : i32
        %dma_start3A_67 = arith.constant 0 : i32
        %dma_start3A_68 = tpu.memref_slice %arg8[%add3A_66, %dma_start3A_67] : memref<157x128xi32, #tpu.memory_space<vmem>> -> memref<1x128xi32, #tpu.memory_space<vmem>>
        %dma_start3A_69 = tpu.memref_squeeze %dma_start3A_68 : memref<1x128xi32, #tpu.memory_space<vmem>> -> memref<128xi32, #tpu.memory_space<vmem>>
        %dma_start3A_70 = arith.constant 0 : i32
        %dma_start3A_71 = arith.constant 0 : i32
        %dma_start3A_72 = tpu.memref_slice %arg2[%dma_start3A_70, %dma_start3A_71] : memref<10000x128xf32, #tpu.memory_space<hbm>> -> memref<10000x128xf32, #tpu.memory_space<hbm>>
        tpu.enqueue_indirect_dma source(%dma_start3A_72 : memref<10000x128xf32, #tpu.memory_space<hbm>>) target(%arg11 : memref<128x128xf32, #tpu.memory_space<vmem>>) offsets(%dma_start3A_69 : memref<128xi32, #tpu.memory_space<vmem>>) semaphore(%arg15 : memref<!tpu.dma_semaphore, #tpu.memory_space<semaphore_mem>>)
        %dma_wait3A_73 = arith.constant 0 : i32
        %dma_wait3A_74 = tpu.memref_slice %arg8[%mul3A_64, %dma_wait3A_73] : memref<157x128xi32, #tpu.memory_space<vmem>> -> memref<1x128xi32, #tpu.memory_space<vmem>>
        %dma_wait3A_75 = tpu.memref_squeeze %dma_wait3A_74 : memref<1x128xi32, #tpu.memory_space<vmem>> -> memref<128xi32, #tpu.memory_space<vmem>>
        %dma_wait3A_76 = arith.constant 0 : i32
        %dma_wait3A_77 = arith.constant 0 : i32
        %dma_wait3A_78 = tpu.memref_slice %arg2[%dma_wait3A_76, %dma_wait3A_77] : memref<10000x128xf32, #tpu.memory_space<hbm>> -> memref<10000x128xf32, #tpu.memory_space<hbm>>
        tpu.wait_indirect_dma semaphore(%arg14 : memref<!tpu.dma_semaphore, #tpu.memory_space<semaphore_mem>>) src(%dma_wait3A_78 : memref<10000x128xf32, #tpu.memory_space<hbm>>) dst(%arg10 : memref<128x128xf32, #tpu.memory_space<vmem>>)
        "tpu.region"() ({
          %run_scoped3A = tpu.sem_alloc : memref<!tpu.dma_semaphore, #tpu.memory_space<semaphore_mem>>
          %dma_start3A_99 = arith.constant 0 : i32
          %dma_start3A_100 = tpu.memref_slice %arg9[%mul3A_64, %dma_start3A_99] : memref<157x128xi32, #tpu.memory_space<vmem>> -> memref<1x128xi32, #tpu.memory_space<vmem>>
          %dma_start3A_101 = tpu.memref_squeeze %dma_start3A_100 : memref<1x128xi32, #tpu.memory_space<vmem>> -> memref<128xi32, #tpu.memory_space<vmem>>
          %dma_start3A_102 = arith.constant 0 : i32
          %dma_start3A_103 = arith.constant 0 : i32
          %dma_start3A_104 = tpu.memref_slice %arg13[%dma_start3A_102, %dma_start3A_103] : memref<5376x128xf32, #tpu.memory_space<vmem_shared>> -> memref<5376x128xf32, #tpu.memory_space<vmem_shared>>
          tpu.enqueue_indirect_dma source(%arg10 : memref<128x128xf32, #tpu.memory_space<vmem>>) target(%dma_start3A_104 : memref<5376x128xf32, #tpu.memory_space<vmem_shared>>) offsets(%dma_start3A_101 : memref<128xi32, #tpu.memory_space<vmem>>) semaphore(%run_scoped3A : memref<!tpu.dma_semaphore, #tpu.memory_space<semaphore_mem>>) {add = true}
          %dma_wait3A_105 = arith.constant 0 : i32
          %dma_wait3A_106 = tpu.memref_slice %arg9[%mul3A_64, %dma_wait3A_105] : memref<157x128xi32, #tpu.memory_space<vmem>> -> memref<1x128xi32, #tpu.memory_space<vmem>>
          %dma_wait3A_107 = tpu.memref_squeeze %dma_wait3A_106 : memref<1x128xi32, #tpu.memory_space<vmem>> -> memref<128xi32, #tpu.memory_space<vmem>>
          %dma_wait3A_108 = arith.constant 0 : i32
          %dma_wait3A_109 = arith.constant 0 : i32
          %dma_wait3A_110 = tpu.memref_slice %arg13[%dma_wait3A_108, %dma_wait3A_109] : memref<5376x128xf32, #tpu.memory_space<vmem_shared>> -> memref<5376x128xf32, #tpu.memory_space<vmem_shared>>
          tpu.wait_indirect_dma semaphore(%run_scoped3A : memref<!tpu.dma_semaphore, #tpu.memory_space<semaphore_mem>>) src(%arg10 : memref<128x128xf32, #tpu.memory_space<vmem>>) dst(%dma_wait3A_110 : memref<5376x128xf32, #tpu.memory_space<vmem_shared>>)
          tpu.yield
        }) : () -> ()
        %add3A_79 = arith.constant 2 : i32
        %add3A_80 = arith.addi %mul3A_64, %add3A_79 : i32
        %sub3A_81 = arith.constant 1 : i32
        %sub3A_82 = arith.subi %squeeze3A, %sub3A_81 : i32
        %min3A = arith.minsi %add3A_80, %sub3A_82 : i32
        %dma_start3A_83 = arith.constant 0 : i32
        %dma_start3A_84 = tpu.memref_slice %arg8[%min3A, %dma_start3A_83] : memref<157x128xi32, #tpu.memory_space<vmem>> -> memref<1x128xi32, #tpu.memory_space<vmem>>
        %dma_start3A_85 = tpu.memref_squeeze %dma_start3A_84 : memref<1x128xi32, #tpu.memory_space<vmem>> -> memref<128xi32, #tpu.memory_space<vmem>>
        %dma_start3A_86 = arith.constant 0 : i32
        %dma_start3A_87 = arith.constant 0 : i32
        %dma_start3A_88 = tpu.memref_slice %arg2[%dma_start3A_86, %dma_start3A_87] : memref<10000x128xf32, #tpu.memory_space<hbm>> -> memref<10000x128xf32, #tpu.memory_space<hbm>>
        tpu.enqueue_indirect_dma source(%dma_start3A_88 : memref<10000x128xf32, #tpu.memory_space<hbm>>) target(%arg10 : memref<128x128xf32, #tpu.memory_space<vmem>>) offsets(%dma_start3A_85 : memref<128xi32, #tpu.memory_space<vmem>>) semaphore(%arg14 : memref<!tpu.dma_semaphore, #tpu.memory_space<semaphore_mem>>)
        %add3A_89 = arith.constant 1 : i32
        %add3A_90 = arith.addi %mul3A_64, %add3A_89 : i32
        %dma_wait3A_91 = arith.constant 0 : i32
        %dma_wait3A_92 = tpu.memref_slice %arg8[%add3A_90, %dma_wait3A_91] : memref<157x128xi32, #tpu.memory_space<vmem>> -> memref<1x128xi32, #tpu.memory_space<vmem>>
        %dma_wait3A_93 = tpu.memref_squeeze %dma_wait3A_92 : memref<1x128xi32, #tpu.memory_space<vmem>> -> memref<128xi32, #tpu.memory_space<vmem>>
        %dma_wait3A_94 = arith.constant 0 : i32
        %dma_wait3A_95 = arith.constant 0 : i32
        %dma_wait3A_96 = tpu.memref_slice %arg2[%dma_wait3A_94, %dma_wait3A_95] : memref<10000x128xf32, #tpu.memory_space<hbm>> -> memref<10000x128xf32, #tpu.memory_space<hbm>>
        tpu.wait_indirect_dma semaphore(%arg15 : memref<!tpu.dma_semaphore, #tpu.memory_space<semaphore_mem>>) src(%dma_wait3A_96 : memref<10000x128xf32, #tpu.memory_space<hbm>>) dst(%arg11 : memref<128x128xf32, #tpu.memory_space<vmem>>)
        %add3A_97 = arith.constant 1 : i32
        %add3A_98 = arith.addi %mul3A_64, %add3A_97 : i32
        "tpu.region"() ({
          %run_scoped3A = tpu.sem_alloc : memref<!tpu.dma_semaphore, #tpu.memory_space<semaphore_mem>>
          %dma_start3A_99 = arith.constant 0 : i32
          %dma_start3A_100 = tpu.memref_slice %arg9[%add3A_98, %dma_start3A_99] : memref<157x128xi32, #tpu.memory_space<vmem>> -> memref<1x128xi32, #tpu.memory_space<vmem>>
          %dma_start3A_101 = tpu.memref_squeeze %dma_start3A_100 : memref<1x128xi32, #tpu.memory_space<vmem>> -> memref<128xi32, #tpu.memory_space<vmem>>
          %dma_start3A_102 = arith.constant 0 : i32
          %dma_start3A_103 = arith.constant 0 : i32
          %dma_start3A_104 = tpu.memref_slice %arg13[%dma_start3A_102, %dma_start3A_103] : memref<5376x128xf32, #tpu.memory_space<vmem_shared>> -> memref<5376x128xf32, #tpu.memory_space<vmem_shared>>
          tpu.enqueue_indirect_dma source(%arg11 : memref<128x128xf32, #tpu.memory_space<vmem>>) target(%dma_start3A_104 : memref<5376x128xf32, #tpu.memory_space<vmem_shared>>) offsets(%dma_start3A_101 : memref<128xi32, #tpu.memory_space<vmem>>) semaphore(%run_scoped3A : memref<!tpu.dma_semaphore, #tpu.memory_space<semaphore_mem>>) {add = true}
          %dma_wait3A_105 = arith.constant 0 : i32
          %dma_wait3A_106 = tpu.memref_slice %arg9[%add3A_98, %dma_wait3A_105] : memref<157x128xi32, #tpu.memory_space<vmem>> -> memref<1x128xi32, #tpu.memory_space<vmem>>
          %dma_wait3A_107 = tpu.memref_squeeze %dma_wait3A_106 : memref<1x128xi32, #tpu.memory_space<vmem>> -> memref<128xi32, #tpu.memory_space<vmem>>
          %dma_wait3A_108 = arith.constant 0 : i32
          %dma_wait3A_109 = arith.constant 0 : i32
          %dma_wait3A_110 = tpu.memref_slice %arg13[%dma_wait3A_108, %dma_wait3A_109] : memref<5376x128xf32, #tpu.memory_space<vmem_shared>> -> memref<5376x128xf32, #tpu.memory_space<vmem_shared>>
          tpu.wait_indirect_dma semaphore(%run_scoped3A : memref<!tpu.dma_semaphore, #tpu.memory_space<semaphore_mem>>) src(%arg11 : memref<128x128xf32, #tpu.memory_space<vmem>>) dst(%dma_wait3A_110 : memref<5376x128xf32, #tpu.memory_space<vmem_shared>>)
          tpu.yield
        }) : () -> ()
      }
      %sub3A_37 = arith.constant 1 : i32
      %sub3A_38 = arith.subi %squeeze3A, %sub3A_37 : i32
      %dma_wait3A = arith.constant 0 : i32
      %dma_wait3A_39 = tpu.memref_slice %arg8[%sub3A_38, %dma_wait3A] : memref<157x128xi32, #tpu.memory_space<vmem>> -> memref<1x128xi32, #tpu.memory_space<vmem>>
      %dma_wait3A_40 = tpu.memref_squeeze %dma_wait3A_39 : memref<1x128xi32, #tpu.memory_space<vmem>> -> memref<128xi32, #tpu.memory_space<vmem>>
      %dma_wait3A_41 = arith.constant 0 : i32
      %dma_wait3A_42 = arith.constant 0 : i32
      %dma_wait3A_43 = tpu.memref_slice %arg2[%dma_wait3A_41, %dma_wait3A_42] : memref<10000x128xf32, #tpu.memory_space<hbm>> -> memref<10000x128xf32, #tpu.memory_space<hbm>>
      tpu.wait_indirect_dma semaphore(%arg14 : memref<!tpu.dma_semaphore, #tpu.memory_space<semaphore_mem>>) src(%dma_wait3A_43 : memref<10000x128xf32, #tpu.memory_space<hbm>>) dst(%arg10 : memref<128x128xf32, #tpu.memory_space<vmem>>)
      %jit3A_44 = arith.constant 2 : i32
      %eq3A = arith.constant 0 : i32
      %eq3A_45 = arith.cmpi eq, %jit3A_44, %eq3A : i32
      %jit3A_46 = arith.constant 1 : i32
      %select_n3A_47 = arith.select %eq3A_45, %jit3A_46, %jit3A_44 : i32
      %rem3A_48 = arith.remsi %squeeze3A, %select_n3A_47 : i32
      %ne3A_49 = arith.constant 0 : i32
      %ne3A_50 = arith.cmpi ne, %rem3A_48, %ne3A_49 : i32
      %lt3A = arith.constant 0 : i32
      %lt3A_51 = arith.cmpi slt, %rem3A_48, %lt3A : i32
      %lt3A_52 = arith.constant 0 : i32
      %lt3A_53 = arith.cmpi slt, %select_n3A_47, %lt3A_52 : i32
      %ne3A_54 = arith.xori %lt3A_51, %lt3A_53 : i1
      %and3A_55 = arith.andi %ne3A_54, %ne3A_50 : i1
      %add3A = arith.addi %rem3A_48, %select_n3A_47 : i32
      %select_n3A_56 = arith.select %and3A_55, %add3A, %rem3A_48 : i32
      %eq3A_57 = arith.constant 1 : i32
      %eq3A_58 = arith.cmpi eq, %select_n3A_56, %eq3A_57 : i32
      %convert_element_type3A_59 = arith.extui %eq3A_58 : i1 to i32
      %cond3A_60 = arith.constant 0 : i32
      %cond3A_61 = arith.cmpi ne, %convert_element_type3A_59, %cond3A_60 : i32
      scf.if %cond3A_61 {
        %sub3A_62 = arith.constant 1 : i32
        %sub3A_63 = arith.subi %squeeze3A, %sub3A_62 : i32
        "tpu.region"() ({
          %run_scoped3A = tpu.sem_alloc : memref<!tpu.dma_semaphore, #tpu.memory_space<semaphore_mem>>
          %dma_start3A_64 = arith.constant 0 : i32
          %dma_start3A_65 = tpu.memref_slice %arg9[%sub3A_63, %dma_start3A_64] : memref<157x128xi32, #tpu.memory_space<vmem>> -> memref<1x128xi32, #tpu.memory_space<vmem>>
          %dma_start3A_66 = tpu.memref_squeeze %dma_start3A_65 : memref<1x128xi32, #tpu.memory_space<vmem>> -> memref<128xi32, #tpu.memory_space<vmem>>
          %dma_start3A_67 = arith.constant 0 : i32
          %dma_start3A_68 = arith.constant 0 : i32
          %dma_start3A_69 = tpu.memref_slice %arg13[%dma_start3A_67, %dma_start3A_68] : memref<5376x128xf32, #tpu.memory_space<vmem_shared>> -> memref<5376x128xf32, #tpu.memory_space<vmem_shared>>
          tpu.enqueue_indirect_dma source(%arg10 : memref<128x128xf32, #tpu.memory_space<vmem>>) target(%dma_start3A_69 : memref<5376x128xf32, #tpu.memory_space<vmem_shared>>) offsets(%dma_start3A_66 : memref<128xi32, #tpu.memory_space<vmem>>) semaphore(%run_scoped3A : memref<!tpu.dma_semaphore, #tpu.memory_space<semaphore_mem>>) {add = true}
          %dma_wait3A_70 = arith.constant 0 : i32
          %dma_wait3A_71 = tpu.memref_slice %arg9[%sub3A_63, %dma_wait3A_70] : memref<157x128xi32, #tpu.memory_space<vmem>> -> memref<1x128xi32, #tpu.memory_space<vmem>>
          %dma_wait3A_72 = tpu.memref_squeeze %dma_wait3A_71 : memref<1x128xi32, #tpu.memory_space<vmem>> -> memref<128xi32, #tpu.memory_space<vmem>>
          %dma_wait3A_73 = arith.constant 0 : i32
          %dma_wait3A_74 = arith.constant 0 : i32
          %dma_wait3A_75 = tpu.memref_slice %arg13[%dma_wait3A_73, %dma_wait3A_74] : memref<5376x128xf32, #tpu.memory_space<vmem_shared>> -> memref<5376x128xf32, #tpu.memory_space<vmem_shared>>
          tpu.wait_indirect_dma semaphore(%run_scoped3A : memref<!tpu.dma_semaphore, #tpu.memory_space<semaphore_mem>>) src(%arg10 : memref<128x128xf32, #tpu.memory_space<vmem>>) dst(%dma_wait3A_75 : memref<5376x128xf32, #tpu.memory_space<vmem_shared>>)
          tpu.yield
        }) : () -> ()
      } else {
      }
    } else {
    }
    %barrier3A_5 = arith.constant 0 : index
    tpu.barrier barrier_id(%barrier3A_5)
    "tpu.region"() ({
      %run_scoped3A = tpu.sem_alloc : memref<!tpu.dma_semaphore, #tpu.memory_space<semaphore_mem>>
      %dma_start3A = arith.constant 0 : i32
      %dma_start3A_6 = arith.constant 0 : i32
      %dma_start3A_7 = tpu.memref_slice %arg7[%arg0, %dma_start3A, %dma_start3A_6] : memref<2x5376x128xf32, #tpu.memory_space<hbm>> -> memref<1x5376x128xf32, #tpu.memory_space<hbm>>
      %dma_start3A_8 = tpu.memref_squeeze %dma_start3A_7 : memref<1x5376x128xf32, #tpu.memory_space<hbm>> -> memref<5376x128xf32, #tpu.memory_space<hbm>>
      %dma_start3A_9 = arith.constant 0 : i32
      %dma_start3A_10 = tpu.memref_slice %dma_start3A_8[%mul3A_0, %dma_start3A_9] : memref<5376x128xf32, #tpu.memory_space<hbm>> -> memref<336x128xf32, #tpu.memory_space<hbm>>
      %dma_start3A_11 = arith.constant 0 : i32
      %dma_start3A_12 = tpu.memref_slice %arg13[%mul3A_0, %dma_start3A_11] : memref<5376x128xf32, #tpu.memory_space<vmem_shared>> -> memref<336x128xf32, #tpu.memory_space<vmem_shared>>
      tpu.enqueue_dma source(%dma_start3A_12 : memref<336x128xf32, #tpu.memory_space<vmem_shared>>) target(%dma_start3A_10 : memref<336x128xf32, #tpu.memory_space<hbm>>) target_semaphore(%run_scoped3A : memref<!tpu.dma_semaphore, #tpu.memory_space<semaphore_mem>>)
      %dma_wait3A = arith.constant 0 : i32
      %dma_wait3A_13 = arith.constant 0 : i32
      %dma_wait3A_14 = tpu.memref_slice %arg7[%arg0, %dma_wait3A, %dma_wait3A_13] : memref<2x5376x128xf32, #tpu.memory_space<hbm>> -> memref<1x5376x128xf32, #tpu.memory_space<hbm>>
      %dma_wait3A_15 = tpu.memref_squeeze %dma_wait3A_14 : memref<1x5376x128xf32, #tpu.memory_space<hbm>> -> memref<5376x128xf32, #tpu.memory_space<hbm>>
      %dma_wait3A_16 = arith.constant 0 : i32
      %dma_wait3A_17 = tpu.memref_slice %dma_wait3A_15[%mul3A_0, %dma_wait3A_16] : memref<5376x128xf32, #tpu.memory_space<hbm>> -> memref<336x128xf32, #tpu.memory_space<hbm>>
      %dma_wait3A_18 = arith.constant 0 : i32
      %dma_wait3A_19 = tpu.memref_slice %arg13[%mul3A_0, %dma_wait3A_18] : memref<5376x128xf32, #tpu.memory_space<vmem_shared>> -> memref<336x128xf32, #tpu.memory_space<vmem_shared>>
      tpu.wait_dma2 semaphore(%run_scoped3A : memref<!tpu.dma_semaphore, #tpu.memory_space<semaphore_mem>>) src(%dma_wait3A_19 : memref<336x128xf32, #tpu.memory_space<vmem_shared>>) dst(%dma_wait3A_17 : memref<336x128xf32, #tpu.memory_space<hbm>>)
      tpu.yield
    }) : () -> ()
    return
  }
}

module attributes {stable_mosaic.version = 14 : i64} {
  func.func @_embed_msg_body(%arg0: i32, %arg1: memref<1000x128xf32, #tpu.memory_space<vmem>>, %arg2: memref<128x128xf32, #tpu.memory_space<vmem>>, %arg3: memref<128x128xf32, #tpu.memory_space<vmem>>, %arg4: memref<128x128xf32, #tpu.memory_space<vmem>>, %arg5: memref<1000x128xf32, #tpu.memory_space<vmem>>, %arg6: memref<1000x128xf32, #tpu.memory_space<vmem>>) attributes {dimension_semantics = [#tpu.dimension_semantics<arbitrary>], iteration_bounds = array<i64: 10>, scalar_prefetch = 0 : i64, scratch_operands = 0 : i64, tpu.core_type = #tpu.core_type<tc>, window_params = [{transform_indices = @transform_0, window_bounds = array<i64: 1000, 128>}, {pipeline_mode = #tpu.pipeline_mode<synchronous>, transform_indices = @transform_1, window_bounds = array<i64: 128, 128>}, {pipeline_mode = #tpu.pipeline_mode<synchronous>, transform_indices = @transform_2, window_bounds = array<i64: 128, 128>}, {pipeline_mode = #tpu.pipeline_mode<synchronous>, transform_indices = @transform_3, window_bounds = array<i64: 128, 128>}, {transform_indices = @transform_4, window_bounds = array<i64: 1000, 128>}, {transform_indices = @transform_5, window_bounds = array<i64: 1000, 128>}]} {
    %get3A = arith.constant 0 : index
    %get3A_0 = arith.constant 0 : index
    %get3A_1 = vector.load %arg1[%get3A, %get3A_0] : memref<1000x128xf32, #tpu.memory_space<vmem>>, vector<1000x128xf32>
    %get3A_2 = arith.constant 0 : index
    %get3A_3 = arith.constant 0 : index
    %get3A_4 = vector.load %arg2[%get3A_2, %get3A_3] : memref<128x128xf32, #tpu.memory_space<vmem>>, vector<128x128xf32>
    %dot_general3A = arith.constant dense<0.000000e+00> : vector<1000x128xf32>
    %dot_general3A_5 = tpu.matmul %get3A_1, %get3A_4, %dot_general3A {dimension_numbers = #tpu.dot_dimension_numbers<[1], [1], [0], [0], [0, 0, 1, 0], [], []>, transpose_lhs_hint = false} : vector<1000x128xf32>, vector<128x128xf32>, vector<1000x128xf32> -> vector<1000x128xf32>
    %get3A_6 = arith.constant 0 : index
    %get3A_7 = arith.constant 0 : index
    %get3A_8 = vector.load %arg3[%get3A_6, %get3A_7] : memref<128x128xf32, #tpu.memory_space<vmem>>, vector<128x128xf32>
    %dot_general3A_9 = arith.constant dense<0.000000e+00> : vector<1000x128xf32>
    %dot_general3A_10 = tpu.matmul %dot_general3A_5, %get3A_8, %dot_general3A_9 {dimension_numbers = #tpu.dot_dimension_numbers<[1], [1], [0], [0], [0, 0, 1, 0], [], []>, transpose_lhs_hint = false} : vector<1000x128xf32>, vector<128x128xf32>, vector<1000x128xf32> -> vector<1000x128xf32>
    %get3A_11 = arith.constant 0 : index
    %get3A_12 = arith.constant 0 : index
    %get3A_13 = vector.load %arg4[%get3A_11, %get3A_12] : memref<128x128xf32, #tpu.memory_space<vmem>>, vector<128x128xf32>
    %dot_general3A_14 = arith.constant dense<0.000000e+00> : vector<1000x128xf32>
    %dot_general3A_15 = tpu.matmul %dot_general3A_5, %get3A_13, %dot_general3A_14 {dimension_numbers = #tpu.dot_dimension_numbers<[1], [1], [0], [0], [0, 0, 1, 0], [], []>, transpose_lhs_hint = false} : vector<1000x128xf32>, vector<128x128xf32>, vector<1000x128xf32> -> vector<1000x128xf32>
    %swap3A = arith.constant 0 : index
    %swap3A_16 = arith.constant 0 : index
    %swap3A_17 = vector.load %arg5[%swap3A, %swap3A_16] : memref<1000x128xf32, #tpu.memory_space<vmem>>, vector<1000x128xf32>
    tpu.vector_store %arg5[%swap3A, %swap3A_16], %dot_general3A_5 {strides = array<i32>} : memref<1000x128xf32, #tpu.memory_space<vmem>>, vector<1000x128xf32>,
    %neg3A = arith.constant 0.000000e+00 : f32
    %neg3A_18 = vector.broadcast %neg3A : f32 to vector<1000x128xf32>
    %neg3A_19 = arith.subf %neg3A_18, %dot_general3A_10 : vector<1000x128xf32>
    %exp3A = math.exp %neg3A_19 : vector<1000x128xf32>
    %add3A = arith.constant 1.000000e+00 : f32
    %add3A_20 = vector.broadcast %add3A : f32 to vector<1000x128xf32>
    %add3A_21 = arith.addf %add3A_20, %exp3A : vector<1000x128xf32>
    %div3A = arith.constant 1.000000e+00 : f32
    %div3A_22 = vector.broadcast %div3A : f32 to vector<1000x128xf32>
    %div3A_23 = arith.divf %div3A_22, %add3A_21 : vector<1000x128xf32>
    %max3A = arith.constant 0.000000e+00 : f32
    %max3A_24 = vector.broadcast %max3A : f32 to vector<1000x128xf32>
    %max3A_25 = arith.maximumf %dot_general3A_15, %max3A_24 : vector<1000x128xf32>
    %abs3A = math.absf %dot_general3A_15 : vector<1000x128xf32>
    %neg3A_26 = arith.constant 0.000000e+00 : f32
    %neg3A_27 = vector.broadcast %neg3A_26 : f32 to vector<1000x128xf32>
    %neg3A_28 = arith.subf %neg3A_27, %abs3A : vector<1000x128xf32>
    %exp3A_29 = math.exp %neg3A_28 : vector<1000x128xf32>
    %log1p3A = math.log1p %exp3A_29 : vector<1000x128xf32>
    %add3A_30 = arith.addf %max3A_25, %log1p3A : vector<1000x128xf32>
    %mul3A = arith.mulf %div3A_23, %add3A_30 : vector<1000x128xf32>
    %swap3A_31 = arith.constant 0 : index
    %swap3A_32 = arith.constant 0 : index
    %swap3A_33 = vector.load %arg6[%swap3A_31, %swap3A_32] : memref<1000x128xf32, #tpu.memory_space<vmem>>, vector<1000x128xf32>
    tpu.vector_store %arg6[%swap3A_31, %swap3A_32], %mul3A {strides = array<i32>} : memref<1000x128xf32, #tpu.memory_space<vmem>>, vector<1000x128xf32>,
    return
  }
  func.func @transform_0(%arg0: i32) -> (i32, i32) {
    %c0_i32 = arith.constant 0 : i32
    %c0_i32_0 = arith.constant 0 : i32
    return %arg0, %c0_i32 : i32, i32
  }
  func.func @transform_1(%arg0: i32) -> (i32, i32) {
    %c0_i32 = arith.constant 0 : i32
    %c0_i32_0 = arith.constant 0 : i32
    %c0_i32_1 = arith.constant 0 : i32
    return %c0_i32, %c0_i32_0 : i32, i32
  }
  func.func @transform_2(%arg0: i32) -> (i32, i32) {
    %c0_i32 = arith.constant 0 : i32
    %c0_i32_0 = arith.constant 0 : i32
    %c0_i32_1 = arith.constant 0 : i32
    return %c0_i32, %c0_i32_0 : i32, i32
  }
  func.func @transform_3(%arg0: i32) -> (i32, i32) {
    %c0_i32 = arith.constant 0 : i32
    %c0_i32_0 = arith.constant 0 : i32
    %c0_i32_1 = arith.constant 0 : i32
    return %c0_i32, %c0_i32_0 : i32, i32
  }
  func.func @transform_4(%arg0: i32) -> (i32, i32) {
    %c0_i32 = arith.constant 0 : i32
    %c0_i32_0 = arith.constant 0 : i32
    return %arg0, %c0_i32 : i32, i32
  }
  func.func @transform_5(%arg0: i32) -> (i32, i32) {
    %c0_i32 = arith.constant 0 : i32
    %c0_i32_0 = arith.constant 0 : i32
    return %arg0, %c0_i32 : i32, i32
  }
}

module attributes {stable_mosaic.version = 14 : i64} {
  func.func @_update_msg_body(%arg0: i32, %arg1: memref<1000x128xf32, #tpu.memory_space<vmem>>, %arg2: memref<1000x128xf32, #tpu.memory_space<vmem>>, %arg3: memref<128x128xf32, #tpu.memory_space<vmem>>, %arg4: memref<128x128xf32, #tpu.memory_space<vmem>>, %arg5: memref<1000x128xf32, #tpu.memory_space<vmem>>, %arg6: memref<1000x128xf32, #tpu.memory_space<vmem>>) attributes {dimension_semantics = [#tpu.dimension_semantics<arbitrary>], iteration_bounds = array<i64: 10>, scalar_prefetch = 0 : i64, scratch_operands = 0 : i64, tpu.core_type = #tpu.core_type<tc>, window_params = [{transform_indices = @transform_0, window_bounds = array<i64: 1000, 128>}, {transform_indices = @transform_1, window_bounds = array<i64: 1000, 128>}, {pipeline_mode = #tpu.pipeline_mode<synchronous>, transform_indices = @transform_2, window_bounds = array<i64: 128, 128>}, {pipeline_mode = #tpu.pipeline_mode<synchronous>, transform_indices = @transform_3, window_bounds = array<i64: 128, 128>}, {transform_indices = @transform_4, window_bounds = array<i64: 1000, 128>}, {transform_indices = @transform_5, window_bounds = array<i64: 1000, 128>}]} {
    %get3A = arith.constant 0 : index
    %get3A_0 = arith.constant 0 : index
    %get3A_1 = vector.load %arg1[%get3A, %get3A_0] : memref<1000x128xf32, #tpu.memory_space<vmem>>, vector<1000x128xf32>
    %get3A_2 = arith.constant 0 : index
    %get3A_3 = arith.constant 0 : index
    %get3A_4 = vector.load %arg2[%get3A_2, %get3A_3] : memref<1000x128xf32, #tpu.memory_space<vmem>>, vector<1000x128xf32>
    %max3A = arith.constant 0.000000e+00 : f32
    %max3A_5 = vector.broadcast %max3A : f32 to vector<1000x128xf32>
    %max3A_6 = arith.maximumf %get3A_4, %max3A_5 : vector<1000x128xf32>
    %abs3A = math.absf %get3A_4 : vector<1000x128xf32>
    %neg3A = arith.constant 0.000000e+00 : f32
    %neg3A_7 = vector.broadcast %neg3A : f32 to vector<1000x128xf32>
    %neg3A_8 = arith.subf %neg3A_7, %abs3A : vector<1000x128xf32>
    %exp3A = math.exp %neg3A_8 : vector<1000x128xf32>
    %log1p3A = math.log1p %exp3A : vector<1000x128xf32>
    %add3A = arith.addf %max3A_6, %log1p3A : vector<1000x128xf32>
    %add3A_9 = arith.addf %get3A_1, %add3A : vector<1000x128xf32>
    %get3A_10 = arith.constant 0 : index
    %get3A_11 = arith.constant 0 : index
    %get3A_12 = vector.load %arg3[%get3A_10, %get3A_11] : memref<128x128xf32, #tpu.memory_space<vmem>>, vector<128x128xf32>
    %dot_general3A = arith.constant dense<0.000000e+00> : vector<1000x128xf32>
    %dot_general3A_13 = tpu.matmul %add3A_9, %get3A_12, %dot_general3A {dimension_numbers = #tpu.dot_dimension_numbers<[1], [1], [0], [0], [0, 0, 1, 0], [], []>, transpose_lhs_hint = false} : vector<1000x128xf32>, vector<128x128xf32>, vector<1000x128xf32> -> vector<1000x128xf32>
    %get3A_14 = arith.constant 0 : index
    %get3A_15 = arith.constant 0 : index
    %get3A_16 = vector.load %arg4[%get3A_14, %get3A_15] : memref<128x128xf32, #tpu.memory_space<vmem>>, vector<128x128xf32>
    %dot_general3A_17 = arith.constant dense<0.000000e+00> : vector<1000x128xf32>
    %dot_general3A_18 = tpu.matmul %add3A_9, %get3A_16, %dot_general3A_17 {dimension_numbers = #tpu.dot_dimension_numbers<[1], [1], [0], [0], [0, 0, 1, 0], [], []>, transpose_lhs_hint = false} : vector<1000x128xf32>, vector<128x128xf32>, vector<1000x128xf32> -> vector<1000x128xf32>
    %swap3A = arith.constant 0 : index
    %swap3A_19 = arith.constant 0 : index
    %swap3A_20 = vector.load %arg5[%swap3A, %swap3A_19] : memref<1000x128xf32, #tpu.memory_space<vmem>>, vector<1000x128xf32>
    tpu.vector_store %arg5[%swap3A, %swap3A_19], %add3A_9 {strides = array<i32>} : memref<1000x128xf32, #tpu.memory_space<vmem>>, vector<1000x128xf32>,
    %neg3A_21 = arith.constant 0.000000e+00 : f32
    %neg3A_22 = vector.broadcast %neg3A_21 : f32 to vector<1000x128xf32>
    %neg3A_23 = arith.subf %neg3A_22, %dot_general3A_13 : vector<1000x128xf32>
    %exp3A_24 = math.exp %neg3A_23 : vector<1000x128xf32>
    %add3A_25 = arith.constant 1.000000e+00 : f32
    %add3A_26 = vector.broadcast %add3A_25 : f32 to vector<1000x128xf32>
    %add3A_27 = arith.addf %add3A_26, %exp3A_24 : vector<1000x128xf32>
    %div3A = arith.constant 1.000000e+00 : f32
    %div3A_28 = vector.broadcast %div3A : f32 to vector<1000x128xf32>
    %div3A_29 = arith.divf %div3A_28, %add3A_27 : vector<1000x128xf32>
    %max3A_30 = arith.constant 0.000000e+00 : f32
    %max3A_31 = vector.broadcast %max3A_30 : f32 to vector<1000x128xf32>
    %max3A_32 = arith.maximumf %dot_general3A_18, %max3A_31 : vector<1000x128xf32>
    %abs3A_33 = math.absf %dot_general3A_18 : vector<1000x128xf32>
    %neg3A_34 = arith.constant 0.000000e+00 : f32
    %neg3A_35 = vector.broadcast %neg3A_34 : f32 to vector<1000x128xf32>
    %neg3A_36 = arith.subf %neg3A_35, %abs3A_33 : vector<1000x128xf32>
    %exp3A_37 = math.exp %neg3A_36 : vector<1000x128xf32>
    %log1p3A_38 = math.log1p %exp3A_37 : vector<1000x128xf32>
    %add3A_39 = arith.addf %max3A_32, %log1p3A_38 : vector<1000x128xf32>
    %mul3A = arith.mulf %div3A_29, %add3A_39 : vector<1000x128xf32>
    %swap3A_40 = arith.constant 0 : index
    %swap3A_41 = arith.constant 0 : index
    %swap3A_42 = vector.load %arg6[%swap3A_40, %swap3A_41] : memref<1000x128xf32, #tpu.memory_space<vmem>>, vector<1000x128xf32>
    tpu.vector_store %arg6[%swap3A_40, %swap3A_41], %mul3A {strides = array<i32>} : memref<1000x128xf32, #tpu.memory_space<vmem>>, vector<1000x128xf32>,
    return
  }
  func.func @transform_0(%arg0: i32) -> (i32, i32) {
    %c0_i32 = arith.constant 0 : i32
    %c0_i32_0 = arith.constant 0 : i32
    return %arg0, %c0_i32 : i32, i32
  }
  func.func @transform_1(%arg0: i32) -> (i32, i32) {
    %c0_i32 = arith.constant 0 : i32
    %c0_i32_0 = arith.constant 0 : i32
    return %arg0, %c0_i32 : i32, i32
  }
  func.func @transform_2(%arg0: i32) -> (i32, i32) {
    %c0_i32 = arith.constant 0 : i32
    %c0_i32_0 = arith.constant 0 : i32
    %c0_i32_1 = arith.constant 0 : i32
    return %c0_i32, %c0_i32_0 : i32, i32
  }
  func.func @transform_3(%arg0: i32) -> (i32, i32) {
    %c0_i32 = arith.constant 0 : i32
    %c0_i32_0 = arith.constant 0 : i32
    %c0_i32_1 = arith.constant 0 : i32
    return %c0_i32, %c0_i32_0 : i32, i32
  }
  func.func @transform_4(%arg0: i32) -> (i32, i32) {
    %c0_i32 = arith.constant 0 : i32
    %c0_i32_0 = arith.constant 0 : i32
    return %arg0, %c0_i32 : i32, i32
  }
  func.func @transform_5(%arg0: i32) -> (i32, i32) {
    %c0_i32 = arith.constant 0 : i32
    %c0_i32_0 = arith.constant 0 : i32
    return %arg0, %c0_i32 : i32, i32
  }
}

module attributes {stable_mosaic.version = 14 : i64} {
  func.func @_final_body(%arg0: i32, %arg1: memref<1000x128xf32, #tpu.memory_space<vmem>>, %arg2: memref<1000x128xf32, #tpu.memory_space<vmem>>, %arg3: memref<1x1x1000xi32, #tpu.memory_space<vmem>>, %arg4: memref<512x1xf32, #tpu.memory_space<vmem>>, %arg5: memref<2x128x128xf32, #tpu.memory_space<vmem>>, %arg6: memref<2x1x128xf32, #tpu.memory_space<vmem>>, %arg7: memref<1x128xf32, #tpu.memory_space<vmem>>, %arg8: memref<1x1xf32, #tpu.memory_space<vmem>>, %arg9: memref<512x1xf32, #tpu.memory_space<vmem>>, %arg10: memref<512x128xf32, #tpu.memory_space<vmem>>) attributes {dimension_semantics = [#tpu.dimension_semantics<arbitrary>], iteration_bounds = array<i64: 10>, scalar_prefetch = 0 : i64, scratch_operands = 1 : i64, tpu.core_type = #tpu.core_type<tc>, window_params = [{transform_indices = @transform_0, window_bounds = array<i64: 1000, 128>}, {transform_indices = @transform_1, window_bounds = array<i64: 1000, 128>}, {transform_indices = @transform_2, window_bounds = array<i64: 1, 1, 1000>}, {pipeline_mode = #tpu.pipeline_mode<synchronous>, transform_indices = @transform_3, window_bounds = array<i64: 512, 1>}, {pipeline_mode = #tpu.pipeline_mode<synchronous>, transform_indices = @transform_4, window_bounds = array<i64: 2, 128, 128>}, {pipeline_mode = #tpu.pipeline_mode<synchronous>, transform_indices = @transform_5, window_bounds = array<i64: 2, 1, 128>}, {pipeline_mode = #tpu.pipeline_mode<synchronous>, transform_indices = @transform_6, window_bounds = array<i64: 1, 128>}, {pipeline_mode = #tpu.pipeline_mode<synchronous>, transform_indices = @transform_7, window_bounds = array<i64: 1, 1>}, {pipeline_mode = #tpu.pipeline_mode<synchronous>, transform_indices = @transform_8, window_bounds = array<i64: 512, 1>}]} {
    %eq3A = arith.constant 0 : i32
    %eq3A_0 = arith.cmpi eq, %arg0, %eq3A : i32
    %convert_element_type3A = arith.extui %eq3A_0 : i1 to i32
    %cond3A = arith.constant 0 : i32
    %cond3A_1 = arith.cmpi ne, %convert_element_type3A, %cond3A : i32
    scf.if %cond3A_1 {
      %broadcast_in_dim3A = arith.constant 0.000000e+00 : f32
      %broadcast_in_dim3A_33 = vector.broadcast %broadcast_in_dim3A : f32 to vector<512x128xf32>
      %swap3A_34 = arith.constant 0 : index
      %swap3A_35 = arith.constant 0 : index
      %swap3A_36 = vector.load %arg10[%swap3A_34, %swap3A_35] : memref<512x128xf32, #tpu.memory_space<vmem>>, vector<512x128xf32>
      tpu.vector_store %arg10[%swap3A_34, %swap3A_35], %broadcast_in_dim3A_33 {strides = array<i32>} : memref<512x128xf32, #tpu.memory_space<vmem>>, vector<512x128xf32>,
    } else {
    }
    %get3A = arith.constant 0 : index
    %get3A_2 = arith.constant 0 : index
    %get3A_3 = vector.load %arg1[%get3A, %get3A_2] : memref<1000x128xf32, #tpu.memory_space<vmem>>, vector<1000x128xf32>
    %get3A_4 = arith.constant 0 : index
    %get3A_5 = arith.constant 0 : index
    %get3A_6 = vector.load %arg2[%get3A_4, %get3A_5] : memref<1000x128xf32, #tpu.memory_space<vmem>>, vector<1000x128xf32>
    %max3A = arith.constant 0.000000e+00 : f32
    %max3A_7 = vector.broadcast %max3A : f32 to vector<1000x128xf32>
    %max3A_8 = arith.maximumf %get3A_6, %max3A_7 : vector<1000x128xf32>
    %abs3A = math.absf %get3A_6 : vector<1000x128xf32>
    %neg3A = arith.constant 0.000000e+00 : f32
    %neg3A_9 = vector.broadcast %neg3A : f32 to vector<1000x128xf32>
    %neg3A_10 = arith.subf %neg3A_9, %abs3A : vector<1000x128xf32>
    %exp3A = math.exp %neg3A_10 : vector<1000x128xf32>
    %log1p3A = math.log1p %exp3A : vector<1000x128xf32>
    %add3A = arith.addf %max3A_8, %log1p3A : vector<1000x128xf32>
    %add3A_11 = arith.addf %get3A_3, %add3A : vector<1000x128xf32>
    %get3A_12 = arith.constant 0 : index
    %get3A_13 = arith.constant 0 : index
    %get3A_14 = arith.constant 0 : index
    %get3A_15 = vector.load %arg3[%get3A_12, %get3A_13, %get3A_14] : memref<1x1x1000xi32, #tpu.memory_space<vmem>>, vector<1x1x1000xi32>
    %get3A_16 = vector.shape_cast %get3A_15 : vector<1x1x1000xi32> to vector<1x1000xi32>
    %iota3A = tpu.iota {dimensions = array<i32: 0>} : vector<512x1000xi32>
    %eq3A_17 = vector.broadcast %get3A_16 : vector<1x1000xi32> to vector<512x1000xi32>
    %eq3A_18 = arith.cmpi eq, %iota3A, %eq3A_17 : vector<512x1000xi32>
    %convert_element_type3A_19 = arith.extui %eq3A_18 : vector<512x1000xi1> to vector<512x1000xi32>
    %convert_element_type3A_20 = arith.sitofp %convert_element_type3A_19 : vector<512x1000xi32> to vector<512x1000xf32>
    %get3A_21 = arith.constant 0 : index
    %get3A_22 = arith.constant 0 : index
    %get3A_23 = vector.load %arg10[%get3A_21, %get3A_22] : memref<512x128xf32, #tpu.memory_space<vmem>>, vector<512x128xf32>
    %dot_general3A = arith.constant dense<0.000000e+00> : vector<512x128xf32>
    %dot_general3A_24 = tpu.matmul %convert_element_type3A_20, %add3A_11, %dot_general3A {dimension_numbers = #tpu.dot_dimension_numbers<[1], [0], [0], [1], [0, 0, 1, 1], [], []>, transpose_lhs_hint = false} : vector<512x1000xf32>, vector<1000x128xf32>, vector<512x128xf32> -> vector<512x128xf32>
    %add3A_25 = arith.addf %get3A_23, %dot_general3A_24 : vector<512x128xf32>
    %swap3A = arith.constant 0 : index
    %swap3A_26 = arith.constant 0 : index
    %swap3A_27 = vector.load %arg10[%swap3A, %swap3A_26] : memref<512x128xf32, #tpu.memory_space<vmem>>, vector<512x128xf32>
    tpu.vector_store %arg10[%swap3A, %swap3A_26], %add3A_25 {strides = array<i32>} : memref<512x128xf32, #tpu.memory_space<vmem>>, vector<512x128xf32>,
    %eq3A_28 = arith.constant 9 : i32
    %eq3A_29 = arith.cmpi eq, %arg0, %eq3A_28 : i32
    %convert_element_type3A_30 = arith.extui %eq3A_29 : i1 to i32
    %cond3A_31 = arith.constant 0 : i32
    %cond3A_32 = arith.cmpi ne, %convert_element_type3A_30, %cond3A_31 : i32
    scf.if %cond3A_32 {
      %get3A_33 = arith.constant 0 : index
      %get3A_34 = arith.constant 0 : index
      %get3A_35 = vector.load %arg10[%get3A_33, %get3A_34] : memref<512x128xf32, #tpu.memory_space<vmem>>, vector<512x128xf32>
      %get3A_36 = arith.constant 0 : index
      %get3A_37 = arith.constant 0 : index
      %get3A_38 = vector.load %arg4[%get3A_36, %get3A_37] : memref<512x1xf32, #tpu.memory_space<vmem>>, vector<512x1xf32>
      %mul3A = vector.broadcast %get3A_38 : vector<512x1xf32> to vector<512x128xf32>
      %mul3A_39 = arith.mulf %get3A_35, %mul3A : vector<512x128xf32>
      %get3A_40 = arith.constant 0 : index
      %get3A_41 = arith.constant 0 : index
      %get3A_42 = arith.constant 0 : index
      %get3A_43 = vector.load %arg5[%get3A_40, %get3A_41, %get3A_42] : memref<2x128x128xf32, #tpu.memory_space<vmem>>, vector<1x128x128xf32>
      %get3A_44 = vector.shape_cast %get3A_43 : vector<1x128x128xf32> to vector<128x128xf32>
      %dot_general3A_45 = arith.constant dense<0.000000e+00> : vector<512x128xf32>
      %dot_general3A_46 = tpu.matmul %mul3A_39, %get3A_44, %dot_general3A_45 {dimension_numbers = #tpu.dot_dimension_numbers<[1], [1], [0], [0], [0, 0, 1, 0], [], []>, transpose_lhs_hint = false} : vector<512x128xf32>, vector<128x128xf32>, vector<512x128xf32> -> vector<512x128xf32>
      %get3A_47 = arith.constant 0 : index
      %get3A_48 = arith.constant 0 : index
      %get3A_49 = arith.constant 0 : index
      %get3A_50 = vector.load %arg6[%get3A_47, %get3A_48, %get3A_49] : memref<2x1x128xf32, #tpu.memory_space<vmem>>, vector<1x1x128xf32>
      %get3A_51 = vector.shape_cast %get3A_50 : vector<1x1x128xf32> to vector<1x128xf32>
      %add3A_52 = vector.broadcast %get3A_51 : vector<1x128xf32> to vector<512x128xf32>
      %add3A_53 = arith.addf %dot_general3A_46, %add3A_52 : vector<512x128xf32>
      %max3A_54 = arith.constant 0.000000e+00 : f32
      %max3A_55 = vector.broadcast %max3A_54 : f32 to vector<512x128xf32>
      %max3A_56 = arith.maximumf %add3A_53, %max3A_55 : vector<512x128xf32>
      %abs3A_57 = math.absf %add3A_53 : vector<512x128xf32>
      %neg3A_58 = arith.constant 0.000000e+00 : f32
      %neg3A_59 = vector.broadcast %neg3A_58 : f32 to vector<512x128xf32>
      %neg3A_60 = arith.subf %neg3A_59, %abs3A_57 : vector<512x128xf32>
      %exp3A_61 = math.exp %neg3A_60 : vector<512x128xf32>
      %log1p3A_62 = math.log1p %exp3A_61 : vector<512x128xf32>
      %add3A_63 = arith.addf %max3A_56, %log1p3A_62 : vector<512x128xf32>
      %get3A_64 = arith.constant 1 : index
      %get3A_65 = arith.constant 0 : index
      %get3A_66 = arith.constant 0 : index
      %get3A_67 = vector.load %arg5[%get3A_64, %get3A_65, %get3A_66] : memref<2x128x128xf32, #tpu.memory_space<vmem>>, vector<1x128x128xf32>
      %get3A_68 = vector.shape_cast %get3A_67 : vector<1x128x128xf32> to vector<128x128xf32>
      %dot_general3A_69 = arith.constant dense<0.000000e+00> : vector<512x128xf32>
      %dot_general3A_70 = tpu.matmul %add3A_63, %get3A_68, %dot_general3A_69 {dimension_numbers = #tpu.dot_dimension_numbers<[1], [1], [0], [0], [0, 0, 1, 0], [], []>, transpose_lhs_hint = false} : vector<512x128xf32>, vector<128x128xf32>, vector<512x128xf32> -> vector<512x128xf32>
      %get3A_71 = arith.constant 1 : index
      %get3A_72 = arith.constant 0 : index
      %get3A_73 = arith.constant 0 : index
      %get3A_74 = vector.load %arg6[%get3A_71, %get3A_72, %get3A_73] : memref<2x1x128xf32, #tpu.memory_space<vmem>>, vector<1x1x128xf32>
      %get3A_75 = vector.shape_cast %get3A_74 : vector<1x1x128xf32> to vector<1x128xf32>
      %add3A_76 = vector.broadcast %get3A_75 : vector<1x128xf32> to vector<512x128xf32>
      %add3A_77 = arith.addf %dot_general3A_70, %add3A_76 : vector<512x128xf32>
      %max3A_78 = arith.constant 0.000000e+00 : f32
      %max3A_79 = vector.broadcast %max3A_78 : f32 to vector<512x128xf32>
      %max3A_80 = arith.maximumf %add3A_77, %max3A_79 : vector<512x128xf32>
      %abs3A_81 = math.absf %add3A_77 : vector<512x128xf32>
      %neg3A_82 = arith.constant 0.000000e+00 : f32
      %neg3A_83 = vector.broadcast %neg3A_82 : f32 to vector<512x128xf32>
      %neg3A_84 = arith.subf %neg3A_83, %abs3A_81 : vector<512x128xf32>
      %exp3A_85 = math.exp %neg3A_84 : vector<512x128xf32>
      %log1p3A_86 = math.log1p %exp3A_85 : vector<512x128xf32>
      %add3A_87 = arith.addf %max3A_80, %log1p3A_86 : vector<512x128xf32>
      %get3A_88 = arith.constant 0 : index
      %get3A_89 = arith.constant 0 : index
      %get3A_90 = vector.load %arg7[%get3A_88, %get3A_89] : memref<1x128xf32, #tpu.memory_space<vmem>>, vector<1x128xf32>
      %mul3A_91 = vector.broadcast %get3A_90 : vector<1x128xf32> to vector<512x128xf32>
      %mul3A_92 = arith.mulf %add3A_87, %mul3A_91 : vector<512x128xf32>
      %reduce_sum3A = arith.constant dense<0.000000e+00> : vector<512xf32>
      %reduce_sum3A_93 = vector.multi_reduction <add>, %mul3A_92, %reduce_sum3A [1] : vector<512x128xf32> to vector<512xf32>
      %broadcast_in_dim3A = vector.shape_cast %reduce_sum3A_93 : vector<512xf32> to vector<512x1xf32>
      %get3A_94 = arith.constant 0 : index
      %get3A_95 = arith.constant 0 : index
      %get3A_96 = vector.load %arg8[%get3A_94, %get3A_95] : memref<1x1xf32, #tpu.memory_space<vmem>>, vector<1x1xf32>
      %add3A_97 = vector.broadcast %get3A_96 : vector<1x1xf32> to vector<512x1xf32>
      %add3A_98 = arith.addf %broadcast_in_dim3A, %add3A_97 : vector<512x1xf32>
      %swap3A_99 = arith.constant 0 : index
      %swap3A_100 = arith.constant 0 : index
      %swap3A_101 = vector.load %arg9[%swap3A_99, %swap3A_100] : memref<512x1xf32, #tpu.memory_space<vmem>>, vector<512x1xf32>
      tpu.vector_store %arg9[%swap3A_99, %swap3A_100], %add3A_98 {strides = array<i32>} : memref<512x1xf32, #tpu.memory_space<vmem>>, vector<512x1xf32>,
    } else {
    }
    return
  }
  func.func @transform_0(%arg0: i32) -> (i32, i32) {
    %c0_i32 = arith.constant 0 : i32
    %c0_i32_0 = arith.constant 0 : i32
    return %arg0, %c0_i32 : i32, i32
  }
  func.func @transform_1(%arg0: i32) -> (i32, i32) {
    %c0_i32 = arith.constant 0 : i32
    %c0_i32_0 = arith.constant 0 : i32
    return %arg0, %c0_i32 : i32, i32
  }
  func.func @transform_2(%arg0: i32) -> (i32, i32, i32) {
    %c0_i32 = arith.constant 0 : i32
    %c0_i32_0 = arith.constant 0 : i32
    %c0_i32_1 = arith.constant 0 : i32
    return %arg0, %c0_i32, %c0_i32_0 : i32, i32, i32
  }
  func.func @transform_3(%arg0: i32) -> (i32, i32) {
    %c0_i32 = arith.constant 0 : i32
    %c0_i32_0 = arith.constant 0 : i32
    %c0_i32_1 = arith.constant 0 : i32
    return %c0_i32, %c0_i32_0 : i32, i32
  }
  func.func @transform_4(%arg0: i32) -> (i32, i32, i32) {
    %c0_i32 = arith.constant 0 : i32
    %c0_i32_0 = arith.constant 0 : i32
    %c0_i32_1 = arith.constant 0 : i32
    %c0_i32_2 = arith.constant 0 : i32
    return %c0_i32, %c0_i32_0, %c0_i32_1 : i32, i32, i32
  }
  func.func @transform_5(%arg0: i32) -> (i32, i32, i32) {
    %c0_i32 = arith.constant 0 : i32
    %c0_i32_0 = arith.constant 0 : i32
    %c0_i32_1 = arith.constant 0 : i32
    %c0_i32_2 = arith.constant 0 : i32
    return %c0_i32, %c0_i32_0, %c0_i32_1 : i32, i32, i32
  }
  func.func @transform_6(%arg0: i32) -> (i32, i32) {
    %c0_i32 = arith.constant 0 : i32
    %c0_i32_0 = arith.constant 0 : i32
    %c0_i32_1 = arith.constant 0 : i32
    return %c0_i32, %c0_i32_0 : i32, i32
  }
  func.func @transform_7(%arg0: i32) -> (i32, i32) {
    %c0_i32 = arith.constant 0 : i32
    %c0_i32_0 = arith.constant 0 : i32
    %c0_i32_1 = arith.constant 0 : i32
    return %c0_i32, %c0_i32_0 : i32, i32
  }
  func.func @transform_8(%arg0: i32) -> (i32, i32) {
    %c0_i32 = arith.constant 0 : i32
    %c0_i32_0 = arith.constant 0 : i32
    %c0_i32_1 = arith.constant 0 : i32
    return %c0_i32, %c0_i32_0 : i32, i32
  }
}

</mosaic_0001>

<sc_bundles>
// kernel: gather_offload_async_start.1
scs
__scs_entry_jumppad:
0x0: {  	(pc) =	sbr.rel $0x88, $3  }
0x1: {  	(tag) =	ssettag $0x0;
	lr =	simm.s32 $0x1  }
0x2: {  	[smem:$0x3F95] =	sst lr;
	_ =	strace $0xD0000000  }
0x3: {  	_ = 	snop  }
0x4: {  	_ = 	snop  }
0x5: {  	_ = 	snop  }
0x6: {  	_ = 	snop  }
0x7: {  	_ = 	snop  }
__scs_overlays_trampoline_lowered:
0x8: {  	[smem:$0x3FA4] =	sst s0  }
0x9: {  	[smem:$0x3FA5] =	sst s1  }
0xa: {  	[smem:$0x3FA6] =	sst s2  }
0xb: {  	[smem:$0x3FA7] =	sst s3  }
0xc: {  	[smem:$0x3FA8] =	sst s4  }
0xd: {  	[smem:$0x3FA9] =	sst s5  }
0xe: {  	[smem:$0x3FAA] =	sst s6  }
0xf: {  	[smem:$0x3FAB] =	sst s7  }
0x10: {  	[smem:$0x3FAC] =	sst s8  }
0x11: {  	[smem:$0x3FAD] =	sst s9;
	s0 =	simm.s32 @!p0 $0x0  }
0x12: {  	s1 =	sld [smem:$0x3F93];
	s0 =	simm.s32 @p0 $0x1  }
0x13: {  	[smem:$0x3FAE] =	sst s0;
	s0 =	simm.s32 @!p1 $0x0  }
0x14: {  	s2 =	sld [smem:$0x3F92];
	s0 =	simm.s32 @p1 $0x1  }
0x15: {  	[smem:$0x3FAF] =	sst s0;
	s0 =	simm.s32 @!p2 $0x0  }
0x16: {  	s3 =	sld [smem:$0x3FDB];
	s0 =	simm.s32 @p2 $0x1  }
0x17: {  	s4 =	simm.s32 $0x1BF5;
	[smem:$0x3FB1] =	sst s0  }
0x18: {  	s0 =	sld [smem:$0x3F94];
	_ =	swait.ge [sflag:s4], $0x0  }
0x19: {  	s7 =	sld [smem:$0x3F95]  }
0x1a: {  	s8 =	sadd.s32 $0xFFFFE003, lr  }
0x1b: {  	s9 =	sadd.s32 $0xFFFFFEF7, lr;
	s5 =	simm.s32 $0xFFFFFFFF;
	p2 =	slt.u32 s8, $0xFFFFF086  }
0x1c: {  	p1 =	slt.u32 s9, $0xF7A;
	s5 =	simm.s32 @!p2 $0x0  }
0x1d: {  	s5 =	simm.s32 @p1 $0x1;
	p0 =	seq.s32 s7, s2  }
0x1e: {  	s7 =	smul.u32 @!p0 $0xF7A, s2;
	p2 =	seq.s32 @!p0 s5, $0x0  }
0x1f: {  	s9 =	smul.u32 $0xF7A, s1;
	s8 =	simm.s32 @!p0 $0x1BF5;
	p2 =	por !p2, p0  }
0x20: {  	[sflag:s8] =	ssyncset.s32 @!p0 $0xFFFFF086;
	s6 =	sadd.s32 @!p0 s3, s7;
	s7 =	simm.s32 @!p0 $0x108  }
0x21: {  	s3 =	sadd.s32 s3, s9;
	s6 =	sadd.s32 @!p0 $0x88, s6;
	s7 =	simm.s32 @p2 $0x1082  }
0x22: {  	[simem:s7], [sflag:s8] =	dma.local @!p0 [hbm:s6], $0xF7A  }
0x23: {  	s9 =	sor.u32 $0xD0000000, s2;
	s6 =	simm.s32 $0x108;
	_ =	swait.ge @!p0 [sflag:s8], $0x0  }
0x24: {  	s3 =	sadd.s32 $0x88, s3;
	s6 =	simm.s32 @!p1 $0x1082;
	[sflag:s4] =	ssyncset.s32 $0xFFFFF086  }
0x25: {  	[simem:s6], [sflag:s4] =	dma.local [hbm:s3], $0xF7A  }
0x26: {  	[smem:$0x3F95] =	sst s1;
	(tag) =	ssettag s2;
	_ =	strace s9  }
0x27: {  	s1 =	sld [smem:$0x3FA5]  }
0x28: {  	s2 =	sld [smem:$0x3FA6]  }
0x29: {  	s4 =	sld [smem:$0x3FA8]  }
0x2a: {  	p0 =	seq.s32 s5, $0x0;
	s5 =	sld [smem:$0x3FA9]  }
0x2b: {  	s6 =	sld [smem:$0x3FAA]  }
0x2c: {  	s7 =	sld [smem:$0x3FAB]  }
0x2d: {  	s3 =	simm.s32 $0x108;
	s8 =	sld [smem:$0x3FAC]  }
0x2e: {  	s3 =	simm.s32 @!p0 $0x1082;
	s9 =	sld [smem:$0x3FAD]  }
0x2f: {  	lr =	sadd.s32 s0, s3;
	s0 =	sld [smem:$0x3FA4]  }
0x30: {  	s3 =	sld [smem:$0x3FA7]  }
0x31: {  	[smem:$0x3FB0] =	sst s10  }
0x32: {  	s10 =	sld [smem:$0x3FAE];
	_ =	sdelay $0x3  }
0x33: {  	p0 =	seq.s32 s10, $0x1;
	s10 =	sld [smem:$0x3FB0];
	_ =	sdelay $0x3  }
0x34: {  	[smem:$0x3FB0] =	sst s10  }
0x35: {  	s10 =	sld [smem:$0x3FAF];
	_ =	sdelay $0x3  }
0x36: {  	p1 =	seq.s32 s10, $0x1;
	s10 =	sld [smem:$0x3FB0];
	_ =	sdelay $0x3  }
0x37: {  	[smem:$0x3FB0] =	sst s10  }
0x38: {  	s10 =	sld [smem:$0x3FB1]  }
0x39: {  	_ = 	snop;
	(pc) =	sbr.ind lr, $3  }
0x3a: {  	_ = 	snop  }
0x3b: {  	_ = 	snop  }
0x3c: {  	p2 =	seq.s32 s10, $0x1;
	s10 =	sld [smem:$0x3FB0]  }
0x3d: {  	_ =	shalt  }
0x3e: {  	_ =	shalt  }
0x3f: {  	_ =	shalt  }
0x40: {  	_ =	shalt  }
0x41: {  	_ =	shalt  }
0x42: {  	_ =	shalt  }
0x43: {  	_ =	shalt  }
0x44: {  	_ =	shalt  }
0x45: {  	_ =	shalt  }
0x46: {  	_ =	shalt  }
0x47: {  	_ =	shalt  }
0x48: {  	_ =	shalt  }
0x49: {  	_ =	shalt  }
0x4a: {  	_ =	shalt  }
0x4b: {  	_ =	shalt  }
0x4c: {  	_ =	shalt  }
0x4d: {  	_ =	shalt  }
0x4e: {  	_ =	shalt  }
0x4f: {  	_ =	shalt  }
0x50: {  	_ =	shalt  }
0x51: {  	_ =	shalt  }
0x52: {  	_ =	shalt  }
0x53: {  	_ =	shalt  }
0x54: {  	_ =	shalt  }
0x55: {  	_ =	shalt  }
0x56: {  	_ =	shalt  }
0x57: {  	_ =	shalt  }
0x58: {  	_ =	shalt  }
0x59: {  	_ =	shalt  }
0x5a: {  	_ =	shalt  }
0x5b: {  	_ =	shalt  }
0x5c: {  	_ =	shalt  }
0x5d: {  	_ =	shalt  }
0x5e: {  	_ =	shalt  }
0x5f: {  	_ =	shalt  }
0x60: {  	_ =	shalt  }
0x61: {  	_ =	shalt  }
0x62: {  	_ =	shalt  }
0x63: {  	_ =	shalt  }
0x64: {  	_ =	shalt  }
0x65: {  	_ =	shalt  }
0x66: {  	_ =	shalt  }
0x67: {  	_ =	shalt  }
0x68: {  	_ =	shalt  }
0x69: {  	_ =	shalt  }
0x6a: {  	_ =	shalt  }
0x6b: {  	_ =	shalt  }
0x6c: {  	_ =	shalt  }
0x6d: {  	_ =	shalt  }
0x6e: {  	_ =	shalt  }
0x6f: {  	_ =	shalt  }
0x70: {  	_ =	shalt  }
0x71: {  	_ =	shalt  }
0x72: {  	_ =	shalt  }
0x73: {  	_ =	shalt  }
0x74: {  	_ =	shalt  }
0x75: {  	_ =	shalt  }
0x76: {  	_ =	shalt  }
0x77: {  	_ =	shalt  }
0x78: {  	_ =	shalt  }
0x79: {  	_ =	shalt  }
0x7a: {  	_ =	shalt  }
0x7b: {  	_ =	shalt  }
0x7c: {  	_ =	shalt  }
0x7d: {  	_ =	shalt  }
0x7e: {  	_ =	shalt  }
0x7f: {  	_ =	shalt  }
0x80: {  	_ =	shalt  }
0x81: {  	_ =	shalt  }
0x82: {  	_ =	shalt  }
0x83: {  	_ =	shalt  }
0x84: {  	_ =	shalt  }
0x85: {  	_ =	shalt  }
0x86: {  	_ =	shalt  }
0x87: {  	_ =	shalt  }
.Lfunc_end0:
.L_simem_size_0:
called_computation.1_lowered:
.L_overlay_start_0:
0x88: {  	s2 =	sld [smem:$0x3FD9]  }
0x89: {  	s3 =	sld [smem:$0x3FFE];
	_ =	sdelay $0x1  }
0x8a: {  	s1 =	srdreg.scid  }
0x8b: {  	s0 =	sand.u32 $0x1, s1  }
0x8c: {  	s17 =	sshll.u32 s0, $0xA;
	s2 =	sadd.s32 s3, s2  }
0x8d: {  	s2 =	sadd.s32 s2, s17  }
0x8e: {  	[smem:$0x3FBC] =	sst s2  }
0x8f: {  	_ = 	snop  }
0x90: {  	s18 =	sld [smem:$0x3FC7];
	(tm) =	ssettm $0x1  }
0x91: {  	s19 =	sld [smem:$0x3FFB];
	_ =	sdelay $0x3  }
0x92: {  	_ =	strace s19  }
0x93: {  	s2 =	sld [smem:$0x3FFC];
	_ =	sdelay $0x3  }
0x94: {  	_ =	strace s2  }
0x95: {  	s2 =	sld [smem:$0x3FFD];
	_ =	sdelay $0x3  }
0x96: {  	_ =	strace s2  }
0x97: {  	_ =	strace $0x8FFFFFFF  }
0x98: {  	s20 =	sld [smem:$0x3FDB];
	_ =	sdelay $0x1  }
0x99: {  	s4 =	simm.s32 $_scs_section_size  }
0x9a: {  	s5 =	simm.s32 $_size__tile_overlayer_lowered;
	s6 =	simm.s32 $_tile_overlayer_lowered  }
0x9b: {  	s7 =	simm.s32 $0x1BFF;
	s21 =	sshll.u32 s6, $0x1;
	s4 =	sadd.s32 s4, s20  }
0x9c: {  	s22 =	simm.s32 $0x0;
	s5 =	sshll.u32 s5, $0x1;
	s6 =	sadd.s32 s21, s4  }
0x9d: {  	[timem:s22], [sflag:s7] =	dma.local [hbm:s6], s5  }
0x9e: {  	_ =	swait.ge [sflag:s7], s5  }
0x9f: {  	s5 =	ssub.s32 $0x0, s5;
	[sflag:s7] =	ssyncset.done $0x0  }
0xa0: {  	[sflag:s7] =	ssyncadd.s32 s5;
	_ =	sdelay $0x1  }
0xa1: {  	s23 =	simm.s32 $0x1B8B  }
0xa2: {  	_ =	swait.ge [sflag:s23], $0x1  }
0xa3: {  	[sflag:s23] =	ssyncset.done $0x0  }
0xa4: {  	[sflag:s23] =	ssyncadd.s32 $0xFFFFFFFF  }
0xa5: {  	s5 =	sld [smem:$0x0]  }
0xa6: {  	s6 =	sand.u32 $0xFFFFFFFE, s1  }
0xa7: {  	p0 =	sne.s32 s1, s6  }
0xa8: {  	s6 =	sshll.u32 @p0 s6, $0xE  }
0xa9: {  	s6 =	sadd.s32 @p0 $0x11B8D, s6;
	s7 =	sshll.u32 @p0 s5, $0x11  }
0xaa: {  	s6 =	sor.u32 @p0 s7, s6  }
0xab: {  	[sflag:s6] =	ssyncadd.remote.s32 @p0 $0x1;
	_ =	sdelay $0x1  }
0xac: {  	s6 =	simm.s32 @p0 $0x1B8D  }
0xad: {  	_ =	swait.eq @p0 [sflag:s6], $0x1  }
0xae: {  	[sflag:s6] =	ssyncadd.s32 @p0 $0xFFFFFFFF  }
0xaf: {  	s7 =	sshll.u32 @!p0 s1, $0xE  }
0xb0: {  	s7 =	sor.u32 @!p0 $0x4000, s7;
	s6 =	simm.s32 @!p0 $0x1B8D  }
0xb1: {  	s5 =	sshll.u32 @!p0 s5, $0x11;
	s7 =	sadd.s32 @!p0 $0x11B8D, s7;
	_ =	swait.eq @!p0 [sflag:s6], $0x1  }
0xb2: {  	s5 =	sor.u32 @!p0 s5, s7;
	[sflag:s6] =	ssyncadd.s32 @!p0 $0xFFFFFFFF  }
0xb3: {  	s25 =	simm.s32 $0x1B8E;
	s24 =	sld [smem:$0x3FFE];
	[sflag:s5] =	ssyncadd.remote.s32 @!p0 $0x1  }
0xb4: {  	s26 =	simm.s32 $execute0_lowered;
	[smem:$0x3FD2] =	sst s25  }
0xb5: {  	s6 =	sshll.u32 s26, $0x1;
	_ =	strace $0x80000049;
	[dreg:$0x1] =	wrdreg $0xFFFFFFFF  }
0xb6: {  	s28 =	simm.s32 $_size_execute0_lowered;
	s4 =	sadd.s32 s4, s6;
	[dreg:$0x0] =	wrdreg $0x0  }
0xb7: {  	s6 =	sshll.u32 s28, $0x1;
	[dreg:$0x2] =	wrdreg s4  }
0xb8: {  	[dreg:$0x3] =	wrdreg s6  }
0xb9: {  	[dreg:$0x4] =	wrdreg $0xC0  }
0xba: {  	_ =	task [dreg:s22], $0x5FFFF  }
0xbb: {  	[dreg:$0x1] =	wrdreg $0xFFFFFFFF  }
0xbc: {  	[dreg:$0x0] =	wrdreg $0x60  }
0xbd: {  	[dreg:$0x2] =	wrdreg s18  }
0xbe: {  	[dreg:$0x3] =	wrdreg s24  }
0xbf: {  	[dreg:$0x4] =	wrdreg $0xA  }
0xc0: {  	_ =	task.clear_ibuf [dreg:s22], $0x5FFFF;
	_ =	strace $0x90000049  }
0xc1: {  	s29 =	simm.s32 $0xA;
	_ =	strace $0x8000004B  }
0xc2: {  	_ =	swait.ge [sflag:s29], $0x1  }
0xc3: {  	[sflag:s29] =	ssyncadd.s32 $0xFFFFFFFF  }
0xc4: {  	_ =	strace $0x9000004B  }
0xc5: {  	_ =	sfence  }
0xc6: {  	s30 =	sld [smem:$0x0];
	_ =	sdelay $0x2  }
0xc7: {  	s31 =	sshll.u32 s1, $0xD;
	s1 =	sshrl.u32 s1, $0x2  }
0xc8: {  	s4 =	sand.u32 $0x4000, s31;
	s1 =	sadd.s32 s1, s30  }
0xc9: {  	s0 =	sor.u32 s4, s0;
	s1 =	sshll.u32 s1, $0x11  }
0xca: {  	s0 =	sor.u32 s1, s0  }
0xcb: {  	s0 =	sadd.s32 $0x8F2B, s0  }
0xcc: {  	[sflag:s0] =	ssyncadd.remote.s32 $0x1  }
0xcd: {  	_ =	sfence.sel $0xFFFF  }
0xce: {  	[dreg:$0x0] =	wrdreg $0xFFFFFFFF;
	(pc) =	sbr.abs _section_cstart, $3  }
0xcf: {  	[dreg:$0x1] =	wrdreg $0xFFFFFFFF  }
0xd0: {  	_ =	task.clear_ibuf [dreg:s22], $0x2FFFF;
	_ =	strace $0x9FFFFFFF  }
0xd1: {  	(tm) =	ssettm $0x7FFFFFFF  }
tec
execute0_lowered:
.L_overlay_start_1:
0x0: {  	(tag) =	ssettag $0x1  }
0x1: {  	s2 =	rddreg [dreg:$0x0]  }
0x2: {  	s8 =	rddreg [dreg:$0x1]  }
0x3: {  	s0 =	rddreg [dreg:$0x2];
	s1 =	stileid.u32  }
0x4: {  	s3 =	srdreg.scid;
	_ =	strace $0x8000004A;
	s4 =	simm.s32 $0x1  }
0x5: {  	s7 =	simm.s32 $0x1;
	s9 =	simm.s32 $0x1;
	s10 =	simm.s32 $0x3  }
0x6: {  	s13 =	simm.s32 $0x0;
	s5 =	sand.u32 $0x1, s3;
	s6 =	sshll.u32 s1, $0x1  }
0x7: {  	s12 =	simm.s32 $0x0;
	s3 =	sadd.s32 $0xD400, s8;
	s5 =	sor.u32 s6, s5  }
.Ltmp0:
0x8: {  	[sflag:s4] =	ssyncpa.u1 $0x0;
	p0 =	slt.u32 s5, $0x9;
	(pc) =	sbr.rel .LBB2_1-.Ltmp0, $4  }
0x9: {  	s6 =	simm.s32 $0x2;
	s7 =	simm.s32 @!p0 $0x0;
	p0 =	sne.s32 s5, $0x8  }
0xa: {  	[sflag:s6] =	ssyncpa.u1 $0x0;
	s5 =	smul.u32 $0x1F40, s5;
	s9 =	simm.s32 @!p0 $0x0  }
0xb: {  	s8 =	sadd.s32 $0x72400, s8;
	[sflag:s10] =	ssyncpa.u1 $0x0;
	s7 =	sadd.s32 s9, s7  }
0xc: {  	vm0 =	vmmov $0xffff;
	s10 =	simm.s32 $0x0;
	s11 =	smov.u32 s5;
	s9 =	sadd.s32 $0x1, s7  }
.LBB2_4:
0xd: {  	v2 =	vnsel vm1, $0x0, v2  }
0xe: {  	vm1 =	vgt.s32 v0, $0x0;
	v2 =	vmin.u32 v2, $0x4E1FF  }
0xf: {  	v0 =	vnsel vm1, $0x0, v0  }
0x10: {  	v0 =	vmin.u32 v0, $0x4E1FF  }
0x11: {  	[tilespmem:s18], [sflag:$0x1] =	stream.indirect_vreg.gather [hbm4b:s2+s10], $0x1, v1, vm0, $0x4038;
	[tilespmem:$0x7D00] =	vst v63  }
0x12: {  	(ifvalue) =	ssetifvalue $0x7FFFFFFF  }
0x13: {  	[tilespmem:s15], [sflag:$0x1] =	stream.indirect_vreg.gather [hbm4b:s2+s10], $0x1, v2, vm0, $0x4038;
	[tilespmem:$0x7D00] =	vst v63  }
0x14: {  	s29 =	sadd.s32 $0x10, s15;
	(ifvalue) =	ssetifvalue $0x7FFFFFFF  }
0x15: {  	[tilespmem:s29], [sflag:$0x1] =	stream.indirect_vreg.gather [hbm4b:s2+s10], $0x1, v0, vm0, $0x4038;
	[tilespmem:$0x7D00] =	vst v63  }
0x16: {  	_ =	swait.ge [sflag:s4], $0x1F40  }
0x17: {  	s30 =	sshrl.u32 s13, $0x3;
	[sflag:s4] =	ssyncset.done $0x0  }
0x18: {  	s31 =	sand.u32 $0x7, s13;
	s15 =	sadd.s32 s8, s30;
	[sflag:s4] =	ssyncadd.s32 $0xFFFFE0C0  }
0x19: {  	[hbm4b:s15+s31] =	stream.linear.scatter [tilespmem:s14], [sflag:$0x3], $0x1F40, $0x38;
	[tilespmem:$0x7D00] =	vst v63  }
.LBB2_5:
0x1a: {  	s15 =	sadd.s32 $0x3E800, s11  }
0x1b: {  	p1 =	sgt.s32 s15, $0x4E1FF  }
0x1c: {  	s15 =	smov.u32 @p1 s5;
	p1 =	sne.s32 s12, s9  }
.Ltmp1:
0x1d: {  	p0 =	slt.u32 s12, $0x2;
	(pc) =	sbr.rel @!p1 .LBB2_6-.Ltmp1, $4  }
0x1e: {  	s14 =	simm.s32 @!p0 $0x3  }
0x1f: {  	_ =	swait.ge @!p0 [sflag:s14], $0x1F40  }
0x20: {  	s16 =	sadd.s32 $0x1, s12;
	s13 =	smov.u32 s11;
	[sflag:s14] =	ssyncset.done @!p0 $0x0  }
0x21: {  	s12 =	smov.u32 s16;
	s11 =	smov.u32 s15;
	[sflag:s14] =	ssyncadd.s32 @!p0 $0xFFFFE0C0  }
.LBB2_1:
0x22: {  	p0 =	sge.u32 s12, s7  }
0x23: {  	s14 =	sxor.u32 @!p0 $0x1, s12  }
0x24: {  	s14 =	smul.u32 @!p0 $0x7D00, s14  }
0x25: {  	s31 =	sadd.s32 $0xFFFFFFFF, s12;
	s15 =	sshrl.u32 @!p0 s11, $0x3  }
0x26: {  	s16 =	sand.u32 @!p0 $0x7, s11;
	s15 =	sadd.s32 @!p0 s3, s15;
	s14 =	sshra.s32 @!p0 s14, $0x2  }
0x27: {  	[tilespmem:s14], [sflag:$0x2] =	stream.linear.gather @!p0 [hbm4b:s15+s16], $0x1F40, $0x38;
	[tilespmem:$0x7D00] =	vst v63  }
0x28: {  	p0 =	sge.u32 s31, s7  }
.Ltmp2:
0x29: {  	_ = 	snop;
	(pc) =	sbr.rel @p0 .LBB2_5-.Ltmp2, $1  }
0x2a: {  	_ =	sdelay $0x3  }
0x2b: {  	s14 =	sand.u32 $0x1, s12  }
0x2c: {  	_ =	swait.ge [sflag:s6], $0x1F40;
	p0 =	seq.s32 s14, $0x1;
	s14 =	simm.s32 $0x1F40  }
0x2d: {  	[sflag:s6] =	ssyncset.done $0x0;
	s14 =	simm.s32 @!p0 $0x0  }
0x2e: {  	[sflag:s6] =	ssyncadd.s32 $0xFFFFE0C0;
	(ifvalue) =	ssetifvalue $0x7FFFFFFF;
	v0 =	vld.msk [tilespmem:s14+$0x0 ss:$0x1], $0xffff;
	_ =	sdelay $0x4  }
0x2f: {  	s15 =	sadd.s32 $0x10, s14;
	vm1 =	vgt.s32 v0, $0x0  }
0x30: {  	v2 =	vld.msk [tilespmem:s15+$0x0 ss:$0x1], $0xffff;
	v1 =	vnsel vm1, $0x0, v0  }
0x31: {  	v1 =	vmin.u32 v1, $0x4E1FF;
	_ =	sdelay $0x2  }
0x32: {  	s17 =	simm.s32 $0x20;
	s14 =	sadd.s32 $0x3E80, s14;
	s16 =	sadd.s32 $0x10, s15  }
0x33: {  	s15 =	sadd.s32 $0x10, s14;
	s18 =	smov.u32 s14;
	v0 =	vld.msk [tilespmem:s16+$0x0 ss:$0x1], $0xffff;
	vm1 =	vgt.s32 v2, $0x0;
	(ifvalue) =	ssetifvalue $0x7FFFFFFF  }
.LBB2_3:
0x34: {  	[tilespmem:s18], [sflag:$0x1] =	stream.indirect_vreg.gather [hbm4b:s2+s10], $0x1, v1, vm0, $0x4038;
	[tilespmem:$0x7D00] =	vst v63  }
0x35: {  	s17 =	sadd.s32 $0x10, s17  }
0x36: {  	v2 =	vnsel vm1, $0x0, v2;
	p0 =	slt.u32 s17, $0x1F30  }
.Ltmp3:
0x37: {  	s18 =	smov.u32 s15;
	v1 =	vmin.u32 v2, $0x4E1FF;
	(pc) =	sbr.rel @p0 .LBB2_3-.Ltmp3, $3  }
0x38: {  	_ =	sdelay $0x1  }
0x39: {  	s16 =	sadd.s32 $0x10, s16  }
0x3a: {  	vm1 =	vgt.s32 v0, $0x0;
	s15 =	sadd.s32 $0x10, s15;
	v2 =	vmov v0;
	(ifvalue) =	ssetifvalue $0x7FFFFFFF;
	v0 =	vld.msk [tilespmem:s16+$0x0 ss:$0x1], $0xffff  }
.Ltmp4:
0x3b: {  	_ = 	snop;
	(pc) =	sbr.rel .LBB2_4-.Ltmp4, $1  }
0x3c: {  	_ =	sdelay $0x3  }
.LBB2_6:
0x3d: {  	_ =	sfence.sel $0x180000  }
0x3e: {  	s2 =	simm.s32 $0x2;
	[bflag:$0x0] =	sbarrier.arrive $0xFFFF  }
0x3f: {  	s30 =	simm.s32 $0x3;
	[sflag:s2] =	ssyncpa.u1 $0x1  }
0x40: {  	s31 =	simm.s32 $0x1;
	[sflag:s30] =	ssyncpa.u1 $0x1  }
0x41: {  	[sflag:s31] =	ssyncpa.u1 $0x1  }
0x42: {  	p0 =	sne.s32 s1, $0x0;
	_ =	strace $0x9000004A  }
0x43: {  	s0 =	sadd.s32 @!p0 $0x100000, s0;
	[bflag:$0x2] =	sbarrier.arrive $0xFFFF  }
0x44: {  	[sflag:s0] =	ssyncadd.tile.s32 @!p0 $0x1;
	_ =	shalt  }
.Lfunc_end2:
_tile_overlayer_lowered:
.L_overlay_start_2:
0x45: {  	(tag) =	ssettag $0x2  }
0x46: {  	s0 =	rddreg [dreg:$0x0];
	s2 =	stileid.u32  }
0x47: {  	s1 =	rddreg [dreg:$0x1];
	p0 =	sne.s32 s2, $0x0  }
0x48: {  	s3 =	rddreg [dreg:$0x2];
	[bflag:$0x3] =	sbarrier.arrive $0xFFFF;
	s2 =	simm.s32 @!p0 $0x1C01  }
0x49: {  	[timem:s3], [sflag:s2] =	dma.local @!p0 [hbm:s0], s1  }
0x4a: {  	s0 =	simm.s32 @!p0 $0x1  }
0x4b: {  	_ =	swait.ge @!p0 [sflag:s0], s1  }
0x4c: {  	s1 =	ssub.s32 @!p0 $0x0, s1;
	[sflag:s0] =	ssyncset.done @!p0 $0x0  }
0x4d: {  	[sflag:s0] =	ssyncadd.s32 @!p0 s1  }
0x4e: {  	[bflag:$0x3] =	sbarrier.arrive $0xFFFF  }
0x4f: {  	_ =	shalt  }

// kernel: gather_offload_async_start.2
scs
__scs_entry_jumppad:
0x0: {  	(pc) =	sbr.rel $0x88, $3  }
0x1: {  	(tag) =	ssettag $0x0;
	lr =	simm.s32 $0x1  }
0x2: {  	[smem:$0x3F95] =	sst lr;
	_ =	strace $0xD0000000  }
0x3: {  	_ = 	snop  }
0x4: {  	_ = 	snop  }
0x5: {  	_ = 	snop  }
0x6: {  	_ = 	snop  }
0x7: {  	_ = 	snop  }
__scs_overlays_trampoline_lowered:
0x8: {  	[smem:$0x3FA4] =	sst s0  }
0x9: {  	[smem:$0x3FA5] =	sst s1  }
0xa: {  	[smem:$0x3FA6] =	sst s2  }
0xb: {  	[smem:$0x3FA7] =	sst s3  }
0xc: {  	[smem:$0x3FA8] =	sst s4  }
0xd: {  	[smem:$0x3FA9] =	sst s5  }
0xe: {  	[smem:$0x3FAA] =	sst s6  }
0xf: {  	[smem:$0x3FAB] =	sst s7  }
0x10: {  	[smem:$0x3FAC] =	sst s8  }
0x11: {  	[smem:$0x3FAD] =	sst s9;
	s0 =	simm.s32 @!p0 $0x0  }
0x12: {  	s1 =	sld [smem:$0x3F93];
	s0 =	simm.s32 @p0 $0x1  }
0x13: {  	[smem:$0x3FAE] =	sst s0;
	s0 =	simm.s32 @!p1 $0x0  }
0x14: {  	s2 =	sld [smem:$0x3F92];
	s0 =	simm.s32 @p1 $0x1  }
0x15: {  	[smem:$0x3FAF] =	sst s0;
	s0 =	simm.s32 @!p2 $0x0  }
0x16: {  	s3 =	sld [smem:$0x3FDB];
	s0 =	simm.s32 @p2 $0x1  }
0x17: {  	s4 =	simm.s32 $0x1BF5;
	[smem:$0x3FB1] =	sst s0  }
0x18: {  	s0 =	sld [smem:$0x3F94];
	_ =	swait.ge [sflag:s4], $0x0  }
0x19: {  	s7 =	sld [smem:$0x3F95]  }
0x1a: {  	s8 =	sadd.s32 $0xFFFFE003, lr  }
0x1b: {  	s9 =	sadd.s32 $0xFFFFFEF7, lr;
	s5 =	simm.s32 $0xFFFFFFFF;
	p2 =	slt.u32 s8, $0xFFFFF086  }
0x1c: {  	p1 =	slt.u32 s9, $0xF7A;
	s5 =	simm.s32 @!p2 $0x0  }
0x1d: {  	s5 =	simm.s32 @p1 $0x1;
	p0 =	seq.s32 s7, s2  }
0x1e: {  	s7 =	smul.u32 @!p0 $0xF7A, s2;
	p2 =	seq.s32 @!p0 s5, $0x0  }
0x1f: {  	s9 =	smul.u32 $0xF7A, s1;
	s8 =	simm.s32 @!p0 $0x1BF5;
	p2 =	por !p2, p0  }
0x20: {  	[sflag:s8] =	ssyncset.s32 @!p0 $0xFFFFF086;
	s6 =	sadd.s32 @!p0 s3, s7;
	s7 =	simm.s32 @!p0 $0x108  }
0x21: {  	s3 =	sadd.s32 s3, s9;
	s6 =	sadd.s32 @!p0 $0x88, s6;
	s7 =	simm.s32 @p2 $0x1082  }
0x22: {  	[simem:s7], [sflag:s8] =	dma.local @!p0 [hbm:s6], $0xF7A  }
0x23: {  	s9 =	sor.u32 $0xD0000000, s2;
	s6 =	simm.s32 $0x108;
	_ =	swait.ge @!p0 [sflag:s8], $0x0  }
0x24: {  	s3 =	sadd.s32 $0x88, s3;
	s6 =	simm.s32 @!p1 $0x1082;
	[sflag:s4] =	ssyncset.s32 $0xFFFFF086  }
0x25: {  	[simem:s6], [sflag:s4] =	dma.local [hbm:s3], $0xF7A  }
0x26: {  	[smem:$0x3F95] =	sst s1;
	(tag) =	ssettag s2;
	_ =	strace s9  }
0x27: {  	s1 =	sld [smem:$0x3FA5]  }
0x28: {  	s2 =	sld [smem:$0x3FA6]  }
0x29: {  	s4 =	sld [smem:$0x3FA8]  }
0x2a: {  	p0 =	seq.s32 s5, $0x0;
	s5 =	sld [smem:$0x3FA9]  }
0x2b: {  	s6 =	sld [smem:$0x3FAA]  }
0x2c: {  	s7 =	sld [smem:$0x3FAB]  }
0x2d: {  	s3 =	simm.s32 $0x108;
	s8 =	sld [smem:$0x3FAC]  }
0x2e: {  	s3 =	simm.s32 @!p0 $0x1082;
	s9 =	sld [smem:$0x3FAD]  }
0x2f: {  	lr =	sadd.s32 s0, s3;
	s0 =	sld [smem:$0x3FA4]  }
0x30: {  	s3 =	sld [smem:$0x3FA7]  }
0x31: {  	[smem:$0x3FB0] =	sst s10  }
0x32: {  	s10 =	sld [smem:$0x3FAE];
	_ =	sdelay $0x3  }
0x33: {  	p0 =	seq.s32 s10, $0x1;
	s10 =	sld [smem:$0x3FB0];
	_ =	sdelay $0x3  }
0x34: {  	[smem:$0x3FB0] =	sst s10  }
0x35: {  	s10 =	sld [smem:$0x3FAF];
	_ =	sdelay $0x3  }
0x36: {  	p1 =	seq.s32 s10, $0x1;
	s10 =	sld [smem:$0x3FB0];
	_ =	sdelay $0x3  }
0x37: {  	[smem:$0x3FB0] =	sst s10  }
0x38: {  	s10 =	sld [smem:$0x3FB1]  }
0x39: {  	_ = 	snop;
	(pc) =	sbr.ind lr, $3  }
0x3a: {  	_ = 	snop  }
0x3b: {  	_ = 	snop  }
0x3c: {  	p2 =	seq.s32 s10, $0x1;
	s10 =	sld [smem:$0x3FB0]  }
0x3d: {  	_ =	shalt  }
0x3e: {  	_ =	shalt  }
0x3f: {  	_ =	shalt  }
0x40: {  	_ =	shalt  }
0x41: {  	_ =	shalt  }
0x42: {  	_ =	shalt  }
0x43: {  	_ =	shalt  }
0x44: {  	_ =	shalt  }
0x45: {  	_ =	shalt  }
0x46: {  	_ =	shalt  }
0x47: {  	_ =	shalt  }
0x48: {  	_ =	shalt  }
0x49: {  	_ =	shalt  }
0x4a: {  	_ =	shalt  }
0x4b: {  	_ =	shalt  }
0x4c: {  	_ =	shalt  }
0x4d: {  	_ =	shalt  }
0x4e: {  	_ =	shalt  }
0x4f: {  	_ =	shalt  }
0x50: {  	_ =	shalt  }
0x51: {  	_ =	shalt  }
0x52: {  	_ =	shalt  }
0x53: {  	_ =	shalt  }
0x54: {  	_ =	shalt  }
0x55: {  	_ =	shalt  }
0x56: {  	_ =	shalt  }
0x57: {  	_ =	shalt  }
0x58: {  	_ =	shalt  }
0x59: {  	_ =	shalt  }
0x5a: {  	_ =	shalt  }
0x5b: {  	_ =	shalt  }
0x5c: {  	_ =	shalt  }
0x5d: {  	_ =	shalt  }
0x5e: {  	_ =	shalt  }
0x5f: {  	_ =	shalt  }
0x60: {  	_ =	shalt  }
0x61: {  	_ =	shalt  }
0x62: {  	_ =	shalt  }
0x63: {  	_ =	shalt  }
0x64: {  	_ =	shalt  }
0x65: {  	_ =	shalt  }
0x66: {  	_ =	shalt  }
0x67: {  	_ =	shalt  }
0x68: {  	_ =	shalt  }
0x69: {  	_ =	shalt  }
0x6a: {  	_ =	shalt  }
0x6b: {  	_ =	shalt  }
0x6c: {  	_ =	shalt  }
0x6d: {  	_ =	shalt  }
0x6e: {  	_ =	shalt  }
0x6f: {  	_ =	shalt  }
0x70: {  	_ =	shalt  }
0x71: {  	_ =	shalt  }
0x72: {  	_ =	shalt  }
0x73: {  	_ =	shalt  }
0x74: {  	_ =	shalt  }
0x75: {  	_ =	shalt  }
0x76: {  	_ =	shalt  }
0x77: {  	_ =	shalt  }
0x78: {  	_ =	shalt  }
0x79: {  	_ =	shalt  }
0x7a: {  	_ =	shalt  }
0x7b: {  	_ =	shalt  }
0x7c: {  	_ =	shalt  }
0x7d: {  	_ =	shalt  }
0x7e: {  	_ =	shalt  }
0x7f: {  	_ =	shalt  }
0x80: {  	_ =	shalt  }
0x81: {  	_ =	shalt  }
0x82: {  	_ =	shalt  }
0x83: {  	_ =	shalt  }
0x84: {  	_ =	shalt  }
0x85: {  	_ =	shalt  }
0x86: {  	_ =	shalt  }
0x87: {  	_ =	shalt  }
.Lfunc_end0:
.L_simem_size_0:
called_computation.2_lowered:
.L_overlay_start_0:
0x88: {  	s2 =	sld [smem:$0x3FD9]  }
0x89: {  	s3 =	sld [smem:$0x3FFE];
	_ =	sdelay $0x1  }
0x8a: {  	s1 =	srdreg.scid  }
0x8b: {  	s0 =	sand.u32 $0x1, s1  }
0x8c: {  	s17 =	sshll.u32 s0, $0xA;
	s2 =	sadd.s32 s3, s2  }
0x8d: {  	s2 =	sadd.s32 s2, s17  }
0x8e: {  	[smem:$0x3FBC] =	sst s2  }
0x8f: {  	_ = 	snop  }
0x90: {  	s2 =	sld [smem:$0x3FC6];
	(tm) =	ssettm $0x1  }
0x91: {  	s18 =	sld [smem:$0x3FFB];
	_ =	sdelay $0x3  }
0x92: {  	_ =	strace s18  }
0x93: {  	s3 =	sld [smem:$0x3FFC];
	_ =	sdelay $0x3  }
0x94: {  	_ =	strace s3  }
0x95: {  	s3 =	sld [smem:$0x3FFD];
	_ =	sdelay $0x3  }
0x96: {  	_ =	strace s3  }
0x97: {  	_ =	strace $0x8FFFFFFF  }
0x98: {  	s19 =	sld [smem:$0x3FDB];
	_ =	sdelay $0x1  }
0x99: {  	s4 =	simm.s32 $_scs_section_size  }
0x9a: {  	s5 =	simm.s32 $_size__tile_overlayer_lowered;
	s6 =	simm.s32 $_tile_overlayer_lowered  }
0x9b: {  	s22 =	simm.s32 $0x1BFF;
	s21 =	sshll.u32 s6, $0x1;
	s3 =	sadd.s32 s4, s19  }
0x9c: {  	s7 =	simm.s32 $0x0;
	s20 =	sshll.u32 s5, $0x1;
	s5 =	sadd.s32 s21, s3  }
0x9d: {  	[timem:s7], [sflag:s22] =	dma.local [hbm:s5], s20  }
0x9e: {  	_ =	swait.ge [sflag:s22], s20  }
0x9f: {  	s4 =	ssub.s32 $0x0, s20;
	[sflag:s22] =	ssyncset.done $0x0  }
0xa0: {  	[sflag:s22] =	ssyncadd.s32 s4;
	_ =	sdelay $0x1  }
0xa1: {  	s23 =	simm.s32 $0x1B8B  }
0xa2: {  	_ =	swait.ge [sflag:s23], $0x1  }
0xa3: {  	[sflag:s23] =	ssyncset.done $0x0  }
0xa4: {  	s25 =	simm.s32 $0x1B8E;
	s24 =	sld [smem:$0x3FFE];
	[sflag:s23] =	ssyncadd.s32 $0xFFFFFFFF  }
0xa5: {  	s26 =	simm.s32 $execute0_lowered;
	[smem:$0x3FD2] =	sst s25  }
0xa6: {  	s5 =	sshll.u32 s26, $0x1;
	_ =	strace $0x8000004C;
	[dreg:$0x1] =	wrdreg $0xFFFFFFFF  }
0xa7: {  	s28 =	simm.s32 $_size_execute0_lowered;
	s3 =	sadd.s32 s3, s5;
	[dreg:$0x0] =	wrdreg $0x0  }
0xa8: {  	s5 =	sshll.u32 s28, $0x1;
	[dreg:$0x2] =	wrdreg s3  }
0xa9: {  	[dreg:$0x3] =	wrdreg s5  }
0xaa: {  	[dreg:$0x4] =	wrdreg $0xC0  }
0xab: {  	_ =	task [dreg:s7], $0x5FFFF  }
0xac: {  	[dreg:$0x1] =	wrdreg $0xFFFFFFFF  }
0xad: {  	[dreg:$0x0] =	wrdreg $0x60  }
0xae: {  	[dreg:$0x2] =	wrdreg s2  }
0xaf: {  	[dreg:$0x3] =	wrdreg s24  }
0xb0: {  	[dreg:$0x4] =	wrdreg $0x9  }
0xb1: {  	_ =	task.clear_ibuf [dreg:s7], $0x5FFFF;
	_ =	strace $0x9000004C  }
0xb2: {  	s29 =	simm.s32 $0x9;
	_ =	strace $0x8000004E  }
0xb3: {  	_ =	swait.ge [sflag:s29], $0x1  }
0xb4: {  	[sflag:s29] =	ssyncadd.s32 $0xFFFFFFFF  }
0xb5: {  	_ =	strace $0x9000004E  }
0xb6: {  	_ =	sfence  }
0xb7: {  	s30 =	sld [smem:$0x0];
	_ =	sdelay $0x2  }
0xb8: {  	s31 =	sshll.u32 s1, $0xD;
	s1 =	sshrl.u32 s1, $0x2  }
0xb9: {  	s3 =	sand.u32 $0x4000, s31;
	s1 =	sadd.s32 s1, s30  }
0xba: {  	s0 =	sor.u32 s3, s0;
	s1 =	sshll.u32 s1, $0x11  }
0xbb: {  	s0 =	sor.u32 s1, s0  }
0xbc: {  	s0 =	sadd.s32 $0x8F2B, s0  }
0xbd: {  	[sflag:s0] =	ssyncadd.remote.s32 $0x1  }
0xbe: {  	_ =	sfence.sel $0xFFFF  }
0xbf: {  	[dreg:$0x0] =	wrdreg $0xFFFFFFFF;
	(pc) =	sbr.abs _section_cstart, $3  }
0xc0: {  	[dreg:$0x1] =	wrdreg $0xFFFFFFFF  }
0xc1: {  	_ =	task.clear_ibuf [dreg:s7], $0x2FFFF;
	_ =	strace $0x9FFFFFFF  }
0xc2: {  	(tm) =	ssettm $0x7FFFFFFF  }
0xc3: {  	_ =	shalt  }
tec
execute0_lowered:
.L_overlay_start_1:
0x0: {  	(tag) =	ssettag $0x1  }
0x1: {  	s2 =	rddreg [dreg:$0x0]  }
0x2: {  	s8 =	rddreg [dreg:$0x1]  }
0x3: {  	s0 =	rddreg [dreg:$0x2];
	s1 =	stileid.u32  }
0x4: {  	s3 =	srdreg.scid;
	_ =	strace $0x8000004D;
	s4 =	simm.s32 $0x1  }
0x5: {  	s7 =	simm.s32 $0x1;
	s9 =	simm.s32 $0x1;
	s10 =	simm.s32 $0x3  }
0x6: {  	s13 =	simm.s32 $0x0;
	s5 =	sand.u32 $0x1, s3;
	s6 =	sshll.u32 s1, $0x1  }
0x7: {  	s12 =	simm.s32 $0x0;
	s3 =	sadd.s32 $0x3600, s8;
	s5 =	sor.u32 s6, s5  }
.Ltmp0:
0x8: {  	[sflag:s4] =	ssyncpa.u1 $0x0;
	p0 =	slt.u32 s5, $0x9;
	(pc) =	sbr.rel .LBB2_1-.Ltmp0, $4  }
0x9: {  	s6 =	simm.s32 $0x2;
	s7 =	simm.s32 @!p0 $0x0;
	p0 =	sne.s32 s5, $0x8  }
0xa: {  	[sflag:s6] =	ssyncpa.u1 $0x0;
	s5 =	smul.u32 $0x1F40, s5;
	s9 =	simm.s32 @!p0 $0x0  }
0xb: {  	s8 =	sadd.s32 $0x1A200, s8;
	[sflag:s10] =	ssyncpa.u1 $0x0;
	s7 =	sadd.s32 s9, s7  }
0xc: {  	vm0 =	vmmov $0xffff;
	s10 =	simm.s32 $0x0;
	s11 =	smov.u32 s5;
	s9 =	sadd.s32 $0x1, s7  }
.LBB2_4:
0xd: {  	v2 =	vnsel vm1, $0x0, v2  }
0xe: {  	vm1 =	vgt.s32 v0, $0x0;
	v2 =	vmin.u32 v2, $0x4E1FF  }
0xf: {  	v0 =	vnsel vm1, $0x0, v0  }
0x10: {  	v0 =	vmin.u32 v0, $0x4E1FF  }
0x11: {  	[tilespmem:s18], [sflag:$0x1] =	stream.indirect_vreg.gather [hbm4b:s2+s10], $0x1, v1, vm0, $0x4038;
	[tilespmem:$0x7D00] =	vst v63  }
0x12: {  	(ifvalue) =	ssetifvalue $0x7FFFFFFF  }
0x13: {  	[tilespmem:s15], [sflag:$0x1] =	stream.indirect_vreg.gather [hbm4b:s2+s10], $0x1, v2, vm0, $0x4038;
	[tilespmem:$0x7D00] =	vst v63  }
0x14: {  	s29 =	sadd.s32 $0x10, s15;
	(ifvalue) =	ssetifvalue $0x7FFFFFFF  }
0x15: {  	[tilespmem:s29], [sflag:$0x1] =	stream.indirect_vreg.gather [hbm4b:s2+s10], $0x1, v0, vm0, $0x4038;
	[tilespmem:$0x7D00] =	vst v63  }
0x16: {  	_ =	swait.ge [sflag:s4], $0x1F40  }
0x17: {  	s30 =	sshrl.u32 s13, $0x3;
	[sflag:s4] =	ssyncset.done $0x0  }
0x18: {  	s31 =	sand.u32 $0x7, s13;
	s15 =	sadd.s32 s8, s30;
	[sflag:s4] =	ssyncadd.s32 $0xFFFFE0C0  }
0x19: {  	[hbm4b:s15+s31] =	stream.linear.scatter [tilespmem:s14], [sflag:$0x3], $0x1F40, $0x38;
	[tilespmem:$0x7D00] =	vst v63  }
.LBB2_5:
0x1a: {  	s15 =	sadd.s32 $0x3E800, s11  }
0x1b: {  	p1 =	sgt.s32 s15, $0x4E1FF  }
0x1c: {  	s15 =	smov.u32 @p1 s5;
	p1 =	sne.s32 s12, s9  }
.Ltmp1:
0x1d: {  	p0 =	slt.u32 s12, $0x2;
	(pc) =	sbr.rel @!p1 .LBB2_6-.Ltmp1, $4  }
0x1e: {  	s14 =	simm.s32 @!p0 $0x3  }
0x1f: {  	_ =	swait.ge @!p0 [sflag:s14], $0x1F40  }
0x20: {  	s16 =	sadd.s32 $0x1, s12;
	s13 =	smov.u32 s11;
	[sflag:s14] =	ssyncset.done @!p0 $0x0  }
0x21: {  	s12 =	smov.u32 s16;
	s11 =	smov.u32 s15;
	[sflag:s14] =	ssyncadd.s32 @!p0 $0xFFFFE0C0  }
.LBB2_1:
0x22: {  	p0 =	sge.u32 s12, s7  }
0x23: {  	s14 =	sxor.u32 @!p0 $0x1, s12  }
0x24: {  	s14 =	smul.u32 @!p0 $0x7D00, s14  }
0x25: {  	s31 =	sadd.s32 $0xFFFFFFFF, s12;
	s15 =	sshrl.u32 @!p0 s11, $0x3  }
0x26: {  	s16 =	sand.u32 @!p0 $0x7, s11;
	s15 =	sadd.s32 @!p0 s3, s15;
	s14 =	sshra.s32 @!p0 s14, $0x2  }
0x27: {  	[tilespmem:s14], [sflag:$0x2] =	stream.linear.gather @!p0 [hbm4b:s15+s16], $0x1F40, $0x38;
	[tilespmem:$0x7D00] =	vst v63  }
0x28: {  	p0 =	sge.u32 s31, s7  }
.Ltmp2:
0x29: {  	_ = 	snop;
	(pc) =	sbr.rel @p0 .LBB2_5-.Ltmp2, $1  }
0x2a: {  	_ =	sdelay $0x3  }
0x2b: {  	s14 =	sand.u32 $0x1, s12  }
0x2c: {  	_ =	swait.ge [sflag:s6], $0x1F40;
	p0 =	seq.s32 s14, $0x1;
	s14 =	simm.s32 $0x1F40  }
0x2d: {  	[sflag:s6] =	ssyncset.done $0x0;
	s14 =	simm.s32 @!p0 $0x0  }
0x2e: {  	[sflag:s6] =	ssyncadd.s32 $0xFFFFE0C0;
	(ifvalue) =	ssetifvalue $0x7FFFFFFF;
	v0 =	vld.msk [tilespmem:s14+$0x0 ss:$0x1], $0xffff;
	_ =	sdelay $0x4  }
0x2f: {  	s15 =	sadd.s32 $0x10, s14;
	vm1 =	vgt.s32 v0, $0x0  }
0x30: {  	v2 =	vld.msk [tilespmem:s15+$0x0 ss:$0x1], $0xffff;
	v1 =	vnsel vm1, $0x0, v0  }
0x31: {  	v1 =	vmin.u32 v1, $0x4E1FF;
	_ =	sdelay $0x2  }
0x32: {  	s17 =	simm.s32 $0x20;
	s14 =	sadd.s32 $0x3E80, s14;
	s16 =	sadd.s32 $0x10, s15  }
0x33: {  	s15 =	sadd.s32 $0x10, s14;
	s18 =	smov.u32 s14;
	v0 =	vld.msk [tilespmem:s16+$0x0 ss:$0x1], $0xffff;
	vm1 =	vgt.s32 v2, $0x0;
	(ifvalue) =	ssetifvalue $0x7FFFFFFF  }
.LBB2_3:
0x34: {  	[tilespmem:s18], [sflag:$0x1] =	stream.indirect_vreg.gather [hbm4b:s2+s10], $0x1, v1, vm0, $0x4038;
	[tilespmem:$0x7D00] =	vst v63  }
0x35: {  	s17 =	sadd.s32 $0x10, s17  }
0x36: {  	v2 =	vnsel vm1, $0x0, v2;
	p0 =	slt.u32 s17, $0x1F30  }
.Ltmp3:
0x37: {  	s18 =	smov.u32 s15;
	v1 =	vmin.u32 v2, $0x4E1FF;
	(pc) =	sbr.rel @p0 .LBB2_3-.Ltmp3, $3  }
0x38: {  	_ =	sdelay $0x1  }
0x39: {  	s16 =	sadd.s32 $0x10, s16  }
0x3a: {  	vm1 =	vgt.s32 v0, $0x0;
	s15 =	sadd.s32 $0x10, s15;
	v2 =	vmov v0;
	(ifvalue) =	ssetifvalue $0x7FFFFFFF;
	v0 =	vld.msk [tilespmem:s16+$0x0 ss:$0x1], $0xffff  }
.Ltmp4:
0x3b: {  	_ = 	snop;
	(pc) =	sbr.rel .LBB2_4-.Ltmp4, $1  }
0x3c: {  	_ =	sdelay $0x3  }
.LBB2_6:
0x3d: {  	_ =	sfence.sel $0x180000  }
0x3e: {  	s2 =	simm.s32 $0x2;
	[bflag:$0x0] =	sbarrier.arrive $0xFFFF  }
0x3f: {  	s30 =	simm.s32 $0x3;
	[sflag:s2] =	ssyncpa.u1 $0x1  }
0x40: {  	s31 =	simm.s32 $0x1;
	[sflag:s30] =	ssyncpa.u1 $0x1  }
0x41: {  	[sflag:s31] =	ssyncpa.u1 $0x1  }
0x42: {  	p0 =	sne.s32 s1, $0x0;
	_ =	strace $0x9000004D  }
0x43: {  	s0 =	sadd.s32 @!p0 $0x100000, s0;
	[bflag:$0x2] =	sbarrier.arrive $0xFFFF  }
0x44: {  	[sflag:s0] =	ssyncadd.tile.s32 @!p0 $0x1;
	_ =	shalt  }
.Lfunc_end2:
_tile_overlayer_lowered:
.L_overlay_start_2:
0x45: {  	(tag) =	ssettag $0x2  }
0x46: {  	s0 =	rddreg [dreg:$0x0];
	s2 =	stileid.u32  }
0x47: {  	s1 =	rddreg [dreg:$0x1];
	p0 =	sne.s32 s2, $0x0  }
0x48: {  	s3 =	rddreg [dreg:$0x2];
	[bflag:$0x3] =	sbarrier.arrive $0xFFFF;
	s2 =	simm.s32 @!p0 $0x1C01  }
0x49: {  	[timem:s3], [sflag:s2] =	dma.local @!p0 [hbm:s0], s1  }
0x4a: {  	s0 =	simm.s32 @!p0 $0x1  }
0x4b: {  	_ =	swait.ge @!p0 [sflag:s0], s1  }
0x4c: {  	s1 =	ssub.s32 @!p0 $0x0, s1;
	[sflag:s0] =	ssyncset.done @!p0 $0x0  }
0x4d: {  	[sflag:s0] =	ssyncadd.s32 @!p0 s1  }
0x4e: {  	[bflag:$0x3] =	sbarrier.arrive $0xFFFF  }
0x4f: {  	_ =	shalt  }

// kernel: gather_offload_async_start.3
scs
__scs_entry_jumppad:
0x0: {  	(pc) =	sbr.rel $0x88, $3  }
0x1: {  	(tag) =	ssettag $0x0;
	lr =	simm.s32 $0x1  }
0x2: {  	[smem:$0x3F95] =	sst lr;
	_ =	strace $0xD0000000  }
0x3: {  	_ = 	snop  }
0x4: {  	_ = 	snop  }
0x5: {  	_ = 	snop  }
0x6: {  	_ = 	snop  }
0x7: {  	_ = 	snop  }
__scs_overlays_trampoline_lowered:
0x8: {  	[smem:$0x3FA4] =	sst s0  }
0x9: {  	[smem:$0x3FA5] =	sst s1  }
0xa: {  	[smem:$0x3FA6] =	sst s2  }
0xb: {  	[smem:$0x3FA7] =	sst s3  }
0xc: {  	[smem:$0x3FA8] =	sst s4  }
0xd: {  	[smem:$0x3FA9] =	sst s5  }
0xe: {  	[smem:$0x3FAA] =	sst s6  }
0xf: {  	[smem:$0x3FAB] =	sst s7  }
0x10: {  	[smem:$0x3FAC] =	sst s8  }
0x11: {  	[smem:$0x3FAD] =	sst s9;
	s0 =	simm.s32 @!p0 $0x0  }
0x12: {  	s1 =	sld [smem:$0x3F93];
	s0 =	simm.s32 @p0 $0x1  }
0x13: {  	[smem:$0x3FAE] =	sst s0;
	s0 =	simm.s32 @!p1 $0x0  }
0x14: {  	s2 =	sld [smem:$0x3F92];
	s0 =	simm.s32 @p1 $0x1  }
0x15: {  	[smem:$0x3FAF] =	sst s0;
	s0 =	simm.s32 @!p2 $0x0  }
0x16: {  	s3 =	sld [smem:$0x3FDB];
	s0 =	simm.s32 @p2 $0x1  }
0x17: {  	s4 =	simm.s32 $0x1BF5;
	[smem:$0x3FB1] =	sst s0  }
0x18: {  	s0 =	sld [smem:$0x3F94];
	_ =	swait.ge [sflag:s4], $0x0  }
0x19: {  	s7 =	sld [smem:$0x3F95]  }
0x1a: {  	s8 =	sadd.s32 $0xFFFFE003, lr  }
0x1b: {  	s9 =	sadd.s32 $0xFFFFFEF7, lr;
	s5 =	simm.s32 $0xFFFFFFFF;
	p2 =	slt.u32 s8, $0xFFFFF086  }
0x1c: {  	p1 =	slt.u32 s9, $0xF7A;
	s5 =	simm.s32 @!p2 $0x0  }
0x1d: {  	s5 =	simm.s32 @p1 $0x1;
	p0 =	seq.s32 s7, s2  }
0x1e: {  	s7 =	smul.u32 @!p0 $0xF7A, s2;
	p2 =	seq.s32 @!p0 s5, $0x0  }
0x1f: {  	s9 =	smul.u32 $0xF7A, s1;
	s8 =	simm.s32 @!p0 $0x1BF5;
	p2 =	por !p2, p0  }
0x20: {  	[sflag:s8] =	ssyncset.s32 @!p0 $0xFFFFF086;
	s6 =	sadd.s32 @!p0 s3, s7;
	s7 =	simm.s32 @!p0 $0x108  }
0x21: {  	s3 =	sadd.s32 s3, s9;
	s6 =	sadd.s32 @!p0 $0x88, s6;
	s7 =	simm.s32 @p2 $0x1082  }
0x22: {  	[simem:s7], [sflag:s8] =	dma.local @!p0 [hbm:s6], $0xF7A  }
0x23: {  	s9 =	sor.u32 $0xD0000000, s2;
	s6 =	simm.s32 $0x108;
	_ =	swait.ge @!p0 [sflag:s8], $0x0  }
0x24: {  	s3 =	sadd.s32 $0x88, s3;
	s6 =	simm.s32 @!p1 $0x1082;
	[sflag:s4] =	ssyncset.s32 $0xFFFFF086  }
0x25: {  	[simem:s6], [sflag:s4] =	dma.local [hbm:s3], $0xF7A  }
0x26: {  	[smem:$0x3F95] =	sst s1;
	(tag) =	ssettag s2;
	_ =	strace s9  }
0x27: {  	s1 =	sld [smem:$0x3FA5]  }
0x28: {  	s2 =	sld [smem:$0x3FA6]  }
0x29: {  	s4 =	sld [smem:$0x3FA8]  }
0x2a: {  	p0 =	seq.s32 s5, $0x0;
	s5 =	sld [smem:$0x3FA9]  }
0x2b: {  	s6 =	sld [smem:$0x3FAA]  }
0x2c: {  	s7 =	sld [smem:$0x3FAB]  }
0x2d: {  	s3 =	simm.s32 $0x108;
	s8 =	sld [smem:$0x3FAC]  }
0x2e: {  	s3 =	simm.s32 @!p0 $0x1082;
	s9 =	sld [smem:$0x3FAD]  }
0x2f: {  	lr =	sadd.s32 s0, s3;
	s0 =	sld [smem:$0x3FA4]  }
0x30: {  	s3 =	sld [smem:$0x3FA7]  }
0x31: {  	[smem:$0x3FB0] =	sst s10  }
0x32: {  	s10 =	sld [smem:$0x3FAE];
	_ =	sdelay $0x3  }
0x33: {  	p0 =	seq.s32 s10, $0x1;
	s10 =	sld [smem:$0x3FB0];
	_ =	sdelay $0x3  }
0x34: {  	[smem:$0x3FB0] =	sst s10  }
0x35: {  	s10 =	sld [smem:$0x3FAF];
	_ =	sdelay $0x3  }
0x36: {  	p1 =	seq.s32 s10, $0x1;
	s10 =	sld [smem:$0x3FB0];
	_ =	sdelay $0x3  }
0x37: {  	[smem:$0x3FB0] =	sst s10  }
0x38: {  	s10 =	sld [smem:$0x3FB1]  }
0x39: {  	_ = 	snop;
	(pc) =	sbr.ind lr, $3  }
0x3a: {  	_ = 	snop  }
0x3b: {  	_ = 	snop  }
0x3c: {  	p2 =	seq.s32 s10, $0x1;
	s10 =	sld [smem:$0x3FB0]  }
0x3d: {  	_ =	shalt  }
0x3e: {  	_ =	shalt  }
0x3f: {  	_ =	shalt  }
0x40: {  	_ =	shalt  }
0x41: {  	_ =	shalt  }
0x42: {  	_ =	shalt  }
0x43: {  	_ =	shalt  }
0x44: {  	_ =	shalt  }
0x45: {  	_ =	shalt  }
0x46: {  	_ =	shalt  }
0x47: {  	_ =	shalt  }
0x48: {  	_ =	shalt  }
0x49: {  	_ =	shalt  }
0x4a: {  	_ =	shalt  }
0x4b: {  	_ =	shalt  }
0x4c: {  	_ =	shalt  }
0x4d: {  	_ =	shalt  }
0x4e: {  	_ =	shalt  }
0x4f: {  	_ =	shalt  }
0x50: {  	_ =	shalt  }
0x51: {  	_ =	shalt  }
0x52: {  	_ =	shalt  }
0x53: {  	_ =	shalt  }
0x54: {  	_ =	shalt  }
0x55: {  	_ =	shalt  }
0x56: {  	_ =	shalt  }
0x57: {  	_ =	shalt  }
0x58: {  	_ =	shalt  }
0x59: {  	_ =	shalt  }
0x5a: {  	_ =	shalt  }
0x5b: {  	_ =	shalt  }
0x5c: {  	_ =	shalt  }
0x5d: {  	_ =	shalt  }
0x5e: {  	_ =	shalt  }
0x5f: {  	_ =	shalt  }
0x60: {  	_ =	shalt  }
0x61: {  	_ =	shalt  }
0x62: {  	_ =	shalt  }
0x63: {  	_ =	shalt  }
0x64: {  	_ =	shalt  }
0x65: {  	_ =	shalt  }
0x66: {  	_ =	shalt  }
0x67: {  	_ =	shalt  }
0x68: {  	_ =	shalt  }
0x69: {  	_ =	shalt  }
0x6a: {  	_ =	shalt  }
0x6b: {  	_ =	shalt  }
0x6c: {  	_ =	shalt  }
0x6d: {  	_ =	shalt  }
0x6e: {  	_ =	shalt  }
0x6f: {  	_ =	shalt  }
0x70: {  	_ =	shalt  }
0x71: {  	_ =	shalt  }
0x72: {  	_ =	shalt  }
0x73: {  	_ =	shalt  }
0x74: {  	_ =	shalt  }
0x75: {  	_ =	shalt  }
0x76: {  	_ =	shalt  }
0x77: {  	_ =	shalt  }
0x78: {  	_ =	shalt  }
0x79: {  	_ =	shalt  }
0x7a: {  	_ =	shalt  }
0x7b: {  	_ =	shalt  }
0x7c: {  	_ =	shalt  }
0x7d: {  	_ =	shalt  }
0x7e: {  	_ =	shalt  }
0x7f: {  	_ =	shalt  }
0x80: {  	_ =	shalt  }
0x81: {  	_ =	shalt  }
0x82: {  	_ =	shalt  }
0x83: {  	_ =	shalt  }
0x84: {  	_ =	shalt  }
0x85: {  	_ =	shalt  }
0x86: {  	_ =	shalt  }
0x87: {  	_ =	shalt  }
.Lfunc_end0:
.L_simem_size_0:
called_computation.3_lowered:
.L_overlay_start_0:
0x88: {  	s2 =	sld [smem:$0x3FD9]  }
0x89: {  	s3 =	sld [smem:$0x3FFE];
	_ =	sdelay $0x1  }
0x8a: {  	s1 =	srdreg.scid  }
0x8b: {  	s0 =	sand.u32 $0x1, s1  }
0x8c: {  	s17 =	sshll.u32 s0, $0xA;
	s2 =	sadd.s32 s3, s2  }
0x8d: {  	s2 =	sadd.s32 s2, s17  }
0x8e: {  	[smem:$0x3FBC] =	sst s2  }
0x8f: {  	_ = 	snop  }
0x90: {  	s18 =	sld [smem:$0x3FC6];
	(tm) =	ssettm $0x1  }
0x91: {  	s19 =	sld [smem:$0x3FFB];
	_ =	sdelay $0x3  }
0x92: {  	_ =	strace s19  }
0x93: {  	s2 =	sld [smem:$0x3FFC];
	_ =	sdelay $0x3  }
0x94: {  	_ =	strace s2  }
0x95: {  	s2 =	sld [smem:$0x3FFD];
	_ =	sdelay $0x3  }
0x96: {  	_ =	strace s2  }
0x97: {  	_ =	strace $0x8FFFFFFF  }
0x98: {  	s20 =	sld [smem:$0x3FDB];
	_ =	sdelay $0x1  }
0x99: {  	s4 =	simm.s32 $_scs_section_size  }
0x9a: {  	s5 =	simm.s32 $_size__tile_overlayer_lowered;
	s6 =	simm.s32 $_tile_overlayer_lowered  }
0x9b: {  	s7 =	simm.s32 $0x1BFF;
	s21 =	sshll.u32 s6, $0x1;
	s4 =	sadd.s32 s4, s20  }
0x9c: {  	s22 =	simm.s32 $0x0;
	s5 =	sshll.u32 s5, $0x1;
	s6 =	sadd.s32 s21, s4  }
0x9d: {  	[timem:s22], [sflag:s7] =	dma.local [hbm:s6], s5  }
0x9e: {  	_ =	swait.ge [sflag:s7], s5  }
0x9f: {  	s5 =	ssub.s32 $0x0, s5;
	[sflag:s7] =	ssyncset.done $0x0  }
0xa0: {  	[sflag:s7] =	ssyncadd.s32 s5;
	_ =	sdelay $0x1  }
0xa1: {  	s23 =	simm.s32 $0x1B8B  }
0xa2: {  	_ =	swait.ge [sflag:s23], $0x1  }
0xa3: {  	[sflag:s23] =	ssyncset.done $0x0  }
0xa4: {  	[sflag:s23] =	ssyncadd.s32 $0xFFFFFFFF  }
0xa5: {  	s5 =	sld [smem:$0x0]  }
0xa6: {  	s6 =	sand.u32 $0xFFFFFFFE, s1  }
0xa7: {  	p0 =	sne.s32 s1, s6  }
0xa8: {  	s6 =	sshll.u32 @p0 s6, $0xE  }
0xa9: {  	s6 =	sadd.s32 @p0 $0x11B8D, s6;
	s7 =	sshll.u32 @p0 s5, $0x11  }
0xaa: {  	s6 =	sor.u32 @p0 s7, s6  }
0xab: {  	[sflag:s6] =	ssyncadd.remote.s32 @p0 $0x1;
	_ =	sdelay $0x1  }
0xac: {  	s6 =	simm.s32 @p0 $0x1B8D  }
0xad: {  	_ =	swait.eq @p0 [sflag:s6], $0x1  }
0xae: {  	[sflag:s6] =	ssyncadd.s32 @p0 $0xFFFFFFFF  }
0xaf: {  	s7 =	sshll.u32 @!p0 s1, $0xE  }
0xb0: {  	s7 =	sor.u32 @!p0 $0x4000, s7;
	s6 =	simm.s32 @!p0 $0x1B8D  }
0xb1: {  	s5 =	sshll.u32 @!p0 s5, $0x11;
	s7 =	sadd.s32 @!p0 $0x11B8D, s7;
	_ =	swait.eq @!p0 [sflag:s6], $0x1  }
0xb2: {  	s5 =	sor.u32 @!p0 s5, s7;
	[sflag:s6] =	ssyncadd.s32 @!p0 $0xFFFFFFFF  }
0xb3: {  	s25 =	simm.s32 $0x1B8E;
	s24 =	sld [smem:$0x3FFE];
	[sflag:s5] =	ssyncadd.remote.s32 @!p0 $0x1  }
0xb4: {  	s26 =	simm.s32 $execute0_lowered;
	[smem:$0x3FD2] =	sst s25  }
0xb5: {  	s6 =	sshll.u32 s26, $0x1;
	_ =	strace $0x8000004F;
	[dreg:$0x1] =	wrdreg $0xFFFFFFFF  }
0xb6: {  	s28 =	simm.s32 $_size_execute0_lowered;
	s4 =	sadd.s32 s4, s6;
	[dreg:$0x0] =	wrdreg $0x0  }
0xb7: {  	s6 =	sshll.u32 s28, $0x1;
	[dreg:$0x2] =	wrdreg s4  }
0xb8: {  	[dreg:$0x3] =	wrdreg s6  }
0xb9: {  	[dreg:$0x4] =	wrdreg $0xC0  }
0xba: {  	_ =	task [dreg:s22], $0x5FFFF  }
0xbb: {  	[dreg:$0x1] =	wrdreg $0xFFFFFFFF  }
0xbc: {  	[dreg:$0x0] =	wrdreg $0x60  }
0xbd: {  	[dreg:$0x2] =	wrdreg s18  }
0xbe: {  	[dreg:$0x3] =	wrdreg s24  }
0xbf: {  	[dreg:$0x4] =	wrdreg $0xA  }
0xc0: {  	_ =	task.clear_ibuf [dreg:s22], $0x5FFFF;
	_ =	strace $0x9000004F  }
0xc1: {  	s29 =	simm.s32 $0xA;
	_ =	strace $0x80000051  }
0xc2: {  	_ =	swait.ge [sflag:s29], $0x1  }
0xc3: {  	[sflag:s29] =	ssyncadd.s32 $0xFFFFFFFF  }
0xc4: {  	_ =	strace $0x90000051  }
0xc5: {  	_ =	sfence  }
0xc6: {  	s30 =	sld [smem:$0x0];
	_ =	sdelay $0x2  }
0xc7: {  	s31 =	sshll.u32 s1, $0xD;
	s1 =	sshrl.u32 s1, $0x2  }
0xc8: {  	s4 =	sand.u32 $0x4000, s31;
	s1 =	sadd.s32 s1, s30  }
0xc9: {  	s0 =	sor.u32 s4, s0;
	s1 =	sshll.u32 s1, $0x11  }
0xca: {  	s0 =	sor.u32 s1, s0  }
0xcb: {  	s0 =	sadd.s32 $0x8F2B, s0  }
0xcc: {  	[sflag:s0] =	ssyncadd.remote.s32 $0x1  }
0xcd: {  	_ =	sfence.sel $0xFFFF  }
0xce: {  	[dreg:$0x0] =	wrdreg $0xFFFFFFFF;
	(pc) =	sbr.abs _section_cstart, $3  }
0xcf: {  	[dreg:$0x1] =	wrdreg $0xFFFFFFFF  }
0xd0: {  	_ =	task.clear_ibuf [dreg:s22], $0x2FFFF;
	_ =	strace $0x9FFFFFFF  }
0xd1: {  	(tm) =	ssettm $0x7FFFFFFF  }
tec
execute0_lowered:
.L_overlay_start_1:
0x0: {  	(tag) =	ssettag $0x1  }
0x1: {  	s2 =	rddreg [dreg:$0x0]  }
0x2: {  	s8 =	rddreg [dreg:$0x1]  }
0x3: {  	s0 =	rddreg [dreg:$0x2];
	s1 =	stileid.u32  }
0x4: {  	s3 =	srdreg.scid;
	_ =	strace $0x80000050;
	s4 =	simm.s32 $0x1  }
0x5: {  	s7 =	simm.s32 $0x1;
	s9 =	simm.s32 $0x1;
	s10 =	simm.s32 $0x3  }
0x6: {  	s13 =	simm.s32 $0x0;
	s5 =	sand.u32 $0x1, s3;
	s6 =	sshll.u32 s1, $0x1  }
0x7: {  	s12 =	simm.s32 $0x0;
	s3 =	sadd.s32 $0xD400, s8;
	s5 =	sor.u32 s6, s5  }
.Ltmp0:
0x8: {  	[sflag:s4] =	ssyncpa.u1 $0x0;
	p0 =	slt.u32 s5, $0x9;
	(pc) =	sbr.rel .LBB2_1-.Ltmp0, $4  }
0x9: {  	s6 =	simm.s32 $0x2;
	s7 =	simm.s32 @!p0 $0x0;
	p0 =	sne.s32 s5, $0x8  }
0xa: {  	[sflag:s6] =	ssyncpa.u1 $0x0;
	s5 =	smul.u32 $0x1F40, s5;
	s9 =	simm.s32 @!p0 $0x0  }
0xb: {  	s8 =	sadd.s32 $0x86400, s8;
	[sflag:s10] =	ssyncpa.u1 $0x0;
	s7 =	sadd.s32 s9, s7  }
0xc: {  	vm0 =	vmmov $0xffff;
	s10 =	simm.s32 $0x0;
	s11 =	smov.u32 s5;
	s9 =	sadd.s32 $0x1, s7  }
.LBB2_4:
0xd: {  	v2 =	vnsel vm1, $0x0, v2  }
0xe: {  	vm1 =	vgt.s32 v0, $0x0;
	v2 =	vmin.u32 v2, $0x4E1FF  }
0xf: {  	v0 =	vnsel vm1, $0x0, v0  }
0x10: {  	v0 =	vmin.u32 v0, $0x4E1FF  }
0x11: {  	[tilespmem:s18], [sflag:$0x1] =	stream.indirect_vreg.gather [hbm4b:s2+s10], $0x1, v1, vm0, $0x4038;
	[tilespmem:$0x7D00] =	vst v63  }
0x12: {  	(ifvalue) =	ssetifvalue $0x7FFFFFFF  }
0x13: {  	[tilespmem:s15], [sflag:$0x1] =	stream.indirect_vreg.gather [hbm4b:s2+s10], $0x1, v2, vm0, $0x4038;
	[tilespmem:$0x7D00] =	vst v63  }
0x14: {  	s29 =	sadd.s32 $0x10, s15;
	(ifvalue) =	ssetifvalue $0x7FFFFFFF  }
0x15: {  	[tilespmem:s29], [sflag:$0x1] =	stream.indirect_vreg.gather [hbm4b:s2+s10], $0x1, v0, vm0, $0x4038;
	[tilespmem:$0x7D00] =	vst v63  }
0x16: {  	_ =	swait.ge [sflag:s4], $0x1F40  }
0x17: {  	s30 =	sshrl.u32 s13, $0x3;
	[sflag:s4] =	ssyncset.done $0x0  }
0x18: {  	s31 =	sand.u32 $0x7, s13;
	s15 =	sadd.s32 s8, s30;
	[sflag:s4] =	ssyncadd.s32 $0xFFFFE0C0  }
0x19: {  	[hbm4b:s15+s31] =	stream.linear.scatter [tilespmem:s14], [sflag:$0x3], $0x1F40, $0x38;
	[tilespmem:$0x7D00] =	vst v63  }
.LBB2_5:
0x1a: {  	s15 =	sadd.s32 $0x3E800, s11  }
0x1b: {  	p1 =	sgt.s32 s15, $0x4E1FF  }
0x1c: {  	s15 =	smov.u32 @p1 s5;
	p1 =	sne.s32 s12, s9  }
.Ltmp1:
0x1d: {  	p0 =	slt.u32 s12, $0x2;
	(pc) =	sbr.rel @!p1 .LBB2_6-.Ltmp1, $4  }
0x1e: {  	s14 =	simm.s32 @!p0 $0x3  }
0x1f: {  	_ =	swait.ge @!p0 [sflag:s14], $0x1F40  }
0x20: {  	s16 =	sadd.s32 $0x1, s12;
	s13 =	smov.u32 s11;
	[sflag:s14] =	ssyncset.done @!p0 $0x0  }
0x21: {  	s12 =	smov.u32 s16;
	s11 =	smov.u32 s15;
	[sflag:s14] =	ssyncadd.s32 @!p0 $0xFFFFE0C0  }
.LBB2_1:
0x22: {  	p0 =	sge.u32 s12, s7  }
0x23: {  	s14 =	sxor.u32 @!p0 $0x1, s12  }
0x24: {  	s14 =	smul.u32 @!p0 $0x7D00, s14  }
0x25: {  	s31 =	sadd.s32 $0xFFFFFFFF, s12;
	s15 =	sshrl.u32 @!p0 s11, $0x3  }
0x26: {  	s16 =	sand.u32 @!p0 $0x7, s11;
	s15 =	sadd.s32 @!p0 s3, s15;
	s14 =	sshra.s32 @!p0 s14, $0x2  }
0x27: {  	[tilespmem:s14], [sflag:$0x2] =	stream.linear.gather @!p0 [hbm4b:s15+s16], $0x1F40, $0x38;
	[tilespmem:$0x7D00] =	vst v63  }
0x28: {  	p0 =	sge.u32 s31, s7  }
.Ltmp2:
0x29: {  	_ = 	snop;
	(pc) =	sbr.rel @p0 .LBB2_5-.Ltmp2, $1  }
0x2a: {  	_ =	sdelay $0x3  }
0x2b: {  	s14 =	sand.u32 $0x1, s12  }
0x2c: {  	_ =	swait.ge [sflag:s6], $0x1F40;
	p0 =	seq.s32 s14, $0x1;
	s14 =	simm.s32 $0x1F40  }
0x2d: {  	[sflag:s6] =	ssyncset.done $0x0;
	s14 =	simm.s32 @!p0 $0x0  }
0x2e: {  	[sflag:s6] =	ssyncadd.s32 $0xFFFFE0C0;
	(ifvalue) =	ssetifvalue $0x7FFFFFFF;
	v0 =	vld.msk [tilespmem:s14+$0x0 ss:$0x1], $0xffff;
	_ =	sdelay $0x4  }
0x2f: {  	s15 =	sadd.s32 $0x10, s14;
	vm1 =	vgt.s32 v0, $0x0  }
0x30: {  	v2 =	vld.msk [tilespmem:s15+$0x0 ss:$0x1], $0xffff;
	v1 =	vnsel vm1, $0x0, v0  }
0x31: {  	v1 =	vmin.u32 v1, $0x4E1FF;
	_ =	sdelay $0x2  }
0x32: {  	s17 =	simm.s32 $0x20;
	s14 =	sadd.s32 $0x3E80, s14;
	s16 =	sadd.s32 $0x10, s15  }
0x33: {  	s15 =	sadd.s32 $0x10, s14;
	s18 =	smov.u32 s14;
	v0 =	vld.msk [tilespmem:s16+$0x0 ss:$0x1], $0xffff;
	vm1 =	vgt.s32 v2, $0x0;
	(ifvalue) =	ssetifvalue $0x7FFFFFFF  }
.LBB2_3:
0x34: {  	[tilespmem:s18], [sflag:$0x1] =	stream.indirect_vreg.gather [hbm4b:s2+s10], $0x1, v1, vm0, $0x4038;
	[tilespmem:$0x7D00] =	vst v63  }
0x35: {  	s17 =	sadd.s32 $0x10, s17  }
0x36: {  	v2 =	vnsel vm1, $0x0, v2;
	p0 =	slt.u32 s17, $0x1F30  }
.Ltmp3:
0x37: {  	s18 =	smov.u32 s15;
	v1 =	vmin.u32 v2, $0x4E1FF;
	(pc) =	sbr.rel @p0 .LBB2_3-.Ltmp3, $3  }
0x38: {  	_ =	sdelay $0x1  }
0x39: {  	s16 =	sadd.s32 $0x10, s16  }
0x3a: {  	vm1 =	vgt.s32 v0, $0x0;
	s15 =	sadd.s32 $0x10, s15;
	v2 =	vmov v0;
	(ifvalue) =	ssetifvalue $0x7FFFFFFF;
	v0 =	vld.msk [tilespmem:s16+$0x0 ss:$0x1], $0xffff  }
.Ltmp4:
0x3b: {  	_ = 	snop;
	(pc) =	sbr.rel .LBB2_4-.Ltmp4, $1  }
0x3c: {  	_ =	sdelay $0x3  }
.LBB2_6:
0x3d: {  	_ =	sfence.sel $0x180000  }
0x3e: {  	s2 =	simm.s32 $0x2;
	[bflag:$0x0] =	sbarrier.arrive $0xFFFF  }
0x3f: {  	s30 =	simm.s32 $0x3;
	[sflag:s2] =	ssyncpa.u1 $0x1  }
0x40: {  	s31 =	simm.s32 $0x1;
	[sflag:s30] =	ssyncpa.u1 $0x1  }
0x41: {  	[sflag:s31] =	ssyncpa.u1 $0x1  }
0x42: {  	p0 =	sne.s32 s1, $0x0;
	_ =	strace $0x90000050  }
0x43: {  	s0 =	sadd.s32 @!p0 $0x100000, s0;
	[bflag:$0x2] =	sbarrier.arrive $0xFFFF  }
0x44: {  	[sflag:s0] =	ssyncadd.tile.s32 @!p0 $0x1;
	_ =	shalt  }
.Lfunc_end2:
_tile_overlayer_lowered:
.L_overlay_start_2:
0x45: {  	(tag) =	ssettag $0x2  }
0x46: {  	s0 =	rddreg [dreg:$0x0];
	s2 =	stileid.u32  }
0x47: {  	s1 =	rddreg [dreg:$0x1];
	p0 =	sne.s32 s2, $0x0  }
0x48: {  	s3 =	rddreg [dreg:$0x2];
	[bflag:$0x3] =	sbarrier.arrive $0xFFFF;
	s2 =	simm.s32 @!p0 $0x1C01  }
0x49: {  	[timem:s3], [sflag:s2] =	dma.local @!p0 [hbm:s0], s1  }
0x4a: {  	s0 =	simm.s32 @!p0 $0x1  }
0x4b: {  	_ =	swait.ge @!p0 [sflag:s0], s1  }
0x4c: {  	s1 =	ssub.s32 @!p0 $0x0, s1;
	[sflag:s0] =	ssyncset.done @!p0 $0x0  }
0x4d: {  	[sflag:s0] =	ssyncadd.s32 @!p0 s1  }
0x4e: {  	[bflag:$0x3] =	sbarrier.arrive $0xFFFF  }
0x4f: {  	_ =	shalt  }

// kernel: gather_offload_async_start
scs
__scs_entry_jumppad:
0x0: {  	(pc) =	sbr.rel $0x88, $3  }
0x1: {  	(tag) =	ssettag $0x0;
	lr =	simm.s32 $0x1  }
0x2: {  	[smem:$0x3F95] =	sst lr;
	_ =	strace $0xD0000000  }
0x3: {  	_ = 	snop  }
0x4: {  	_ = 	snop  }
0x5: {  	_ = 	snop  }
0x6: {  	_ = 	snop  }
0x7: {  	_ = 	snop  }
__scs_overlays_trampoline_lowered:
0x8: {  	[smem:$0x3FA4] =	sst s0  }
0x9: {  	[smem:$0x3FA5] =	sst s1  }
0xa: {  	[smem:$0x3FA6] =	sst s2  }
0xb: {  	[smem:$0x3FA7] =	sst s3  }
0xc: {  	[smem:$0x3FA8] =	sst s4  }
0xd: {  	[smem:$0x3FA9] =	sst s5  }
0xe: {  	[smem:$0x3FAA] =	sst s6  }
0xf: {  	[smem:$0x3FAB] =	sst s7  }
0x10: {  	[smem:$0x3FAC] =	sst s8  }
0x11: {  	[smem:$0x3FAD] =	sst s9;
	s0 =	simm.s32 @!p0 $0x0  }
0x12: {  	s1 =	sld [smem:$0x3F93];
	s0 =	simm.s32 @p0 $0x1  }
0x13: {  	[smem:$0x3FAE] =	sst s0;
	s0 =	simm.s32 @!p1 $0x0  }
0x14: {  	s2 =	sld [smem:$0x3F92];
	s0 =	simm.s32 @p1 $0x1  }
0x15: {  	[smem:$0x3FAF] =	sst s0;
	s0 =	simm.s32 @!p2 $0x0  }
0x16: {  	s3 =	sld [smem:$0x3FDB];
	s0 =	simm.s32 @p2 $0x1  }
0x17: {  	s4 =	simm.s32 $0x1BF5;
	[smem:$0x3FB1] =	sst s0  }
0x18: {  	s0 =	sld [smem:$0x3F94];
	_ =	swait.ge [sflag:s4], $0x0  }
0x19: {  	s7 =	sld [smem:$0x3F95]  }
0x1a: {  	s8 =	sadd.s32 $0xFFFFE003, lr  }
0x1b: {  	s9 =	sadd.s32 $0xFFFFFEF7, lr;
	s5 =	simm.s32 $0xFFFFFFFF;
	p2 =	slt.u32 s8, $0xFFFFF086  }
0x1c: {  	p1 =	slt.u32 s9, $0xF7A;
	s5 =	simm.s32 @!p2 $0x0  }
0x1d: {  	s5 =	simm.s32 @p1 $0x1;
	p0 =	seq.s32 s7, s2  }
0x1e: {  	s7 =	smul.u32 @!p0 $0xF7A, s2;
	p2 =	seq.s32 @!p0 s5, $0x0  }
0x1f: {  	s9 =	smul.u32 $0xF7A, s1;
	s8 =	simm.s32 @!p0 $0x1BF5;
	p2 =	por !p2, p0  }
0x20: {  	[sflag:s8] =	ssyncset.s32 @!p0 $0xFFFFF086;
	s6 =	sadd.s32 @!p0 s3, s7;
	s7 =	simm.s32 @!p0 $0x108  }
0x21: {  	s3 =	sadd.s32 s3, s9;
	s6 =	sadd.s32 @!p0 $0x88, s6;
	s7 =	simm.s32 @p2 $0x1082  }
0x22: {  	[simem:s7], [sflag:s8] =	dma.local @!p0 [hbm:s6], $0xF7A  }
0x23: {  	s9 =	sor.u32 $0xD0000000, s2;
	s6 =	simm.s32 $0x108;
	_ =	swait.ge @!p0 [sflag:s8], $0x0  }
0x24: {  	s3 =	sadd.s32 $0x88, s3;
	s6 =	simm.s32 @!p1 $0x1082;
	[sflag:s4] =	ssyncset.s32 $0xFFFFF086  }
0x25: {  	[simem:s6], [sflag:s4] =	dma.local [hbm:s3], $0xF7A  }
0x26: {  	[smem:$0x3F95] =	sst s1;
	(tag) =	ssettag s2;
	_ =	strace s9  }
0x27: {  	s1 =	sld [smem:$0x3FA5]  }
0x28: {  	s2 =	sld [smem:$0x3FA6]  }
0x29: {  	s4 =	sld [smem:$0x3FA8]  }
0x2a: {  	p0 =	seq.s32 s5, $0x0;
	s5 =	sld [smem:$0x3FA9]  }
0x2b: {  	s6 =	sld [smem:$0x3FAA]  }
0x2c: {  	s7 =	sld [smem:$0x3FAB]  }
0x2d: {  	s3 =	simm.s32 $0x108;
	s8 =	sld [smem:$0x3FAC]  }
0x2e: {  	s3 =	simm.s32 @!p0 $0x1082;
	s9 =	sld [smem:$0x3FAD]  }
0x2f: {  	lr =	sadd.s32 s0, s3;
	s0 =	sld [smem:$0x3FA4]  }
0x30: {  	s3 =	sld [smem:$0x3FA7]  }
0x31: {  	[smem:$0x3FB0] =	sst s10  }
0x32: {  	s10 =	sld [smem:$0x3FAE];
	_ =	sdelay $0x3  }
0x33: {  	p0 =	seq.s32 s10, $0x1;
	s10 =	sld [smem:$0x3FB0];
	_ =	sdelay $0x3  }
0x34: {  	[smem:$0x3FB0] =	sst s10  }
0x35: {  	s10 =	sld [smem:$0x3FAF];
	_ =	sdelay $0x3  }
0x36: {  	p1 =	seq.s32 s10, $0x1;
	s10 =	sld [smem:$0x3FB0];
	_ =	sdelay $0x3  }
0x37: {  	[smem:$0x3FB0] =	sst s10  }
0x38: {  	s10 =	sld [smem:$0x3FB1]  }
0x39: {  	_ = 	snop;
	(pc) =	sbr.ind lr, $3  }
0x3a: {  	_ = 	snop  }
0x3b: {  	_ = 	snop  }
0x3c: {  	p2 =	seq.s32 s10, $0x1;
	s10 =	sld [smem:$0x3FB0]  }
0x3d: {  	_ =	shalt  }
0x3e: {  	_ =	shalt  }
0x3f: {  	_ =	shalt  }
0x40: {  	_ =	shalt  }
0x41: {  	_ =	shalt  }
0x42: {  	_ =	shalt  }
0x43: {  	_ =	shalt  }
0x44: {  	_ =	shalt  }
0x45: {  	_ =	shalt  }
0x46: {  	_ =	shalt  }
0x47: {  	_ =	shalt  }
0x48: {  	_ =	shalt  }
0x49: {  	_ =	shalt  }
0x4a: {  	_ =	shalt  }
0x4b: {  	_ =	shalt  }
0x4c: {  	_ =	shalt  }
0x4d: {  	_ =	shalt  }
0x4e: {  	_ =	shalt  }
0x4f: {  	_ =	shalt  }
0x50: {  	_ =	shalt  }
0x51: {  	_ =	shalt  }
0x52: {  	_ =	shalt  }
0x53: {  	_ =	shalt  }
0x54: {  	_ =	shalt  }
0x55: {  	_ =	shalt  }
0x56: {  	_ =	shalt  }
0x57: {  	_ =	shalt  }
0x58: {  	_ =	shalt  }
0x59: {  	_ =	shalt  }
0x5a: {  	_ =	shalt  }
0x5b: {  	_ =	shalt  }
0x5c: {  	_ =	shalt  }
0x5d: {  	_ =	shalt  }
0x5e: {  	_ =	shalt  }
0x5f: {  	_ =	shalt  }
0x60: {  	_ =	shalt  }
0x61: {  	_ =	shalt  }
0x62: {  	_ =	shalt  }
0x63: {  	_ =	shalt  }
0x64: {  	_ =	shalt  }
0x65: {  	_ =	shalt  }
0x66: {  	_ =	shalt  }
0x67: {  	_ =	shalt  }
0x68: {  	_ =	shalt  }
0x69: {  	_ =	shalt  }
0x6a: {  	_ =	shalt  }
0x6b: {  	_ =	shalt  }
0x6c: {  	_ =	shalt  }
0x6d: {  	_ =	shalt  }
0x6e: {  	_ =	shalt  }
0x6f: {  	_ =	shalt  }
0x70: {  	_ =	shalt  }
0x71: {  	_ =	shalt  }
0x72: {  	_ =	shalt  }
0x73: {  	_ =	shalt  }
0x74: {  	_ =	shalt  }
0x75: {  	_ =	shalt  }
0x76: {  	_ =	shalt  }
0x77: {  	_ =	shalt  }
0x78: {  	_ =	shalt  }
0x79: {  	_ =	shalt  }
0x7a: {  	_ =	shalt  }
0x7b: {  	_ =	shalt  }
0x7c: {  	_ =	shalt  }
0x7d: {  	_ =	shalt  }
0x7e: {  	_ =	shalt  }
0x7f: {  	_ =	shalt  }
0x80: {  	_ =	shalt  }
0x81: {  	_ =	shalt  }
0x82: {  	_ =	shalt  }
0x83: {  	_ =	shalt  }
0x84: {  	_ =	shalt  }
0x85: {  	_ =	shalt  }
0x86: {  	_ =	shalt  }
0x87: {  	_ =	shalt  }
.Lfunc_end0:
.L_simem_size_0:
called_computation_lowered:
.L_overlay_start_0:
0x88: {  	s2 =	sld [smem:$0x3FD9]  }
0x89: {  	s3 =	sld [smem:$0x3FFE];
	_ =	sdelay $0x1  }
0x8a: {  	s1 =	srdreg.scid  }
0x8b: {  	s0 =	sand.u32 $0x1, s1  }
0x8c: {  	s17 =	sshll.u32 s0, $0xA;
	s2 =	sadd.s32 s3, s2  }
0x8d: {  	s2 =	sadd.s32 s2, s17  }
0x8e: {  	[smem:$0x3FBC] =	sst s2  }
0x8f: {  	_ = 	snop  }
0x90: {  	s2 =	sld [smem:$0x3FC7];
	(tm) =	ssettm $0x1  }
0x91: {  	s18 =	sld [smem:$0x3FFB];
	_ =	sdelay $0x3  }
0x92: {  	_ =	strace s18  }
0x93: {  	s3 =	sld [smem:$0x3FFC];
	_ =	sdelay $0x3  }
0x94: {  	_ =	strace s3  }
0x95: {  	s3 =	sld [smem:$0x3FFD];
	_ =	sdelay $0x3  }
0x96: {  	_ =	strace s3  }
0x97: {  	_ =	strace $0x8FFFFFFF  }
0x98: {  	s19 =	sld [smem:$0x3FDB];
	_ =	sdelay $0x1  }
0x99: {  	s4 =	simm.s32 $_scs_section_size  }
0x9a: {  	s5 =	simm.s32 $_size__tile_overlayer_lowered;
	s6 =	simm.s32 $_tile_overlayer_lowered  }
0x9b: {  	s22 =	simm.s32 $0x1BFF;
	s21 =	sshll.u32 s6, $0x1;
	s3 =	sadd.s32 s4, s19  }
0x9c: {  	s7 =	simm.s32 $0x0;
	s20 =	sshll.u32 s5, $0x1;
	s5 =	sadd.s32 s21, s3  }
0x9d: {  	[timem:s7], [sflag:s22] =	dma.local [hbm:s5], s20  }
0x9e: {  	_ =	swait.ge [sflag:s22], s20  }
0x9f: {  	s4 =	ssub.s32 $0x0, s20;
	[sflag:s22] =	ssyncset.done $0x0  }
0xa0: {  	[sflag:s22] =	ssyncadd.s32 s4;
	_ =	sdelay $0x1  }
0xa1: {  	s23 =	simm.s32 $0x1B8B  }
0xa2: {  	_ =	swait.ge [sflag:s23], $0x1  }
0xa3: {  	[sflag:s23] =	ssyncset.done $0x0  }
0xa4: {  	s25 =	simm.s32 $0x1B8E;
	s24 =	sld [smem:$0x3FFE];
	[sflag:s23] =	ssyncadd.s32 $0xFFFFFFFF  }
0xa5: {  	s26 =	simm.s32 $execute0_lowered;
	[smem:$0x3FD2] =	sst s25  }
0xa6: {  	s5 =	sshll.u32 s26, $0x1;
	_ =	strace $0x80000046;
	[dreg:$0x1] =	wrdreg $0xFFFFFFFF  }
0xa7: {  	s28 =	simm.s32 $_size_execute0_lowered;
	s3 =	sadd.s32 s3, s5;
	[dreg:$0x0] =	wrdreg $0x0  }
0xa8: {  	s5 =	sshll.u32 s28, $0x1;
	[dreg:$0x2] =	wrdreg s3  }
0xa9: {  	[dreg:$0x3] =	wrdreg s5  }
0xaa: {  	[dreg:$0x4] =	wrdreg $0xC0  }
0xab: {  	_ =	task [dreg:s7], $0x5FFFF  }
0xac: {  	[dreg:$0x1] =	wrdreg $0xFFFFFFFF  }
0xad: {  	[dreg:$0x0] =	wrdreg $0x60  }
0xae: {  	[dreg:$0x2] =	wrdreg s2  }
0xaf: {  	[dreg:$0x3] =	wrdreg s24  }
0xb0: {  	[dreg:$0x4] =	wrdreg $0x9  }
0xb1: {  	_ =	task.clear_ibuf [dreg:s7], $0x5FFFF;
	_ =	strace $0x90000046  }
0xb2: {  	s29 =	simm.s32 $0x9;
	_ =	strace $0x80000048  }
0xb3: {  	_ =	swait.ge [sflag:s29], $0x1  }
0xb4: {  	[sflag:s29] =	ssyncadd.s32 $0xFFFFFFFF  }
0xb5: {  	_ =	strace $0x90000048  }
0xb6: {  	_ =	sfence  }
0xb7: {  	s30 =	sld [smem:$0x0];
	_ =	sdelay $0x2  }
0xb8: {  	s31 =	sshll.u32 s1, $0xD;
	s1 =	sshrl.u32 s1, $0x2  }
0xb9: {  	s3 =	sand.u32 $0x4000, s31;
	s1 =	sadd.s32 s1, s30  }
0xba: {  	s0 =	sor.u32 s3, s0;
	s1 =	sshll.u32 s1, $0x11  }
0xbb: {  	s0 =	sor.u32 s1, s0  }
0xbc: {  	s0 =	sadd.s32 $0x8F2B, s0  }
0xbd: {  	[sflag:s0] =	ssyncadd.remote.s32 $0x1  }
0xbe: {  	_ =	sfence.sel $0xFFFF  }
0xbf: {  	[dreg:$0x0] =	wrdreg $0xFFFFFFFF;
	(pc) =	sbr.abs _section_cstart, $3  }
0xc0: {  	[dreg:$0x1] =	wrdreg $0xFFFFFFFF  }
0xc1: {  	_ =	task.clear_ibuf [dreg:s7], $0x2FFFF;
	_ =	strace $0x9FFFFFFF  }
0xc2: {  	(tm) =	ssettm $0x7FFFFFFF  }
0xc3: {  	_ =	shalt  }
tec
execute0_lowered:
.L_overlay_start_1:
0x0: {  	(tag) =	ssettag $0x1  }
0x1: {  	s2 =	rddreg [dreg:$0x0]  }
0x2: {  	s8 =	rddreg [dreg:$0x1]  }
0x3: {  	s0 =	rddreg [dreg:$0x2];
	s1 =	stileid.u32  }
0x4: {  	s3 =	srdreg.scid;
	_ =	strace $0x80000047;
	s4 =	simm.s32 $0x1  }
0x5: {  	s7 =	simm.s32 $0x1;
	s9 =	simm.s32 $0x1;
	s10 =	simm.s32 $0x3  }
0x6: {  	s13 =	simm.s32 $0x0;
	s5 =	sand.u32 $0x1, s3;
	s6 =	sshll.u32 s1, $0x1  }
0x7: {  	s12 =	simm.s32 $0x0;
	s3 =	sadd.s32 $0x3600, s8;
	s5 =	sor.u32 s6, s5  }
.Ltmp0:
0x8: {  	[sflag:s4] =	ssyncpa.u1 $0x0;
	p0 =	slt.u32 s5, $0x9;
	(pc) =	sbr.rel .LBB2_1-.Ltmp0, $4  }
0x9: {  	s6 =	simm.s32 $0x2;
	s7 =	simm.s32 @!p0 $0x0;
	p0 =	sne.s32 s5, $0x8  }
0xa: {  	[sflag:s6] =	ssyncpa.u1 $0x0;
	s5 =	smul.u32 $0x1F40, s5;
	s9 =	simm.s32 @!p0 $0x0  }
0xb: {  	s8 =	sadd.s32 $0x1A200, s8;
	[sflag:s10] =	ssyncpa.u1 $0x0;
	s7 =	sadd.s32 s9, s7  }
0xc: {  	vm0 =	vmmov $0xffff;
	s10 =	simm.s32 $0x0;
	s11 =	smov.u32 s5;
	s9 =	sadd.s32 $0x1, s7  }
.LBB2_4:
0xd: {  	v2 =	vnsel vm1, $0x0, v2  }
0xe: {  	vm1 =	vgt.s32 v0, $0x0;
	v2 =	vmin.u32 v2, $0x4E1FF  }
0xf: {  	v0 =	vnsel vm1, $0x0, v0  }
0x10: {  	v0 =	vmin.u32 v0, $0x4E1FF  }
0x11: {  	[tilespmem:s18], [sflag:$0x1] =	stream.indirect_vreg.gather [hbm4b:s2+s10], $0x1, v1, vm0, $0x4038;
	[tilespmem:$0x7D00] =	vst v63  }
0x12: {  	(ifvalue) =	ssetifvalue $0x7FFFFFFF  }
0x13: {  	[tilespmem:s15], [sflag:$0x1] =	stream.indirect_vreg.gather [hbm4b:s2+s10], $0x1, v2, vm0, $0x4038;
	[tilespmem:$0x7D00] =	vst v63  }
0x14: {  	s29 =	sadd.s32 $0x10, s15;
	(ifvalue) =	ssetifvalue $0x7FFFFFFF  }
0x15: {  	[tilespmem:s29], [sflag:$0x1] =	stream.indirect_vreg.gather [hbm4b:s2+s10], $0x1, v0, vm0, $0x4038;
	[tilespmem:$0x7D00] =	vst v63  }
0x16: {  	_ =	swait.ge [sflag:s4], $0x1F40  }
0x17: {  	s30 =	sshrl.u32 s13, $0x3;
	[sflag:s4] =	ssyncset.done $0x0  }
0x18: {  	s31 =	sand.u32 $0x7, s13;
	s15 =	sadd.s32 s8, s30;
	[sflag:s4] =	ssyncadd.s32 $0xFFFFE0C0  }
0x19: {  	[hbm4b:s15+s31] =	stream.linear.scatter [tilespmem:s14], [sflag:$0x3], $0x1F40, $0x38;
	[tilespmem:$0x7D00] =	vst v63  }
.LBB2_5:
0x1a: {  	s15 =	sadd.s32 $0x3E800, s11  }
0x1b: {  	p1 =	sgt.s32 s15, $0x4E1FF  }
0x1c: {  	s15 =	smov.u32 @p1 s5;
	p1 =	sne.s32 s12, s9  }
.Ltmp1:
0x1d: {  	p0 =	slt.u32 s12, $0x2;
	(pc) =	sbr.rel @!p1 .LBB2_6-.Ltmp1, $4  }
0x1e: {  	s14 =	simm.s32 @!p0 $0x3  }
0x1f: {  	_ =	swait.ge @!p0 [sflag:s14], $0x1F40  }
0x20: {  	s16 =	sadd.s32 $0x1, s12;
	s13 =	smov.u32 s11;
	[sflag:s14] =	ssyncset.done @!p0 $0x0  }
0x21: {  	s12 =	smov.u32 s16;
	s11 =	smov.u32 s15;
	[sflag:s14] =	ssyncadd.s32 @!p0 $0xFFFFE0C0  }
.LBB2_1:
0x22: {  	p0 =	sge.u32 s12, s7  }
0x23: {  	s14 =	sxor.u32 @!p0 $0x1, s12  }
0x24: {  	s14 =	smul.u32 @!p0 $0x7D00, s14  }
0x25: {  	s31 =	sadd.s32 $0xFFFFFFFF, s12;
	s15 =	sshrl.u32 @!p0 s11, $0x3  }
0x26: {  	s16 =	sand.u32 @!p0 $0x7, s11;
	s15 =	sadd.s32 @!p0 s3, s15;
	s14 =	sshra.s32 @!p0 s14, $0x2  }
0x27: {  	[tilespmem:s14], [sflag:$0x2] =	stream.linear.gather @!p0 [hbm4b:s15+s16], $0x1F40, $0x38;
	[tilespmem:$0x7D00] =	vst v63  }
0x28: {  	p0 =	sge.u32 s31, s7  }
.Ltmp2:
0x29: {  	_ = 	snop;
	(pc) =	sbr.rel @p0 .LBB2_5-.Ltmp2, $1  }
0x2a: {  	_ =	sdelay $0x3  }
0x2b: {  	s14 =	sand.u32 $0x1, s12  }
0x2c: {  	_ =	swait.ge [sflag:s6], $0x1F40;
	p0 =	seq.s32 s14, $0x1;
	s14 =	simm.s32 $0x1F40  }
0x2d: {  	[sflag:s6] =	ssyncset.done $0x0;
	s14 =	simm.s32 @!p0 $0x0  }
0x2e: {  	[sflag:s6] =	ssyncadd.s32 $0xFFFFE0C0;
	(ifvalue) =	ssetifvalue $0x7FFFFFFF;
	v0 =	vld.msk [tilespmem:s14+$0x0 ss:$0x1], $0xffff;
	_ =	sdelay $0x4  }
0x2f: {  	s15 =	sadd.s32 $0x10, s14;
	vm1 =	vgt.s32 v0, $0x0  }
0x30: {  	v2 =	vld.msk [tilespmem:s15+$0x0 ss:$0x1], $0xffff;
	v1 =	vnsel vm1, $0x0, v0  }
0x31: {  	v1 =	vmin.u32 v1, $0x4E1FF;
	_ =	sdelay $0x2  }
0x32: {  	s17 =	simm.s32 $0x20;
	s14 =	sadd.s32 $0x3E80, s14;
	s16 =	sadd.s32 $0x10, s15  }
0x33: {  	s15 =	sadd.s32 $0x10, s14;
	s18 =	smov.u32 s14;
	v0 =	vld.msk [tilespmem:s16+$0x0 ss:$0x1], $0xffff;
	vm1 =	vgt.s32 v2, $0x0;
	(ifvalue) =	ssetifvalue $0x7FFFFFFF  }
.LBB2_3:
0x34: {  	[tilespmem:s18], [sflag:$0x1] =	stream.indirect_vreg.gather [hbm4b:s2+s10], $0x1, v1, vm0, $0x4038;
	[tilespmem:$0x7D00] =	vst v63  }
0x35: {  	s17 =	sadd.s32 $0x10, s17  }
0x36: {  	v2 =	vnsel vm1, $0x0, v2;
	p0 =	slt.u32 s17, $0x1F30  }
.Ltmp3:
0x37: {  	s18 =	smov.u32 s15;
	v1 =	vmin.u32 v2, $0x4E1FF;
	(pc) =	sbr.rel @p0 .LBB2_3-.Ltmp3, $3  }
0x38: {  	_ =	sdelay $0x1  }
0x39: {  	s16 =	sadd.s32 $0x10, s16  }
0x3a: {  	vm1 =	vgt.s32 v0, $0x0;
	s15 =	sadd.s32 $0x10, s15;
	v2 =	vmov v0;
	(ifvalue) =	ssetifvalue $0x7FFFFFFF;
	v0 =	vld.msk [tilespmem:s16+$0x0 ss:$0x1], $0xffff  }
.Ltmp4:
0x3b: {  	_ = 	snop;
	(pc) =	sbr.rel .LBB2_4-.Ltmp4, $1  }
0x3c: {  	_ =	sdelay $0x3  }
.LBB2_6:
0x3d: {  	_ =	sfence.sel $0x180000  }
0x3e: {  	s2 =	simm.s32 $0x2;
	[bflag:$0x0] =	sbarrier.arrive $0xFFFF  }
0x3f: {  	s30 =	simm.s32 $0x3;
	[sflag:s2] =	ssyncpa.u1 $0x1  }
0x40: {  	s31 =	simm.s32 $0x1;
	[sflag:s30] =	ssyncpa.u1 $0x1  }
0x41: {  	[sflag:s31] =	ssyncpa.u1 $0x1  }
0x42: {  	p0 =	sne.s32 s1, $0x0;
	_ =	strace $0x90000047  }
0x43: {  	s0 =	sadd.s32 @!p0 $0x100000, s0;
	[bflag:$0x2] =	sbarrier.arrive $0xFFFF  }
0x44: {  	[sflag:s0] =	ssyncadd.tile.s32 @!p0 $0x1;
	_ =	shalt  }
.Lfunc_end2:
_tile_overlayer_lowered:
.L_overlay_start_2:
0x45: {  	(tag) =	ssettag $0x2  }
0x46: {  	s0 =	rddreg [dreg:$0x0];
	s2 =	stileid.u32  }
0x47: {  	s1 =	rddreg [dreg:$0x1];
	p0 =	sne.s32 s2, $0x0  }
0x48: {  	s3 =	rddreg [dreg:$0x2];
	[bflag:$0x3] =	sbarrier.arrive $0xFFFF;
	s2 =	simm.s32 @!p0 $0x1C01  }
0x49: {  	[timem:s3], [sflag:s2] =	dma.local @!p0 [hbm:s0], s1  }
0x4a: {  	s0 =	simm.s32 @!p0 $0x1  }
0x4b: {  	_ =	swait.ge @!p0 [sflag:s0], s1  }
0x4c: {  	s1 =	ssub.s32 @!p0 $0x0, s1;
	[sflag:s0] =	ssyncset.done @!p0 $0x0  }
0x4d: {  	[sflag:s0] =	ssyncadd.s32 @!p0 s1  }
0x4e: {  	[bflag:$0x3] =	sbarrier.arrive $0xFFFF  }
0x4f: {  	_ =	shalt  }

// kernel: kernel.12.cloned.1.call-start
scs
__scs_entry_jumppad:
0x0: {  	(pc) =	sbr.rel $0x88, $3  }
0x1: {  	(tag) =	ssettag $0x0;
	lr =	simm.s32 $0x1  }
0x2: {  	[smem:$0x3F95] =	sst lr;
	_ =	strace $0xD0000000  }
0x3: {  	_ = 	snop  }
0x4: {  	_ = 	snop  }
0x5: {  	_ = 	snop  }
0x6: {  	_ = 	snop  }
0x7: {  	_ = 	snop  }
__scs_overlays_trampoline_lowered:
0x8: {  	[smem:$0x3FA4] =	sst s0  }
0x9: {  	[smem:$0x3FA5] =	sst s1  }
0xa: {  	[smem:$0x3FA6] =	sst s2  }
0xb: {  	[smem:$0x3FA7] =	sst s3  }
0xc: {  	[smem:$0x3FA8] =	sst s4  }
0xd: {  	[smem:$0x3FA9] =	sst s5  }
0xe: {  	[smem:$0x3FAA] =	sst s6  }
0xf: {  	[smem:$0x3FAB] =	sst s7  }
0x10: {  	[smem:$0x3FAC] =	sst s8  }
0x11: {  	[smem:$0x3FAD] =	sst s9;
	s0 =	simm.s32 @!p0 $0x0  }
0x12: {  	s1 =	sld [smem:$0x3F93];
	s0 =	simm.s32 @p0 $0x1  }
0x13: {  	[smem:$0x3FAE] =	sst s0;
	s0 =	simm.s32 @!p1 $0x0  }
0x14: {  	s2 =	sld [smem:$0x3F92];
	s0 =	simm.s32 @p1 $0x1  }
0x15: {  	[smem:$0x3FAF] =	sst s0;
	s0 =	simm.s32 @!p2 $0x0  }
0x16: {  	s3 =	sld [smem:$0x3FDB];
	s0 =	simm.s32 @p2 $0x1  }
0x17: {  	s4 =	simm.s32 $0x1BF5;
	[smem:$0x3FB1] =	sst s0  }
0x18: {  	s0 =	sld [smem:$0x3F94];
	_ =	swait.ge [sflag:s4], $0x0  }
0x19: {  	s7 =	sld [smem:$0x3F95]  }
0x1a: {  	s8 =	sadd.s32 $0xFFFFE003, lr  }
0x1b: {  	s9 =	sadd.s32 $0xFFFFFEF7, lr;
	s5 =	simm.s32 $0xFFFFFFFF;
	p2 =	slt.u32 s8, $0xFFFFF086  }
0x1c: {  	p1 =	slt.u32 s9, $0xF7A;
	s5 =	simm.s32 @!p2 $0x0  }
0x1d: {  	s5 =	simm.s32 @p1 $0x1;
	p0 =	seq.s32 s7, s2  }
0x1e: {  	s7 =	smul.u32 @!p0 $0xF7A, s2;
	p2 =	seq.s32 @!p0 s5, $0x0  }
0x1f: {  	s9 =	smul.u32 $0xF7A, s1;
	s8 =	simm.s32 @!p0 $0x1BF5;
	p2 =	por !p2, p0  }
0x20: {  	[sflag:s8] =	ssyncset.s32 @!p0 $0xFFFFF086;
	s6 =	sadd.s32 @!p0 s3, s7;
	s7 =	simm.s32 @!p0 $0x108  }
0x21: {  	s3 =	sadd.s32 s3, s9;
	s6 =	sadd.s32 @!p0 $0x88, s6;
	s7 =	simm.s32 @p2 $0x1082  }
0x22: {  	[simem:s7], [sflag:s8] =	dma.local @!p0 [hbm:s6], $0xF7A  }
0x23: {  	s9 =	sor.u32 $0xD0000000, s2;
	s6 =	simm.s32 $0x108;
	_ =	swait.ge @!p0 [sflag:s8], $0x0  }
0x24: {  	s3 =	sadd.s32 $0x88, s3;
	s6 =	simm.s32 @!p1 $0x1082;
	[sflag:s4] =	ssyncset.s32 $0xFFFFF086  }
0x25: {  	[simem:s6], [sflag:s4] =	dma.local [hbm:s3], $0xF7A  }
0x26: {  	[smem:$0x3F95] =	sst s1;
	(tag) =	ssettag s2;
	_ =	strace s9  }
0x27: {  	s1 =	sld [smem:$0x3FA5]  }
0x28: {  	s2 =	sld [smem:$0x3FA6]  }
0x29: {  	s4 =	sld [smem:$0x3FA8]  }
0x2a: {  	p0 =	seq.s32 s5, $0x0;
	s5 =	sld [smem:$0x3FA9]  }
0x2b: {  	s6 =	sld [smem:$0x3FAA]  }
0x2c: {  	s7 =	sld [smem:$0x3FAB]  }
0x2d: {  	s3 =	simm.s32 $0x108;
	s8 =	sld [smem:$0x3FAC]  }
0x2e: {  	s3 =	simm.s32 @!p0 $0x1082;
	s9 =	sld [smem:$0x3FAD]  }
0x2f: {  	lr =	sadd.s32 s0, s3;
	s0 =	sld [smem:$0x3FA4]  }
0x30: {  	s3 =	sld [smem:$0x3FA7]  }
0x31: {  	[smem:$0x3FB0] =	sst s10  }
0x32: {  	s10 =	sld [smem:$0x3FAE];
	_ =	sdelay $0x3  }
0x33: {  	p0 =	seq.s32 s10, $0x1;
	s10 =	sld [smem:$0x3FB0];
	_ =	sdelay $0x3  }
0x34: {  	[smem:$0x3FB0] =	sst s10  }
0x35: {  	s10 =	sld [smem:$0x3FAF];
	_ =	sdelay $0x3  }
0x36: {  	p1 =	seq.s32 s10, $0x1;
	s10 =	sld [smem:$0x3FB0];
	_ =	sdelay $0x3  }
0x37: {  	[smem:$0x3FB0] =	sst s10  }
0x38: {  	s10 =	sld [smem:$0x3FB1]  }
0x39: {  	_ = 	snop;
	(pc) =	sbr.ind lr, $3  }
0x3a: {  	_ = 	snop  }
0x3b: {  	_ = 	snop  }
0x3c: {  	p2 =	seq.s32 s10, $0x1;
	s10 =	sld [smem:$0x3FB0]  }
0x3d: {  	_ =	shalt  }
0x3e: {  	_ =	shalt  }
0x3f: {  	_ =	shalt  }
0x40: {  	_ =	shalt  }
0x41: {  	_ =	shalt  }
0x42: {  	_ =	shalt  }
0x43: {  	_ =	shalt  }
0x44: {  	_ =	shalt  }
0x45: {  	_ =	shalt  }
0x46: {  	_ =	shalt  }
0x47: {  	_ =	shalt  }
0x48: {  	_ =	shalt  }
0x49: {  	_ =	shalt  }
0x4a: {  	_ =	shalt  }
0x4b: {  	_ =	shalt  }
0x4c: {  	_ =	shalt  }
0x4d: {  	_ =	shalt  }
0x4e: {  	_ =	shalt  }
0x4f: {  	_ =	shalt  }
0x50: {  	_ =	shalt  }
0x51: {  	_ =	shalt  }
0x52: {  	_ =	shalt  }
0x53: {  	_ =	shalt  }
0x54: {  	_ =	shalt  }
0x55: {  	_ =	shalt  }
0x56: {  	_ =	shalt  }
0x57: {  	_ =	shalt  }
0x58: {  	_ =	shalt  }
0x59: {  	_ =	shalt  }
0x5a: {  	_ =	shalt  }
0x5b: {  	_ =	shalt  }
0x5c: {  	_ =	shalt  }
0x5d: {  	_ =	shalt  }
0x5e: {  	_ =	shalt  }
0x5f: {  	_ =	shalt  }
0x60: {  	_ =	shalt  }
0x61: {  	_ =	shalt  }
0x62: {  	_ =	shalt  }
0x63: {  	_ =	shalt  }
0x64: {  	_ =	shalt  }
0x65: {  	_ =	shalt  }
0x66: {  	_ =	shalt  }
0x67: {  	_ =	shalt  }
0x68: {  	_ =	shalt  }
0x69: {  	_ =	shalt  }
0x6a: {  	_ =	shalt  }
0x6b: {  	_ =	shalt  }
0x6c: {  	_ =	shalt  }
0x6d: {  	_ =	shalt  }
0x6e: {  	_ =	shalt  }
0x6f: {  	_ =	shalt  }
0x70: {  	_ =	shalt  }
0x71: {  	_ =	shalt  }
0x72: {  	_ =	shalt  }
0x73: {  	_ =	shalt  }
0x74: {  	_ =	shalt  }
0x75: {  	_ =	shalt  }
0x76: {  	_ =	shalt  }
0x77: {  	_ =	shalt  }
0x78: {  	_ =	shalt  }
0x79: {  	_ =	shalt  }
0x7a: {  	_ =	shalt  }
0x7b: {  	_ =	shalt  }
0x7c: {  	_ =	shalt  }
0x7d: {  	_ =	shalt  }
0x7e: {  	_ =	shalt  }
0x7f: {  	_ =	shalt  }
0x80: {  	_ =	shalt  }
0x81: {  	_ =	shalt  }
0x82: {  	_ =	shalt  }
0x83: {  	_ =	shalt  }
0x84: {  	_ =	shalt  }
0x85: {  	_ =	shalt  }
0x86: {  	_ =	shalt  }
0x87: {  	_ =	shalt  }
.Lfunc_end0:
.L_simem_size_0:
called_computation.5_lowered:
.L_overlay_start_0:
0x88: {  	s2 =	sld [smem:$0x3FD9]  }
0x89: {  	s3 =	sld [smem:$0x3FFE];
	_ =	sdelay $0x1  }
0x8a: {  	s1 =	srdreg.scid  }
0x8b: {  	s0 =	sand.u32 $0x1, s1  }
0x8c: {  	s17 =	sshll.u32 s0, $0xA;
	s2 =	sadd.s32 s3, s2  }
0x8d: {  	s2 =	sadd.s32 s2, s17  }
0x8e: {  	[smem:$0x3FBC] =	sst s2  }
0x8f: {  	_ = 	snop  }
0x90: {  	s2 =	sld [smem:$0x3FD0];
	(tm) =	ssettm $0x1  }
0x91: {  	s18 =	sld [smem:$0x3FFB];
	_ =	sdelay $0x3  }
0x92: {  	_ =	strace s18  }
0x93: {  	s3 =	sld [smem:$0x3FFC];
	_ =	sdelay $0x3  }
0x94: {  	_ =	strace s3  }
0x95: {  	s3 =	sld [smem:$0x3FFD];
	_ =	sdelay $0x3  }
0x96: {  	_ =	strace s3  }
0x97: {  	_ =	strace $0x8FFFFFFF  }
0x98: {  	s19 =	sld [smem:$0x3FDB];
	_ =	sdelay $0x1  }
0x99: {  	s4 =	simm.s32 $_scs_section_size  }
0x9a: {  	s5 =	simm.s32 $_size__tile_overlayer_lowered;
	s6 =	simm.s32 $_tile_overlayer_lowered  }
0x9b: {  	s22 =	simm.s32 $0x1BFF;
	s21 =	sshll.u32 s6, $0x1;
	s3 =	sadd.s32 s4, s19  }
0x9c: {  	s7 =	simm.s32 $0x0;
	s20 =	sshll.u32 s5, $0x1;
	s5 =	sadd.s32 s21, s3  }
0x9d: {  	[timem:s7], [sflag:s22] =	dma.local [hbm:s5], s20  }
0x9e: {  	_ =	swait.ge [sflag:s22], s20  }
0x9f: {  	s4 =	ssub.s32 $0x0, s20;
	[sflag:s22] =	ssyncset.done $0x0  }
0xa0: {  	[sflag:s22] =	ssyncadd.s32 s4;
	_ =	sdelay $0x1  }
0xa1: {  	s23 =	simm.s32 $0x1B8B  }
0xa2: {  	_ =	swait.ge [sflag:s23], $0x1  }
0xa3: {  	[sflag:s23] =	ssyncset.done $0x0  }
0xa4: {  	s25 =	simm.s32 $0x1B8E;
	s24 =	sld [smem:$0x3FFE];
	[sflag:s23] =	ssyncadd.s32 $0xFFFFFFFF  }
0xa5: {  	s26 =	simm.s32 $execute0_lowered;
	[smem:$0x3FD2] =	sst s25  }
0xa6: {  	s5 =	sshll.u32 s26, $0x1;
	_ =	strace $0x80000055;
	[dreg:$0x1] =	wrdreg $0xFFFFFFFF  }
0xa7: {  	s28 =	simm.s32 $_size_execute0_lowered;
	s3 =	sadd.s32 s3, s5;
	[dreg:$0x0] =	wrdreg $0x0  }
0xa8: {  	s5 =	sshll.u32 s28, $0x1;
	[dreg:$0x2] =	wrdreg s3  }
0xa9: {  	[dreg:$0x3] =	wrdreg s5  }
0xaa: {  	[dreg:$0x4] =	wrdreg $0xC0  }
0xab: {  	_ =	task [dreg:s7], $0x5FFFF  }
0xac: {  	[dreg:$0x1] =	wrdreg $0xFFFFFFFF  }
0xad: {  	[dreg:$0x0] =	wrdreg $0x60  }
0xae: {  	[dreg:$0x2] =	wrdreg s24  }
0xaf: {  	[dreg:$0x3] =	wrdreg s2  }
0xb0: {  	[dreg:$0x4] =	wrdreg $0x120800  }
0xb1: {  	[dreg:$0x5] =	wrdreg $0x9  }
0xb2: {  	_ =	task.clear_ibuf [dreg:s7], $0x6FFFF;
	_ =	strace $0x90000055  }
0xb3: {  	s29 =	simm.s32 $0x9;
	_ =	strace $0x80000057  }
0xb4: {  	_ =	swait.ge [sflag:s29], $0x1  }
0xb5: {  	[sflag:s29] =	ssyncadd.s32 $0xFFFFFFFF  }
0xb6: {  	_ =	strace $0x90000057  }
0xb7: {  	_ =	sfence  }
0xb8: {  	s30 =	sld [smem:$0x0];
	_ =	sdelay $0x2  }
0xb9: {  	s31 =	sshll.u32 s1, $0xD;
	s1 =	sshrl.u32 s1, $0x2  }
0xba: {  	s3 =	sand.u32 $0x4000, s31;
	s1 =	sadd.s32 s1, s30  }
0xbb: {  	s0 =	sor.u32 s3, s0;
	s1 =	sshll.u32 s1, $0x11  }
0xbc: {  	s0 =	sor.u32 s1, s0  }
0xbd: {  	s0 =	sadd.s32 $0x8F2B, s0  }
0xbe: {  	[sflag:s0] =	ssyncadd.remote.s32 $0x1  }
0xbf: {  	_ =	sfence.sel $0xFFFF  }
0xc0: {  	[dreg:$0x0] =	wrdreg $0xFFFFFFFF;
	(pc) =	sbr.abs _section_cstart, $3  }
0xc1: {  	[dreg:$0x1] =	wrdreg $0xFFFFFFFF  }
0xc2: {  	_ =	task.clear_ibuf [dreg:s7], $0x2FFFF;
	_ =	strace $0x9FFFFFFF  }
0xc3: {  	(tm) =	ssettm $0x7FFFFFFF  }
tec
execute0_lowered:
.L_overlay_start_1:
0x0: {  	(tag) =	ssettag $0x1  }
0x1: {  	s5 =	rddreg [dreg:$0x0]  }
0x2: {  	s9 =	rddreg [dreg:$0x1];
	s0 =	stileid.u32  }
0x3: {  	s1 =	srdreg.scid;
	s2 =	rddreg [dreg:$0x2];
	s3 =	simm.s32 $0x0  }
0x4: {  	s15 =	simm.s32 $0x12000;
	s16 =	simm.s32 $0x80;
	s17 =	simm.s32 $0xA000  }
0x5: {  	s18 =	simm.s32 $0x1;
	s19 =	simm.s32 $0xE000;
	s21 =	smul.u32 $0x1500, s0  }
0x6: {  	s10 =	sand.u32 $0x1, s1;
	s1 =	rddreg [dreg:$0x3];
	s7 =	smul.u32 $0x5000, s0  }
0x7: {  	s20 =	simm.s32 $0x2;
	[smem:$0x7FF] =	sst s3;
	s12 =	smul.u32 $0x2A000, s0  }
0x8: {  	s4 =	sadd.s32 $0x1A200, s5;
	s31 =	sshll.u32 s0, $0x6;
	s6 =	smul.u32 $0x50000, s10  }
0x9: {  	_ =	strace $0x80000056;
	s28 =	smul.u32 $0x15000, s10;
	s11 =	ssub.s32 $0x2, s10  }
0xa: {  	s10 =	sshll.u32 s10, $0x4;
	s8 =	sadd.s32 s21, s5;
	s29 =	sshrl.u32 s11, $0x1  }
0xb: {  	s30 =	sshrl.u32 s12, $0x2;
	s9 =	sadd.s32 s9, s10;
	s10 =	sor.u32 $0x12000, s0  }
0xc: {  	s6 =	sadd.s32 s7, s6;
	s14 =	sadd.s32 s28, s5;
	s11 =	ssub.s32 s11, s29  }
.Ltmp0:
0xd: {  	s12 =	sadd.s32 s30, s2;
	s6 =	sshrl.u32 s6, $0x3;
	(pc) =	sbr.rel .LBB2_1-.Ltmp0, $4  }
0xe: {  	s22 =	sadd.s32 $0x41400, s14;
	s11 =	smax.u32 s11, $0x1;
	s12 =	sshrl.u32 s12, $0x3  }
0xf: {  	s14 =	simm.s32 $0x5000;
	s13 =	sadd.s32 s6, s5;
	s5 =	sadd.s32 $0x86400, s8  }
0x10: {  	s6 =	sor.u32 $0x1C03, s31;
	s21 =	sadd.s32 s21, s22;
	s22 =	simm.s32 $0x0  }
0x11: {  	s7 =	sadd.s32 $0x72400, s13;
	s8 =	sadd.s32 $0x3400, s13;
	s13 =	simm.s32 $0x3  }
.LBB2_5:
0x12: {  	[sflag:s13] =	ssyncadd.s32 $0xFFFFC000  }
.LBB2_6:
0x13: {  	s24 =	sand.u32 $0x1, s23  }
0x14: {  	_ =	swait.ge [sflag:s18], $0x4000;
	p0 =	seq.s32 s24, $0x0  }
0x15: {  	[sflag:s18] =	ssyncset.done $0x0;
	s23 =	sshll.u32 @!p0 s23, $0x9  }
0x16: {  	[sflag:s18] =	ssyncadd.s32 $0xFFFFC000;
	s23 =	sshra.s32 @!p0 s23, $0x2  }
0x17: {  	s24 =	simm.s32 @!p0 $0x80;
	s25 =	simm.s32 @!p0 $0xA000;
	s23 =	sadd.s32 @!p0 $0x4F80, s23  }
0x18: {  	[spmem:s2] =	stream.indirect.scatter.add.f32 @!p0 [tilespmem:s25], [sflag:$0x3], $0x80, s23, s24, $0xb8;
	[tilespmem:$0x1C880] =	vst v63  }
0x19: {  	s23 =	simm.s32 @!p0 $0x3  }
0x1a: {  	_ =	swait.ge @!p0 [sflag:s23], $0x4000  }
0x1b: {  	[sflag:s23] =	ssyncset.done @!p0 $0x0  }
0x1c: {  	[sflag:s23] =	ssyncadd.s32 @!p0 $0xFFFFC000  }
.LBB2_7:
0x1d: {  	s22 =	sadd.s32 $0x1, s22  }
0x1e: {  	p0 =	sne.s32 s22, s11  }
.Ltmp1:
0x1f: {  	[bflag:$0x0] =	sbarrier.arrive $0xFFFF;
	(pc) =	sbr.rel @!p0 .LBB2_8-.Ltmp1, $4  }
0x20: {  	[hbm:s21], [sflag:s6] =	dma.local [spmem:s12], $0x1500  }
0x21: {  	_ =	swait.ge [sflag:s13], $0x1500  }
0x22: {  	[sflag:s13] =	ssyncset.done $0x0  }
0x23: {  	[sflag:s13] =	ssyncadd.s32 $0xFFFFEB00  }
.LBB2_1:
0x24: {  	[spmem:s12], [sflag:s6] =	dma.local [hbm:s5], $0x1500  }
0x25: {  	_ =	swait.ge [sflag:s13], $0x1500  }
0x26: {  	[sflag:s13] =	ssyncset.done $0x0  }
0x27: {  	[sflag:s13] =	ssyncadd.s32 $0xFFFFEB00  }
0x28: {  	[tilespmem:s3], [sflag:$0x3] =	stream.linear.gather [hbm4b:s7+s3], $0x4E80, $0x38;
	[tilespmem:$0x1C880] =	vst v63  }
0x29: {  	_ =	swait.ge [sflag:s13], $0x4E80  }
0x2a: {  	[sflag:s13] =	ssyncset.done $0x0  }
0x2b: {  	[sflag:s13] =	ssyncadd.s32 $0xFFFFB180  }
0x2c: {  	[tilespmem:s14], [sflag:$0x3] =	stream.linear.gather [hbm4b:s8+s3], $0x4E80, $0x38;
	[tilespmem:$0x1C880] =	vst v63  }
0x2d: {  	_ =	swait.ge [sflag:s13], $0x4E80  }
0x2e: {  	[sflag:s13] =	ssyncset.done $0x0  }
0x2f: {  	[sflag:s13] =	ssyncadd.s32 $0xFFFFB180  }
0x30: {  	[tilespmem:s15], [sflag:$0x3] =	stream.linear.gather [hbm4b:s9+s3], $0x80, $0x38;
	[tilespmem:$0x1C880] =	vst v63  }
0x31: {  	_ =	swait.ge [sflag:s13], $0x80  }
0x32: {  	[sflag:s13] =	ssyncset.done $0x0  }
0x33: {  	[sflag:s13] =	ssyncadd.s32 $0xFFFFFF80  }
0x34: {  	v0 =	vld.msk [tilespmem:s10+$0x0], $0x1;
	_ =	sdelay $0x4  }
0x35: {  	(v2sf) =	vpush v0, $0x0;
	_ =	sdelay $0xe  }
0x36: {  	s23 =	spop (v2sf)  }
0x37: {  	p0 =	slt.s32 s23, $0x1  }
.Ltmp2:
0x38: {  	_ = 	snop;
	(pc) =	sbr.rel @p0 .LBB2_7-.Ltmp2, $2  }
0x39: {  	_ =	sdelay $0x1  }
0x3a: {  	[bflag:$0x0] =	sbarrier.arrive $0xFFFF;
	_ =	sdelay $0x1  }
0x3b: {  	s28 =	sshrl.u32 s23, $0x1  }
0x3c: {  	p0 =	seq.s32 s28, $0x0  }
.Ltmp3:
0x3d: {  	_ = 	snop;
	(pc) =	sbr.rel @p0 .LBB2_6-.Ltmp3, $2  }
0x3e: {  	_ =	sdelay $0x2  }
0x3f: {  	[tilespmem:s17], [sflag:$0x1] =	stream.indirect.gather [hbm4b:s4+s16], $0x80, s3, s16, $0xb8;
	[tilespmem:$0x1C880] =	vst v63  }
0x40: {  	s24 =	simm.s32 $0x80  }
0x41: {  	[tilespmem:s19], [sflag:$0x2] =	stream.indirect.gather [hbm4b:s4+s16], $0x80, s24, s16, $0xb8;
	[tilespmem:$0x1C880] =	vst v63  }
0x42: {  	s25 =	simm.s32 $0x2;
	_ =	swait.ge [sflag:s18], $0x4000  }
0x43: {  	s26 =	simm.s32 $0x5000;
	s24 =	sadd.s32 $0xFFFFFFFF, s23;
	[sflag:s18] =	ssyncset.done $0x0  }
0x44: {  	p0 =	sgt.s32 s24, $0x2;
	s29 =	smov.u32 s24;
	[sflag:s18] =	ssyncadd.s32 $0xFFFFC000  }
0x45: {  	[spmem:s2] =	stream.indirect.scatter.add.f32 [tilespmem:s17], [sflag:$0x3], $0x80, s26, s16, $0xb8;
	[tilespmem:$0x1C880] =	vst v63  }
0x46: {  	s29 =	smov.u32 @p0 s25;
	_ =	swait.ge [sflag:s13], $0x4000  }
0x47: {  	s29 =	sshll.u32 s29, $0x9;
	[sflag:s13] =	ssyncset.done $0x0  }
0x48: {  	s29 =	sshra.s32 s29, $0x2;
	[sflag:s13] =	ssyncadd.s32 $0xFFFFC000  }
0x49: {  	[tilespmem:s17], [sflag:$0x1] =	stream.indirect.gather [hbm4b:s4+s16], $0x80, s29, s16, $0xb8;
	[tilespmem:$0x1C880] =	vst v63  }
0x4a: {  	p0 =	sne.s32 s28, $0x1;
	_ =	swait.ge [sflag:s20], $0x4000  }
.Ltmp4:
0x4b: {  	[sflag:s20] =	ssyncset.done $0x0;
	(pc) =	sbr.rel @!p0 .LBB2_5-.Ltmp4, $4  }
0x4c: {  	s29 =	simm.s32 $0x5080;
	[sflag:s20] =	ssyncadd.s32 $0xFFFFC000  }
0x4d: {  	[spmem:s2] =	stream.indirect.scatter.add.f32 [tilespmem:s19], [sflag:$0x3], $0x80, s29, s16, $0xb8;
	[tilespmem:$0x1C880] =	vst v63  }
0x4e: {  	_ =	swait.ge [sflag:s13], $0x4000  }
0x4f: {  	s28 =	sadd.s32 $0xFFFFFFFF, s28;
	s29 =	simm.s32 $0x180;
	[sflag:s13] =	ssyncset.done $0x0  }
.LBB2_4:
0x50: {  	[sflag:s13] =	ssyncadd.s32 $0xFFFFC000;
	s25 =	sadd.s32 $0x2, s25;
	s26 =	sadd.s32 $0x100, s26  }
0x51: {  	[tilespmem:s19], [sflag:$0x2] =	stream.indirect.gather [hbm4b:s4+s16], $0x80, s29, s16, $0xb8;
	[tilespmem:$0x1C880] =	vst v63  }
0x52: {  	p0 =	sne.s32 s28, $0x1;
	s28 =	sadd.s32 $0xFFFFFFFF, s28;
	_ =	swait.ge [sflag:s18], $0x4000  }
0x53: {  	[sflag:s18] =	ssyncset.done $0x0  }
0x54: {  	s30 =	smov.u32 s24;
	p1 =	slt.s32 s25, s24;
	[sflag:s18] =	ssyncadd.s32 $0xFFFFC000  }
0x55: {  	[spmem:s2] =	stream.indirect.scatter.add.f32 [tilespmem:s17], [sflag:$0x3], $0x80, s26, s16, $0xb8;
	[tilespmem:$0x1C880] =	vst v63  }
0x56: {  	s30 =	smov.u32 @p1 s25;
	_ =	swait.ge [sflag:s13], $0x4000  }
0x57: {  	s30 =	sshll.u32 s30, $0x9;
	[sflag:s13] =	ssyncset.done $0x0  }
0x58: {  	s30 =	sshra.s32 s30, $0x2;
	[sflag:s13] =	ssyncadd.s32 $0xFFFFC000  }
0x59: {  	[tilespmem:s17], [sflag:$0x1] =	stream.indirect.gather [hbm4b:s4+s16], $0x80, s30, s16, $0xb8;
	[tilespmem:$0x1C880] =	vst v63  }
0x5a: {  	_ =	swait.ge [sflag:s20], $0x4000  }
.Ltmp5:
0x5b: {  	[sflag:s20] =	ssyncset.done $0x0;
	(pc) =	sbr.rel @p0 .LBB2_4-.Ltmp5, $4  }
0x5c: {  	s30 =	sadd.s32 $0x80, s26;
	[sflag:s20] =	ssyncadd.s32 $0xFFFFC000  }
0x5d: {  	[spmem:s2] =	stream.indirect.scatter.add.f32 [tilespmem:s19], [sflag:$0x3], $0x80, s30, s16, $0xb8;
	[tilespmem:$0x1C880] =	vst v63  }
0x5e: {  	_ =	swait.ge [sflag:s13], $0x4000  }
0x5f: {  	s29 =	sadd.s32 $0x100, s29;
	[sflag:s13] =	ssyncset.done $0x0  }
.Ltmp6:
0x60: {  	_ = 	snop;
	(pc) =	sbr.rel .LBB2_5-.Ltmp6, $1  }
0x61: {  	_ =	sdelay $0x3  }
.LBB2_8:
0x62: {  	_ =	sfence.sel $0x180000  }
0x63: {  	[bflag:$0x0] =	sbarrier.arrive $0xFFFF  }
0x64: {  	p0 =	sne.s32 s0, $0x0;
	_ =	strace $0x90000056  }
0x65: {  	s0 =	sadd.s32 @!p0 $0x100000, s1;
	[bflag:$0x2] =	sbarrier.arrive $0xFFFF  }
0x66: {  	[sflag:s0] =	ssyncadd.tile.s32 @!p0 $0x1;
	_ =	shalt  }
.Lfunc_end2:
_tile_overlayer_lowered:
.L_overlay_start_2:
0x67: {  	(tag) =	ssettag $0x2  }
0x68: {  	s0 =	rddreg [dreg:$0x0];
	s2 =	stileid.u32  }
0x69: {  	s1 =	rddreg [dreg:$0x1];
	p0 =	sne.s32 s2, $0x0  }
0x6a: {  	s3 =	rddreg [dreg:$0x2];
	[bflag:$0x3] =	sbarrier.arrive $0xFFFF;
	s2 =	simm.s32 @!p0 $0x1C03  }
0x6b: {  	[timem:s3], [sflag:s2] =	dma.local @!p0 [hbm:s0], s1  }
0x6c: {  	s0 =	simm.s32 @!p0 $0x3  }
0x6d: {  	_ =	swait.ge @!p0 [sflag:s0], s1  }
0x6e: {  	s1 =	ssub.s32 @!p0 $0x0, s1;
	[sflag:s0] =	ssyncset.done @!p0 $0x0  }
0x6f: {  	[sflag:s0] =	ssyncadd.s32 @!p0 s1  }
0x70: {  	[bflag:$0x3] =	sbarrier.arrive $0xFFFF  }
0x71: {  	_ =	shalt  }

// kernel: kernel.15.cloned.1.call-start
scs
__scs_entry_jumppad:
0x0: {  	(pc) =	sbr.rel $0x88, $3  }
0x1: {  	(tag) =	ssettag $0x0;
	lr =	simm.s32 $0x1  }
0x2: {  	[smem:$0x3F95] =	sst lr;
	_ =	strace $0xD0000000  }
0x3: {  	_ = 	snop  }
0x4: {  	_ = 	snop  }
0x5: {  	_ = 	snop  }
0x6: {  	_ = 	snop  }
0x7: {  	_ = 	snop  }
__scs_overlays_trampoline_lowered:
0x8: {  	[smem:$0x3FA4] =	sst s0  }
0x9: {  	[smem:$0x3FA5] =	sst s1  }
0xa: {  	[smem:$0x3FA6] =	sst s2  }
0xb: {  	[smem:$0x3FA7] =	sst s3  }
0xc: {  	[smem:$0x3FA8] =	sst s4  }
0xd: {  	[smem:$0x3FA9] =	sst s5  }
0xe: {  	[smem:$0x3FAA] =	sst s6  }
0xf: {  	[smem:$0x3FAB] =	sst s7  }
0x10: {  	[smem:$0x3FAC] =	sst s8  }
0x11: {  	[smem:$0x3FAD] =	sst s9;
	s0 =	simm.s32 @!p0 $0x0  }
0x12: {  	s1 =	sld [smem:$0x3F93];
	s0 =	simm.s32 @p0 $0x1  }
0x13: {  	[smem:$0x3FAE] =	sst s0;
	s0 =	simm.s32 @!p1 $0x0  }
0x14: {  	s2 =	sld [smem:$0x3F92];
	s0 =	simm.s32 @p1 $0x1  }
0x15: {  	[smem:$0x3FAF] =	sst s0;
	s0 =	simm.s32 @!p2 $0x0  }
0x16: {  	s3 =	sld [smem:$0x3FDB];
	s0 =	simm.s32 @p2 $0x1  }
0x17: {  	s4 =	simm.s32 $0x1BF5;
	[smem:$0x3FB1] =	sst s0  }
0x18: {  	s0 =	sld [smem:$0x3F94];
	_ =	swait.ge [sflag:s4], $0x0  }
0x19: {  	s7 =	sld [smem:$0x3F95]  }
0x1a: {  	s8 =	sadd.s32 $0xFFFFE003, lr  }
0x1b: {  	s9 =	sadd.s32 $0xFFFFFEF7, lr;
	s5 =	simm.s32 $0xFFFFFFFF;
	p2 =	slt.u32 s8, $0xFFFFF086  }
0x1c: {  	p1 =	slt.u32 s9, $0xF7A;
	s5 =	simm.s32 @!p2 $0x0  }
0x1d: {  	s5 =	simm.s32 @p1 $0x1;
	p0 =	seq.s32 s7, s2  }
0x1e: {  	s7 =	smul.u32 @!p0 $0xF7A, s2;
	p2 =	seq.s32 @!p0 s5, $0x0  }
0x1f: {  	s9 =	smul.u32 $0xF7A, s1;
	s8 =	simm.s32 @!p0 $0x1BF5;
	p2 =	por !p2, p0  }
0x20: {  	[sflag:s8] =	ssyncset.s32 @!p0 $0xFFFFF086;
	s6 =	sadd.s32 @!p0 s3, s7;
	s7 =	simm.s32 @!p0 $0x108  }
0x21: {  	s3 =	sadd.s32 s3, s9;
	s6 =	sadd.s32 @!p0 $0x88, s6;
	s7 =	simm.s32 @p2 $0x1082  }
0x22: {  	[simem:s7], [sflag:s8] =	dma.local @!p0 [hbm:s6], $0xF7A  }
0x23: {  	s9 =	sor.u32 $0xD0000000, s2;
	s6 =	simm.s32 $0x108;
	_ =	swait.ge @!p0 [sflag:s8], $0x0  }
0x24: {  	s3 =	sadd.s32 $0x88, s3;
	s6 =	simm.s32 @!p1 $0x1082;
	[sflag:s4] =	ssyncset.s32 $0xFFFFF086  }
0x25: {  	[simem:s6], [sflag:s4] =	dma.local [hbm:s3], $0xF7A  }
0x26: {  	[smem:$0x3F95] =	sst s1;
	(tag) =	ssettag s2;
	_ =	strace s9  }
0x27: {  	s1 =	sld [smem:$0x3FA5]  }
0x28: {  	s2 =	sld [smem:$0x3FA6]  }
0x29: {  	s4 =	sld [smem:$0x3FA8]  }
0x2a: {  	p0 =	seq.s32 s5, $0x0;
	s5 =	sld [smem:$0x3FA9]  }
0x2b: {  	s6 =	sld [smem:$0x3FAA]  }
0x2c: {  	s7 =	sld [smem:$0x3FAB]  }
0x2d: {  	s3 =	simm.s32 $0x108;
	s8 =	sld [smem:$0x3FAC]  }
0x2e: {  	s3 =	simm.s32 @!p0 $0x1082;
	s9 =	sld [smem:$0x3FAD]  }
0x2f: {  	lr =	sadd.s32 s0, s3;
	s0 =	sld [smem:$0x3FA4]  }
0x30: {  	s3 =	sld [smem:$0x3FA7]  }
0x31: {  	[smem:$0x3FB0] =	sst s10  }
0x32: {  	s10 =	sld [smem:$0x3FAE];
	_ =	sdelay $0x3  }
0x33: {  	p0 =	seq.s32 s10, $0x1;
	s10 =	sld [smem:$0x3FB0];
	_ =	sdelay $0x3  }
0x34: {  	[smem:$0x3FB0] =	sst s10  }
0x35: {  	s10 =	sld [smem:$0x3FAF];
	_ =	sdelay $0x3  }
0x36: {  	p1 =	seq.s32 s10, $0x1;
	s10 =	sld [smem:$0x3FB0];
	_ =	sdelay $0x3  }
0x37: {  	[smem:$0x3FB0] =	sst s10  }
0x38: {  	s10 =	sld [smem:$0x3FB1]  }
0x39: {  	_ = 	snop;
	(pc) =	sbr.ind lr, $3  }
0x3a: {  	_ = 	snop  }
0x3b: {  	_ = 	snop  }
0x3c: {  	p2 =	seq.s32 s10, $0x1;
	s10 =	sld [smem:$0x3FB0]  }
0x3d: {  	_ =	shalt  }
0x3e: {  	_ =	shalt  }
0x3f: {  	_ =	shalt  }
0x40: {  	_ =	shalt  }
0x41: {  	_ =	shalt  }
0x42: {  	_ =	shalt  }
0x43: {  	_ =	shalt  }
0x44: {  	_ =	shalt  }
0x45: {  	_ =	shalt  }
0x46: {  	_ =	shalt  }
0x47: {  	_ =	shalt  }
0x48: {  	_ =	shalt  }
0x49: {  	_ =	shalt  }
0x4a: {  	_ =	shalt  }
0x4b: {  	_ =	shalt  }
0x4c: {  	_ =	shalt  }
0x4d: {  	_ =	shalt  }
0x4e: {  	_ =	shalt  }
0x4f: {  	_ =	shalt  }
0x50: {  	_ =	shalt  }
0x51: {  	_ =	shalt  }
0x52: {  	_ =	shalt  }
0x53: {  	_ =	shalt  }
0x54: {  	_ =	shalt  }
0x55: {  	_ =	shalt  }
0x56: {  	_ =	shalt  }
0x57: {  	_ =	shalt  }
0x58: {  	_ =	shalt  }
0x59: {  	_ =	shalt  }
0x5a: {  	_ =	shalt  }
0x5b: {  	_ =	shalt  }
0x5c: {  	_ =	shalt  }
0x5d: {  	_ =	shalt  }
0x5e: {  	_ =	shalt  }
0x5f: {  	_ =	shalt  }
0x60: {  	_ =	shalt  }
0x61: {  	_ =	shalt  }
0x62: {  	_ =	shalt  }
0x63: {  	_ =	shalt  }
0x64: {  	_ =	shalt  }
0x65: {  	_ =	shalt  }
0x66: {  	_ =	shalt  }
0x67: {  	_ =	shalt  }
0x68: {  	_ =	shalt  }
0x69: {  	_ =	shalt  }
0x6a: {  	_ =	shalt  }
0x6b: {  	_ =	shalt  }
0x6c: {  	_ =	shalt  }
0x6d: {  	_ =	shalt  }
0x6e: {  	_ =	shalt  }
0x6f: {  	_ =	shalt  }
0x70: {  	_ =	shalt  }
0x71: {  	_ =	shalt  }
0x72: {  	_ =	shalt  }
0x73: {  	_ =	shalt  }
0x74: {  	_ =	shalt  }
0x75: {  	_ =	shalt  }
0x76: {  	_ =	shalt  }
0x77: {  	_ =	shalt  }
0x78: {  	_ =	shalt  }
0x79: {  	_ =	shalt  }
0x7a: {  	_ =	shalt  }
0x7b: {  	_ =	shalt  }
0x7c: {  	_ =	shalt  }
0x7d: {  	_ =	shalt  }
0x7e: {  	_ =	shalt  }
0x7f: {  	_ =	shalt  }
0x80: {  	_ =	shalt  }
0x81: {  	_ =	shalt  }
0x82: {  	_ =	shalt  }
0x83: {  	_ =	shalt  }
0x84: {  	_ =	shalt  }
0x85: {  	_ =	shalt  }
0x86: {  	_ =	shalt  }
0x87: {  	_ =	shalt  }
.Lfunc_end0:
.L_simem_size_0:
called_computation.6_lowered:
.L_overlay_start_0:
0x88: {  	s2 =	sld [smem:$0x3FD9]  }
0x89: {  	s3 =	sld [smem:$0x3FFE];
	_ =	sdelay $0x1  }
0x8a: {  	s1 =	srdreg.scid  }
0x8b: {  	s0 =	sand.u32 $0x1, s1  }
0x8c: {  	s17 =	sshll.u32 s0, $0xA;
	s2 =	sadd.s32 s3, s2  }
0x8d: {  	s2 =	sadd.s32 s2, s17  }
0x8e: {  	[smem:$0x3FBC] =	sst s2  }
0x8f: {  	_ = 	snop  }
0x90: {  	s2 =	sld [smem:$0x3FD0];
	(tm) =	ssettm $0x1  }
0x91: {  	s18 =	sld [smem:$0x3FFB];
	_ =	sdelay $0x3  }
0x92: {  	_ =	strace s18  }
0x93: {  	s3 =	sld [smem:$0x3FFC];
	_ =	sdelay $0x3  }
0x94: {  	_ =	strace s3  }
0x95: {  	s3 =	sld [smem:$0x3FFD];
	_ =	sdelay $0x3  }
0x96: {  	_ =	strace s3  }
0x97: {  	_ =	strace $0x8FFFFFFF  }
0x98: {  	s19 =	sld [smem:$0x3FDB];
	_ =	sdelay $0x1  }
0x99: {  	s4 =	simm.s32 $_scs_section_size  }
0x9a: {  	s5 =	simm.s32 $_size__tile_overlayer_lowered;
	s6 =	simm.s32 $_tile_overlayer_lowered  }
0x9b: {  	s22 =	simm.s32 $0x1BFF;
	s21 =	sshll.u32 s6, $0x1;
	s3 =	sadd.s32 s4, s19  }
0x9c: {  	s7 =	simm.s32 $0x0;
	s20 =	sshll.u32 s5, $0x1;
	s5 =	sadd.s32 s21, s3  }
0x9d: {  	[timem:s7], [sflag:s22] =	dma.local [hbm:s5], s20  }
0x9e: {  	_ =	swait.ge [sflag:s22], s20  }
0x9f: {  	s4 =	ssub.s32 $0x0, s20;
	[sflag:s22] =	ssyncset.done $0x0  }
0xa0: {  	[sflag:s22] =	ssyncadd.s32 s4;
	_ =	sdelay $0x1  }
0xa1: {  	s23 =	simm.s32 $0x1B8B  }
0xa2: {  	_ =	swait.ge [sflag:s23], $0x1  }
0xa3: {  	[sflag:s23] =	ssyncset.done $0x0  }
0xa4: {  	s25 =	simm.s32 $0x1B8E;
	s24 =	sld [smem:$0x3FFE];
	[sflag:s23] =	ssyncadd.s32 $0xFFFFFFFF  }
0xa5: {  	s26 =	simm.s32 $execute0_lowered;
	[smem:$0x3FD2] =	sst s25  }
0xa6: {  	s5 =	sshll.u32 s26, $0x1;
	_ =	strace $0x80000058;
	[dreg:$0x1] =	wrdreg $0xFFFFFFFF  }
0xa7: {  	s28 =	simm.s32 $_size_execute0_lowered;
	s3 =	sadd.s32 s3, s5;
	[dreg:$0x0] =	wrdreg $0x0  }
0xa8: {  	s5 =	sshll.u32 s28, $0x1;
	[dreg:$0x2] =	wrdreg s3  }
0xa9: {  	[dreg:$0x3] =	wrdreg s5  }
0xaa: {  	[dreg:$0x4] =	wrdreg $0xC0  }
0xab: {  	_ =	task [dreg:s7], $0x5FFFF  }
0xac: {  	[dreg:$0x1] =	wrdreg $0xFFFFFFFF  }
0xad: {  	[dreg:$0x0] =	wrdreg $0x60  }
0xae: {  	[dreg:$0x2] =	wrdreg s24  }
0xaf: {  	[dreg:$0x3] =	wrdreg s2  }
0xb0: {  	[dreg:$0x4] =	wrdreg $0x120800  }
0xb1: {  	[dreg:$0x5] =	wrdreg $0x9  }
0xb2: {  	_ =	task.clear_ibuf [dreg:s7], $0x6FFFF;
	_ =	strace $0x90000058  }
0xb3: {  	s29 =	simm.s32 $0x9;
	_ =	strace $0x8000005A  }
0xb4: {  	_ =	swait.ge [sflag:s29], $0x1  }
0xb5: {  	[sflag:s29] =	ssyncadd.s32 $0xFFFFFFFF  }
0xb6: {  	_ =	strace $0x9000005A  }
0xb7: {  	_ =	sfence  }
0xb8: {  	s30 =	sld [smem:$0x0];
	_ =	sdelay $0x2  }
0xb9: {  	s31 =	sshll.u32 s1, $0xD;
	s1 =	sshrl.u32 s1, $0x2  }
0xba: {  	s3 =	sand.u32 $0x4000, s31;
	s1 =	sadd.s32 s1, s30  }
0xbb: {  	s0 =	sor.u32 s3, s0;
	s1 =	sshll.u32 s1, $0x11  }
0xbc: {  	s0 =	sor.u32 s1, s0  }
0xbd: {  	s0 =	sadd.s32 $0x8F2B, s0  }
0xbe: {  	[sflag:s0] =	ssyncadd.remote.s32 $0x1  }
0xbf: {  	_ =	sfence.sel $0xFFFF  }
0xc0: {  	[dreg:$0x0] =	wrdreg $0xFFFFFFFF;
	(pc) =	sbr.abs _section_cstart, $3  }
0xc1: {  	[dreg:$0x1] =	wrdreg $0xFFFFFFFF  }
0xc2: {  	_ =	task.clear_ibuf [dreg:s7], $0x2FFFF;
	_ =	strace $0x9FFFFFFF  }
0xc3: {  	(tm) =	ssettm $0x7FFFFFFF  }
tec
execute0_lowered:
.L_overlay_start_1:
0x0: {  	(tag) =	ssettag $0x1  }
0x1: {  	s5 =	rddreg [dreg:$0x0]  }
0x2: {  	s9 =	rddreg [dreg:$0x1];
	s0 =	stileid.u32  }
0x3: {  	s1 =	srdreg.scid;
	s2 =	rddreg [dreg:$0x2];
	s3 =	simm.s32 $0x0  }
0x4: {  	s15 =	simm.s32 $0x12000;
	s16 =	simm.s32 $0x80;
	s17 =	simm.s32 $0xA000  }
0x5: {  	s18 =	simm.s32 $0x1;
	s19 =	simm.s32 $0xE000;
	s21 =	smul.u32 $0x1500, s0  }
0x6: {  	s10 =	sand.u32 $0x1, s1;
	s1 =	rddreg [dreg:$0x3];
	s7 =	smul.u32 $0x5000, s0  }
0x7: {  	s20 =	simm.s32 $0x2;
	[smem:$0x7FF] =	sst s3;
	s12 =	smul.u32 $0x2A000, s0  }
0x8: {  	s4 =	sadd.s32 $0x17400, s5;
	s31 =	sshll.u32 s0, $0x6;
	s6 =	smul.u32 $0x50000, s10  }
0x9: {  	_ =	strace $0x80000059;
	s28 =	smul.u32 $0x15000, s10;
	s11 =	ssub.s32 $0x2, s10  }
0xa: {  	s10 =	sshll.u32 s10, $0x4;
	s8 =	sadd.s32 s21, s5;
	s29 =	sshrl.u32 s11, $0x1  }
0xb: {  	s30 =	sshrl.u32 s12, $0x2;
	s9 =	sadd.s32 s9, s10;
	s10 =	sor.u32 $0x12000, s0  }
0xc: {  	s6 =	sadd.s32 s7, s6;
	s14 =	sadd.s32 s28, s5;
	s11 =	ssub.s32 s11, s29  }
.Ltmp0:
0xd: {  	s12 =	sadd.s32 s30, s2;
	s6 =	sshrl.u32 s6, $0x3;
	(pc) =	sbr.rel .LBB2_1-.Ltmp0, $4  }
0xe: {  	s22 =	sadd.s32 $0x3E600, s14;
	s11 =	smax.u32 s11, $0x1;
	s12 =	sshrl.u32 s12, $0x3  }
0xf: {  	s14 =	simm.s32 $0x5000;
	s13 =	sadd.s32 s6, s5;
	s5 =	sadd.s32 $0x86400, s8  }
0x10: {  	s6 =	sor.u32 $0x1C03, s31;
	s21 =	sadd.s32 s21, s22;
	s22 =	simm.s32 $0x0  }
0x11: {  	s7 =	sadd.s32 $0x72400, s13;
	s8 =	sadd.s32 $0x3400, s13;
	s13 =	simm.s32 $0x3  }
.LBB2_5:
0x12: {  	[sflag:s13] =	ssyncadd.s32 $0xFFFFC000  }
.LBB2_6:
0x13: {  	s24 =	sand.u32 $0x1, s23  }
0x14: {  	_ =	swait.ge [sflag:s18], $0x4000;
	p0 =	seq.s32 s24, $0x0  }
0x15: {  	[sflag:s18] =	ssyncset.done $0x0;
	s23 =	sshll.u32 @!p0 s23, $0x9  }
0x16: {  	[sflag:s18] =	ssyncadd.s32 $0xFFFFC000;
	s23 =	sshra.s32 @!p0 s23, $0x2  }
0x17: {  	s24 =	simm.s32 @!p0 $0x80;
	s25 =	simm.s32 @!p0 $0xA000;
	s23 =	sadd.s32 @!p0 $0x4F80, s23  }
0x18: {  	[spmem:s2] =	stream.indirect.scatter.add.f32 @!p0 [tilespmem:s25], [sflag:$0x3], $0x80, s23, s24, $0xb8;
	[tilespmem:$0x1C880] =	vst v63  }
0x19: {  	s23 =	simm.s32 @!p0 $0x3  }
0x1a: {  	_ =	swait.ge @!p0 [sflag:s23], $0x4000  }
0x1b: {  	[sflag:s23] =	ssyncset.done @!p0 $0x0  }
0x1c: {  	[sflag:s23] =	ssyncadd.s32 @!p0 $0xFFFFC000  }
.LBB2_7:
0x1d: {  	s22 =	sadd.s32 $0x1, s22  }
0x1e: {  	p0 =	sne.s32 s22, s11  }
.Ltmp1:
0x1f: {  	[bflag:$0x0] =	sbarrier.arrive $0xFFFF;
	(pc) =	sbr.rel @!p0 .LBB2_8-.Ltmp1, $4  }
0x20: {  	[hbm:s21], [sflag:s6] =	dma.local [spmem:s12], $0x1500  }
0x21: {  	_ =	swait.ge [sflag:s13], $0x1500  }
0x22: {  	[sflag:s13] =	ssyncset.done $0x0  }
0x23: {  	[sflag:s13] =	ssyncadd.s32 $0xFFFFEB00  }
.LBB2_1:
0x24: {  	[spmem:s12], [sflag:s6] =	dma.local [hbm:s5], $0x1500  }
0x25: {  	_ =	swait.ge [sflag:s13], $0x1500  }
0x26: {  	[sflag:s13] =	ssyncset.done $0x0  }
0x27: {  	[sflag:s13] =	ssyncadd.s32 $0xFFFFEB00  }
0x28: {  	[tilespmem:s3], [sflag:$0x3] =	stream.linear.gather [hbm4b:s7+s3], $0x4E80, $0x38;
	[tilespmem:$0x1C880] =	vst v63  }
0x29: {  	_ =	swait.ge [sflag:s13], $0x4E80  }
0x2a: {  	[sflag:s13] =	ssyncset.done $0x0  }
0x2b: {  	[sflag:s13] =	ssyncadd.s32 $0xFFFFB180  }
0x2c: {  	[tilespmem:s14], [sflag:$0x3] =	stream.linear.gather [hbm4b:s8+s3], $0x4E80, $0x38;
	[tilespmem:$0x1C880] =	vst v63  }
0x2d: {  	_ =	swait.ge [sflag:s13], $0x4E80  }
0x2e: {  	[sflag:s13] =	ssyncset.done $0x0  }
0x2f: {  	[sflag:s13] =	ssyncadd.s32 $0xFFFFB180  }
0x30: {  	[tilespmem:s15], [sflag:$0x3] =	stream.linear.gather [hbm4b:s9+s3], $0x80, $0x38;
	[tilespmem:$0x1C880] =	vst v63  }
0x31: {  	_ =	swait.ge [sflag:s13], $0x80  }
0x32: {  	[sflag:s13] =	ssyncset.done $0x0  }
0x33: {  	[sflag:s13] =	ssyncadd.s32 $0xFFFFFF80  }
0x34: {  	v0 =	vld.msk [tilespmem:s10+$0x0], $0x1;
	_ =	sdelay $0x4  }
0x35: {  	(v2sf) =	vpush v0, $0x0;
	_ =	sdelay $0xe  }
0x36: {  	s23 =	spop (v2sf)  }
0x37: {  	p0 =	slt.s32 s23, $0x1  }
.Ltmp2:
0x38: {  	_ = 	snop;
	(pc) =	sbr.rel @p0 .LBB2_7-.Ltmp2, $2  }
0x39: {  	_ =	sdelay $0x1  }
0x3a: {  	[bflag:$0x0] =	sbarrier.arrive $0xFFFF;
	_ =	sdelay $0x1  }
0x3b: {  	s28 =	sshrl.u32 s23, $0x1  }
0x3c: {  	p0 =	seq.s32 s28, $0x0  }
.Ltmp3:
0x3d: {  	_ = 	snop;
	(pc) =	sbr.rel @p0 .LBB2_6-.Ltmp3, $2  }
0x3e: {  	_ =	sdelay $0x2  }
0x3f: {  	[tilespmem:s17], [sflag:$0x1] =	stream.indirect.gather [hbm4b:s4+s16], $0x80, s3, s16, $0xb8;
	[tilespmem:$0x1C880] =	vst v63  }
0x40: {  	s24 =	simm.s32 $0x80  }
0x41: {  	[tilespmem:s19], [sflag:$0x2] =	stream.indirect.gather [hbm4b:s4+s16], $0x80, s24, s16, $0xb8;
	[tilespmem:$0x1C880] =	vst v63  }
0x42: {  	s25 =	simm.s32 $0x2;
	_ =	swait.ge [sflag:s18], $0x4000  }
0x43: {  	s26 =	simm.s32 $0x5000;
	s24 =	sadd.s32 $0xFFFFFFFF, s23;
	[sflag:s18] =	ssyncset.done $0x0  }
0x44: {  	p0 =	sgt.s32 s24, $0x2;
	s29 =	smov.u32 s24;
	[sflag:s18] =	ssyncadd.s32 $0xFFFFC000  }
0x45: {  	[spmem:s2] =	stream.indirect.scatter.add.f32 [tilespmem:s17], [sflag:$0x3], $0x80, s26, s16, $0xb8;
	[tilespmem:$0x1C880] =	vst v63  }
0x46: {  	s29 =	smov.u32 @p0 s25;
	_ =	swait.ge [sflag:s13], $0x4000  }
0x47: {  	s29 =	sshll.u32 s29, $0x9;
	[sflag:s13] =	ssyncset.done $0x0  }
0x48: {  	s29 =	sshra.s32 s29, $0x2;
	[sflag:s13] =	ssyncadd.s32 $0xFFFFC000  }
0x49: {  	[tilespmem:s17], [sflag:$0x1] =	stream.indirect.gather [hbm4b:s4+s16], $0x80, s29, s16, $0xb8;
	[tilespmem:$0x1C880] =	vst v63  }
0x4a: {  	p0 =	sne.s32 s28, $0x1;
	_ =	swait.ge [sflag:s20], $0x4000  }
.Ltmp4:
0x4b: {  	[sflag:s20] =	ssyncset.done $0x0;
	(pc) =	sbr.rel @!p0 .LBB2_5-.Ltmp4, $4  }
0x4c: {  	s29 =	simm.s32 $0x5080;
	[sflag:s20] =	ssyncadd.s32 $0xFFFFC000  }
0x4d: {  	[spmem:s2] =	stream.indirect.scatter.add.f32 [tilespmem:s19], [sflag:$0x3], $0x80, s29, s16, $0xb8;
	[tilespmem:$0x1C880] =	vst v63  }
0x4e: {  	_ =	swait.ge [sflag:s13], $0x4000  }
0x4f: {  	s28 =	sadd.s32 $0xFFFFFFFF, s28;
	s29 =	simm.s32 $0x180;
	[sflag:s13] =	ssyncset.done $0x0  }
.LBB2_4:
0x50: {  	[sflag:s13] =	ssyncadd.s32 $0xFFFFC000;
	s25 =	sadd.s32 $0x2, s25;
	s26 =	sadd.s32 $0x100, s26  }
0x51: {  	[tilespmem:s19], [sflag:$0x2] =	stream.indirect.gather [hbm4b:s4+s16], $0x80, s29, s16, $0xb8;
	[tilespmem:$0x1C880] =	vst v63  }
0x52: {  	p0 =	sne.s32 s28, $0x1;
	s28 =	sadd.s32 $0xFFFFFFFF, s28;
	_ =	swait.ge [sflag:s18], $0x4000  }
0x53: {  	[sflag:s18] =	ssyncset.done $0x0  }
0x54: {  	s30 =	smov.u32 s24;
	p1 =	slt.s32 s25, s24;
	[sflag:s18] =	ssyncadd.s32 $0xFFFFC000  }
0x55: {  	[spmem:s2] =	stream.indirect.scatter.add.f32 [tilespmem:s17], [sflag:$0x3], $0x80, s26, s16, $0xb8;
	[tilespmem:$0x1C880] =	vst v63  }
0x56: {  	s30 =	smov.u32 @p1 s25;
	_ =	swait.ge [sflag:s13], $0x4000  }
0x57: {  	s30 =	sshll.u32 s30, $0x9;
	[sflag:s13] =	ssyncset.done $0x0  }
0x58: {  	s30 =	sshra.s32 s30, $0x2;
	[sflag:s13] =	ssyncadd.s32 $0xFFFFC000  }
0x59: {  	[tilespmem:s17], [sflag:$0x1] =	stream.indirect.gather [hbm4b:s4+s16], $0x80, s30, s16, $0xb8;
	[tilespmem:$0x1C880] =	vst v63  }
0x5a: {  	_ =	swait.ge [sflag:s20], $0x4000  }
.Ltmp5:
0x5b: {  	[sflag:s20] =	ssyncset.done $0x0;
	(pc) =	sbr.rel @p0 .LBB2_4-.Ltmp5, $4  }
0x5c: {  	s30 =	sadd.s32 $0x80, s26;
	[sflag:s20] =	ssyncadd.s32 $0xFFFFC000  }
0x5d: {  	[spmem:s2] =	stream.indirect.scatter.add.f32 [tilespmem:s19], [sflag:$0x3], $0x80, s30, s16, $0xb8;
	[tilespmem:$0x1C880] =	vst v63  }
0x5e: {  	_ =	swait.ge [sflag:s13], $0x4000  }
0x5f: {  	s29 =	sadd.s32 $0x100, s29;
	[sflag:s13] =	ssyncset.done $0x0  }
.Ltmp6:
0x60: {  	_ = 	snop;
	(pc) =	sbr.rel .LBB2_5-.Ltmp6, $1  }
0x61: {  	_ =	sdelay $0x3  }
.LBB2_8:
0x62: {  	_ =	sfence.sel $0x180000  }
0x63: {  	[bflag:$0x0] =	sbarrier.arrive $0xFFFF  }
0x64: {  	p0 =	sne.s32 s0, $0x0;
	_ =	strace $0x90000059  }
0x65: {  	s0 =	sadd.s32 @!p0 $0x100000, s1;
	[bflag:$0x2] =	sbarrier.arrive $0xFFFF  }
0x66: {  	[sflag:s0] =	ssyncadd.tile.s32 @!p0 $0x1;
	_ =	shalt  }
.Lfunc_end2:
_tile_overlayer_lowered:
.L_overlay_start_2:
0x67: {  	(tag) =	ssettag $0x2  }
0x68: {  	s0 =	rddreg [dreg:$0x0];
	s2 =	stileid.u32  }
0x69: {  	s1 =	rddreg [dreg:$0x1];
	p0 =	sne.s32 s2, $0x0  }
0x6a: {  	s3 =	rddreg [dreg:$0x2];
	[bflag:$0x3] =	sbarrier.arrive $0xFFFF;
	s2 =	simm.s32 @!p0 $0x1C03  }
0x6b: {  	[timem:s3], [sflag:s2] =	dma.local @!p0 [hbm:s0], s1  }
0x6c: {  	s0 =	simm.s32 @!p0 $0x3  }
0x6d: {  	_ =	swait.ge @!p0 [sflag:s0], s1  }
0x6e: {  	s1 =	ssub.s32 @!p0 $0x0, s1;
	[sflag:s0] =	ssyncset.done @!p0 $0x0  }
0x6f: {  	[sflag:s0] =	ssyncadd.s32 @!p0 s1  }
0x70: {  	[bflag:$0x3] =	sbarrier.arrive $0xFFFF  }
0x71: {  	_ =	shalt  }

// kernel: kernel.9.cloned.1.call-start
scs
__scs_entry_jumppad:
0x0: {  	(pc) =	sbr.rel $0x88, $3  }
0x1: {  	(tag) =	ssettag $0x0;
	lr =	simm.s32 $0x1  }
0x2: {  	[smem:$0x3F95] =	sst lr;
	_ =	strace $0xD0000000  }
0x3: {  	_ = 	snop  }
0x4: {  	_ = 	snop  }
0x5: {  	_ = 	snop  }
0x6: {  	_ = 	snop  }
0x7: {  	_ = 	snop  }
__scs_overlays_trampoline_lowered:
0x8: {  	[smem:$0x3FA4] =	sst s0  }
0x9: {  	[smem:$0x3FA5] =	sst s1  }
0xa: {  	[smem:$0x3FA6] =	sst s2  }
0xb: {  	[smem:$0x3FA7] =	sst s3  }
0xc: {  	[smem:$0x3FA8] =	sst s4  }
0xd: {  	[smem:$0x3FA9] =	sst s5  }
0xe: {  	[smem:$0x3FAA] =	sst s6  }
0xf: {  	[smem:$0x3FAB] =	sst s7  }
0x10: {  	[smem:$0x3FAC] =	sst s8  }
0x11: {  	[smem:$0x3FAD] =	sst s9;
	s0 =	simm.s32 @!p0 $0x0  }
0x12: {  	s1 =	sld [smem:$0x3F93];
	s0 =	simm.s32 @p0 $0x1  }
0x13: {  	[smem:$0x3FAE] =	sst s0;
	s0 =	simm.s32 @!p1 $0x0  }
0x14: {  	s2 =	sld [smem:$0x3F92];
	s0 =	simm.s32 @p1 $0x1  }
0x15: {  	[smem:$0x3FAF] =	sst s0;
	s0 =	simm.s32 @!p2 $0x0  }
0x16: {  	s3 =	sld [smem:$0x3FDB];
	s0 =	simm.s32 @p2 $0x1  }
0x17: {  	s4 =	simm.s32 $0x1BF5;
	[smem:$0x3FB1] =	sst s0  }
0x18: {  	s0 =	sld [smem:$0x3F94];
	_ =	swait.ge [sflag:s4], $0x0  }
0x19: {  	s7 =	sld [smem:$0x3F95]  }
0x1a: {  	s8 =	sadd.s32 $0xFFFFE003, lr  }
0x1b: {  	s9 =	sadd.s32 $0xFFFFFEF7, lr;
	s5 =	simm.s32 $0xFFFFFFFF;
	p2 =	slt.u32 s8, $0xFFFFF086  }
0x1c: {  	p1 =	slt.u32 s9, $0xF7A;
	s5 =	simm.s32 @!p2 $0x0  }
0x1d: {  	s5 =	simm.s32 @p1 $0x1;
	p0 =	seq.s32 s7, s2  }
0x1e: {  	s7 =	smul.u32 @!p0 $0xF7A, s2;
	p2 =	seq.s32 @!p0 s5, $0x0  }
0x1f: {  	s9 =	smul.u32 $0xF7A, s1;
	s8 =	simm.s32 @!p0 $0x1BF5;
	p2 =	por !p2, p0  }
0x20: {  	[sflag:s8] =	ssyncset.s32 @!p0 $0xFFFFF086;
	s6 =	sadd.s32 @!p0 s3, s7;
	s7 =	simm.s32 @!p0 $0x108  }
0x21: {  	s3 =	sadd.s32 s3, s9;
	s6 =	sadd.s32 @!p0 $0x88, s6;
	s7 =	simm.s32 @p2 $0x1082  }
0x22: {  	[simem:s7], [sflag:s8] =	dma.local @!p0 [hbm:s6], $0xF7A  }
0x23: {  	s9 =	sor.u32 $0xD0000000, s2;
	s6 =	simm.s32 $0x108;
	_ =	swait.ge @!p0 [sflag:s8], $0x0  }
0x24: {  	s3 =	sadd.s32 $0x88, s3;
	s6 =	simm.s32 @!p1 $0x1082;
	[sflag:s4] =	ssyncset.s32 $0xFFFFF086  }
0x25: {  	[simem:s6], [sflag:s4] =	dma.local [hbm:s3], $0xF7A  }
0x26: {  	[smem:$0x3F95] =	sst s1;
	(tag) =	ssettag s2;
	_ =	strace s9  }
0x27: {  	s1 =	sld [smem:$0x3FA5]  }
0x28: {  	s2 =	sld [smem:$0x3FA6]  }
0x29: {  	s4 =	sld [smem:$0x3FA8]  }
0x2a: {  	p0 =	seq.s32 s5, $0x0;
	s5 =	sld [smem:$0x3FA9]  }
0x2b: {  	s6 =	sld [smem:$0x3FAA]  }
0x2c: {  	s7 =	sld [smem:$0x3FAB]  }
0x2d: {  	s3 =	simm.s32 $0x108;
	s8 =	sld [smem:$0x3FAC]  }
0x2e: {  	s3 =	simm.s32 @!p0 $0x1082;
	s9 =	sld [smem:$0x3FAD]  }
0x2f: {  	lr =	sadd.s32 s0, s3;
	s0 =	sld [smem:$0x3FA4]  }
0x30: {  	s3 =	sld [smem:$0x3FA7]  }
0x31: {  	[smem:$0x3FB0] =	sst s10  }
0x32: {  	s10 =	sld [smem:$0x3FAE];
	_ =	sdelay $0x3  }
0x33: {  	p0 =	seq.s32 s10, $0x1;
	s10 =	sld [smem:$0x3FB0];
	_ =	sdelay $0x3  }
0x34: {  	[smem:$0x3FB0] =	sst s10  }
0x35: {  	s10 =	sld [smem:$0x3FAF];
	_ =	sdelay $0x3  }
0x36: {  	p1 =	seq.s32 s10, $0x1;
	s10 =	sld [smem:$0x3FB0];
	_ =	sdelay $0x3  }
0x37: {  	[smem:$0x3FB0] =	sst s10  }
0x38: {  	s10 =	sld [smem:$0x3FB1]  }
0x39: {  	_ = 	snop;
	(pc) =	sbr.ind lr, $3  }
0x3a: {  	_ = 	snop  }
0x3b: {  	_ = 	snop  }
0x3c: {  	p2 =	seq.s32 s10, $0x1;
	s10 =	sld [smem:$0x3FB0]  }
0x3d: {  	_ =	shalt  }
0x3e: {  	_ =	shalt  }
0x3f: {  	_ =	shalt  }
0x40: {  	_ =	shalt  }
0x41: {  	_ =	shalt  }
0x42: {  	_ =	shalt  }
0x43: {  	_ =	shalt  }
0x44: {  	_ =	shalt  }
0x45: {  	_ =	shalt  }
0x46: {  	_ =	shalt  }
0x47: {  	_ =	shalt  }
0x48: {  	_ =	shalt  }
0x49: {  	_ =	shalt  }
0x4a: {  	_ =	shalt  }
0x4b: {  	_ =	shalt  }
0x4c: {  	_ =	shalt  }
0x4d: {  	_ =	shalt  }
0x4e: {  	_ =	shalt  }
0x4f: {  	_ =	shalt  }
0x50: {  	_ =	shalt  }
0x51: {  	_ =	shalt  }
0x52: {  	_ =	shalt  }
0x53: {  	_ =	shalt  }
0x54: {  	_ =	shalt  }
0x55: {  	_ =	shalt  }
0x56: {  	_ =	shalt  }
0x57: {  	_ =	shalt  }
0x58: {  	_ =	shalt  }
0x59: {  	_ =	shalt  }
0x5a: {  	_ =	shalt  }
0x5b: {  	_ =	shalt  }
0x5c: {  	_ =	shalt  }
0x5d: {  	_ =	shalt  }
0x5e: {  	_ =	shalt  }
0x5f: {  	_ =	shalt  }
0x60: {  	_ =	shalt  }
0x61: {  	_ =	shalt  }
0x62: {  	_ =	shalt  }
0x63: {  	_ =	shalt  }
0x64: {  	_ =	shalt  }
0x65: {  	_ =	shalt  }
0x66: {  	_ =	shalt  }
0x67: {  	_ =	shalt  }
0x68: {  	_ =	shalt  }
0x69: {  	_ =	shalt  }
0x6a: {  	_ =	shalt  }
0x6b: {  	_ =	shalt  }
0x6c: {  	_ =	shalt  }
0x6d: {  	_ =	shalt  }
0x6e: {  	_ =	shalt  }
0x6f: {  	_ =	shalt  }
0x70: {  	_ =	shalt  }
0x71: {  	_ =	shalt  }
0x72: {  	_ =	shalt  }
0x73: {  	_ =	shalt  }
0x74: {  	_ =	shalt  }
0x75: {  	_ =	shalt  }
0x76: {  	_ =	shalt  }
0x77: {  	_ =	shalt  }
0x78: {  	_ =	shalt  }
0x79: {  	_ =	shalt  }
0x7a: {  	_ =	shalt  }
0x7b: {  	_ =	shalt  }
0x7c: {  	_ =	shalt  }
0x7d: {  	_ =	shalt  }
0x7e: {  	_ =	shalt  }
0x7f: {  	_ =	shalt  }
0x80: {  	_ =	shalt  }
0x81: {  	_ =	shalt  }
0x82: {  	_ =	shalt  }
0x83: {  	_ =	shalt  }
0x84: {  	_ =	shalt  }
0x85: {  	_ =	shalt  }
0x86: {  	_ =	shalt  }
0x87: {  	_ =	shalt  }
.Lfunc_end0:
.L_simem_size_0:
called_computation.4_lowered:
.L_overlay_start_0:
0x88: {  	s2 =	sld [smem:$0x3FD9]  }
0x89: {  	s3 =	sld [smem:$0x3FFE];
	_ =	sdelay $0x1  }
0x8a: {  	s1 =	srdreg.scid  }
0x8b: {  	s0 =	sand.u32 $0x1, s1  }
0x8c: {  	s17 =	sshll.u32 s0, $0xA;
	s2 =	sadd.s32 s3, s2  }
0x8d: {  	s2 =	sadd.s32 s2, s17  }
0x8e: {  	[smem:$0x3FBC] =	sst s2  }
0x8f: {  	_ = 	snop  }
0x90: {  	s2 =	sld [smem:$0x3FD0];
	(tm) =	ssettm $0x1  }
0x91: {  	s18 =	sld [smem:$0x3FFB];
	_ =	sdelay $0x3  }
0x92: {  	_ =	strace s18  }
0x93: {  	s3 =	sld [smem:$0x3FFC];
	_ =	sdelay $0x3  }
0x94: {  	_ =	strace s3  }
0x95: {  	s3 =	sld [smem:$0x3FFD];
	_ =	sdelay $0x3  }
0x96: {  	_ =	strace s3  }
0x97: {  	_ =	strace $0x8FFFFFFF  }
0x98: {  	s19 =	sld [smem:$0x3FDB];
	_ =	sdelay $0x1  }
0x99: {  	s4 =	simm.s32 $_scs_section_size  }
0x9a: {  	s5 =	simm.s32 $_size__tile_overlayer_lowered;
	s6 =	simm.s32 $_tile_overlayer_lowered  }
0x9b: {  	s22 =	simm.s32 $0x1BFF;
	s21 =	sshll.u32 s6, $0x1;
	s3 =	sadd.s32 s4, s19  }
0x9c: {  	s7 =	simm.s32 $0x0;
	s20 =	sshll.u32 s5, $0x1;
	s5 =	sadd.s32 s21, s3  }
0x9d: {  	[timem:s7], [sflag:s22] =	dma.local [hbm:s5], s20  }
0x9e: {  	_ =	swait.ge [sflag:s22], s20  }
0x9f: {  	s4 =	ssub.s32 $0x0, s20;
	[sflag:s22] =	ssyncset.done $0x0  }
0xa0: {  	[sflag:s22] =	ssyncadd.s32 s4;
	_ =	sdelay $0x1  }
0xa1: {  	s23 =	simm.s32 $0x1B8B  }
0xa2: {  	_ =	swait.ge [sflag:s23], $0x1  }
0xa3: {  	[sflag:s23] =	ssyncset.done $0x0  }
0xa4: {  	s25 =	simm.s32 $0x1B8E;
	s24 =	sld [smem:$0x3FFE];
	[sflag:s23] =	ssyncadd.s32 $0xFFFFFFFF  }
0xa5: {  	s26 =	simm.s32 $execute0_lowered;
	[smem:$0x3FD2] =	sst s25  }
0xa6: {  	s5 =	sshll.u32 s26, $0x1;
	_ =	strace $0x80000052;
	[dreg:$0x1] =	wrdreg $0xFFFFFFFF  }
0xa7: {  	s28 =	simm.s32 $_size_execute0_lowered;
	s3 =	sadd.s32 s3, s5;
	[dreg:$0x0] =	wrdreg $0x0  }
0xa8: {  	s5 =	sshll.u32 s28, $0x1;
	[dreg:$0x2] =	wrdreg s3  }
0xa9: {  	[dreg:$0x3] =	wrdreg s5  }
0xaa: {  	[dreg:$0x4] =	wrdreg $0xC0  }
0xab: {  	_ =	task [dreg:s7], $0x5FFFF  }
0xac: {  	[dreg:$0x1] =	wrdreg $0xFFFFFFFF  }
0xad: {  	[dreg:$0x0] =	wrdreg $0x60  }
0xae: {  	[dreg:$0x2] =	wrdreg s24  }
0xaf: {  	[dreg:$0x3] =	wrdreg s2  }
0xb0: {  	[dreg:$0x4] =	wrdreg $0x120800  }
0xb1: {  	[dreg:$0x5] =	wrdreg $0x9  }
0xb2: {  	_ =	task.clear_ibuf [dreg:s7], $0x6FFFF;
	_ =	strace $0x90000052  }
0xb3: {  	s29 =	simm.s32 $0x9;
	_ =	strace $0x80000054  }
0xb4: {  	_ =	swait.ge [sflag:s29], $0x1  }
0xb5: {  	[sflag:s29] =	ssyncadd.s32 $0xFFFFFFFF  }
0xb6: {  	_ =	strace $0x90000054  }
0xb7: {  	_ =	sfence  }
0xb8: {  	s30 =	sld [smem:$0x0];
	_ =	sdelay $0x2  }
0xb9: {  	s31 =	sshll.u32 s1, $0xD;
	s1 =	sshrl.u32 s1, $0x2  }
0xba: {  	s3 =	sand.u32 $0x4000, s31;
	s1 =	sadd.s32 s1, s30  }
0xbb: {  	s0 =	sor.u32 s3, s0;
	s1 =	sshll.u32 s1, $0x11  }
0xbc: {  	s0 =	sor.u32 s1, s0  }
0xbd: {  	s0 =	sadd.s32 $0x8F2B, s0  }
0xbe: {  	[sflag:s0] =	ssyncadd.remote.s32 $0x1  }
0xbf: {  	_ =	sfence.sel $0xFFFF  }
0xc0: {  	[dreg:$0x0] =	wrdreg $0xFFFFFFFF;
	(pc) =	sbr.abs _section_cstart, $3  }
0xc1: {  	[dreg:$0x1] =	wrdreg $0xFFFFFFFF  }
0xc2: {  	_ =	task.clear_ibuf [dreg:s7], $0x2FFFF;
	_ =	strace $0x9FFFFFFF  }
0xc3: {  	(tm) =	ssettm $0x7FFFFFFF  }
tec
execute0_lowered:
.L_overlay_start_1:
0x0: {  	(tag) =	ssettag $0x1  }
0x1: {  	s5 =	rddreg [dreg:$0x0]  }
0x2: {  	s9 =	rddreg [dreg:$0x1];
	s0 =	stileid.u32  }
0x3: {  	s1 =	srdreg.scid;
	s2 =	rddreg [dreg:$0x2];
	s3 =	simm.s32 $0x0  }
0x4: {  	s15 =	simm.s32 $0x12000;
	s16 =	simm.s32 $0x80;
	s17 =	simm.s32 $0xA000  }
0x5: {  	s18 =	simm.s32 $0x1;
	s19 =	simm.s32 $0xE000;
	s21 =	smul.u32 $0x1500, s0  }
0x6: {  	s10 =	sand.u32 $0x1, s1;
	s1 =	rddreg [dreg:$0x3];
	s7 =	smul.u32 $0x5000, s0  }
0x7: {  	s20 =	simm.s32 $0x2;
	[smem:$0x7FF] =	sst s3;
	s12 =	smul.u32 $0x2A000, s0  }
0x8: {  	s4 =	sadd.s32 $0x24000, s5;
	s31 =	sshll.u32 s0, $0x6;
	s6 =	smul.u32 $0x50000, s10  }
0x9: {  	_ =	strace $0x80000053;
	s28 =	smul.u32 $0x15000, s10;
	s11 =	ssub.s32 $0x2, s10  }
0xa: {  	s10 =	sshll.u32 s10, $0x4;
	s8 =	sadd.s32 s21, s5;
	s29 =	sshrl.u32 s11, $0x1  }
0xb: {  	s30 =	sshrl.u32 s12, $0x2;
	s9 =	sadd.s32 s9, s10;
	s10 =	sor.u32 $0x12000, s0  }
0xc: {  	s6 =	sadd.s32 s7, s6;
	s14 =	sadd.s32 s28, s5;
	s11 =	ssub.s32 s11, s29  }
.Ltmp0:
0xd: {  	s12 =	sadd.s32 s30, s2;
	s6 =	sshrl.u32 s6, $0x3;
	(pc) =	sbr.rel .LBB2_1-.Ltmp0, $4  }
0xe: {  	s22 =	sadd.s32 $0x9B400, s14;
	s11 =	smax.u32 s11, $0x1;
	s12 =	sshrl.u32 s12, $0x3  }
0xf: {  	s14 =	simm.s32 $0x5000;
	s13 =	sadd.s32 s6, s5;
	s5 =	sadd.s32 $0x86400, s8  }
0x10: {  	s6 =	sor.u32 $0x1C03, s31;
	s21 =	sadd.s32 s21, s22;
	s22 =	simm.s32 $0x0  }
0x11: {  	s7 =	sadd.s32 $0x72400, s13;
	s8 =	sadd.s32 $0x3400, s13;
	s13 =	simm.s32 $0x3  }
.LBB2_5:
0x12: {  	[sflag:s13] =	ssyncadd.s32 $0xFFFFC000  }
.LBB2_6:
0x13: {  	s24 =	sand.u32 $0x1, s23  }
0x14: {  	_ =	swait.ge [sflag:s18], $0x4000;
	p0 =	seq.s32 s24, $0x0  }
0x15: {  	[sflag:s18] =	ssyncset.done $0x0;
	s23 =	sshll.u32 @!p0 s23, $0x9  }
0x16: {  	[sflag:s18] =	ssyncadd.s32 $0xFFFFC000;
	s23 =	sshra.s32 @!p0 s23, $0x2  }
0x17: {  	s24 =	simm.s32 @!p0 $0x80;
	s25 =	simm.s32 @!p0 $0xA000;
	s23 =	sadd.s32 @!p0 $0x4F80, s23  }
0x18: {  	[spmem:s2] =	stream.indirect.scatter.add.f32 @!p0 [tilespmem:s25], [sflag:$0x3], $0x80, s23, s24, $0xb8;
	[tilespmem:$0x1C880] =	vst v63  }
0x19: {  	s23 =	simm.s32 @!p0 $0x3  }
0x1a: {  	_ =	swait.ge @!p0 [sflag:s23], $0x4000  }
0x1b: {  	[sflag:s23] =	ssyncset.done @!p0 $0x0  }
0x1c: {  	[sflag:s23] =	ssyncadd.s32 @!p0 $0xFFFFC000  }
.LBB2_7:
0x1d: {  	s22 =	sadd.s32 $0x1, s22  }
0x1e: {  	p0 =	sne.s32 s22, s11  }
.Ltmp1:
0x1f: {  	[bflag:$0x0] =	sbarrier.arrive $0xFFFF;
	(pc) =	sbr.rel @!p0 .LBB2_8-.Ltmp1, $4  }
0x20: {  	[hbm:s21], [sflag:s6] =	dma.local [spmem:s12], $0x1500  }
0x21: {  	_ =	swait.ge [sflag:s13], $0x1500  }
0x22: {  	[sflag:s13] =	ssyncset.done $0x0  }
0x23: {  	[sflag:s13] =	ssyncadd.s32 $0xFFFFEB00  }
.LBB2_1:
0x24: {  	[spmem:s12], [sflag:s6] =	dma.local [hbm:s5], $0x1500  }
0x25: {  	_ =	swait.ge [sflag:s13], $0x1500  }
0x26: {  	[sflag:s13] =	ssyncset.done $0x0  }
0x27: {  	[sflag:s13] =	ssyncadd.s32 $0xFFFFEB00  }
0x28: {  	[tilespmem:s3], [sflag:$0x3] =	stream.linear.gather [hbm4b:s7+s3], $0x4E80, $0x38;
	[tilespmem:$0x1C880] =	vst v63  }
0x29: {  	_ =	swait.ge [sflag:s13], $0x4E80  }
0x2a: {  	[sflag:s13] =	ssyncset.done $0x0  }
0x2b: {  	[sflag:s13] =	ssyncadd.s32 $0xFFFFB180  }
0x2c: {  	[tilespmem:s14], [sflag:$0x3] =	stream.linear.gather [hbm4b:s8+s3], $0x4E80, $0x38;
	[tilespmem:$0x1C880] =	vst v63  }
0x2d: {  	_ =	swait.ge [sflag:s13], $0x4E80  }
0x2e: {  	[sflag:s13] =	ssyncset.done $0x0  }
0x2f: {  	[sflag:s13] =	ssyncadd.s32 $0xFFFFB180  }
0x30: {  	[tilespmem:s15], [sflag:$0x3] =	stream.linear.gather [hbm4b:s9+s3], $0x80, $0x38;
	[tilespmem:$0x1C880] =	vst v63  }
0x31: {  	_ =	swait.ge [sflag:s13], $0x80  }
0x32: {  	[sflag:s13] =	ssyncset.done $0x0  }
0x33: {  	[sflag:s13] =	ssyncadd.s32 $0xFFFFFF80  }
0x34: {  	v0 =	vld.msk [tilespmem:s10+$0x0], $0x1;
	_ =	sdelay $0x4  }
0x35: {  	(v2sf) =	vpush v0, $0x0;
	_ =	sdelay $0xe  }
0x36: {  	s23 =	spop (v2sf)  }
0x37: {  	p0 =	slt.s32 s23, $0x1  }
.Ltmp2:
0x38: {  	_ = 	snop;
	(pc) =	sbr.rel @p0 .LBB2_7-.Ltmp2, $2  }
0x39: {  	_ =	sdelay $0x1  }
0x3a: {  	[bflag:$0x0] =	sbarrier.arrive $0xFFFF;
	_ =	sdelay $0x1  }
0x3b: {  	s28 =	sshrl.u32 s23, $0x1  }
0x3c: {  	p0 =	seq.s32 s28, $0x0  }
.Ltmp3:
0x3d: {  	_ = 	snop;
	(pc) =	sbr.rel @p0 .LBB2_6-.Ltmp3, $2  }
0x3e: {  	_ =	sdelay $0x2  }
0x3f: {  	[tilespmem:s17], [sflag:$0x1] =	stream.indirect.gather [hbm4b:s4+s16], $0x80, s3, s16, $0xb8;
	[tilespmem:$0x1C880] =	vst v63  }
0x40: {  	s24 =	simm.s32 $0x80  }
0x41: {  	[tilespmem:s19], [sflag:$0x2] =	stream.indirect.gather [hbm4b:s4+s16], $0x80, s24, s16, $0xb8;
	[tilespmem:$0x1C880] =	vst v63  }
0x42: {  	s25 =	simm.s32 $0x2;
	_ =	swait.ge [sflag:s18], $0x4000  }
0x43: {  	s26 =	simm.s32 $0x5000;
	s24 =	sadd.s32 $0xFFFFFFFF, s23;
	[sflag:s18] =	ssyncset.done $0x0  }
0x44: {  	p0 =	sgt.s32 s24, $0x2;
	s29 =	smov.u32 s24;
	[sflag:s18] =	ssyncadd.s32 $0xFFFFC000  }
0x45: {  	[spmem:s2] =	stream.indirect.scatter.add.f32 [tilespmem:s17], [sflag:$0x3], $0x80, s26, s16, $0xb8;
	[tilespmem:$0x1C880] =	vst v63  }
0x46: {  	s29 =	smov.u32 @p0 s25;
	_ =	swait.ge [sflag:s13], $0x4000  }
0x47: {  	s29 =	sshll.u32 s29, $0x9;
	[sflag:s13] =	ssyncset.done $0x0  }
0x48: {  	s29 =	sshra.s32 s29, $0x2;
	[sflag:s13] =	ssyncadd.s32 $0xFFFFC000  }
0x49: {  	[tilespmem:s17], [sflag:$0x1] =	stream.indirect.gather [hbm4b:s4+s16], $0x80, s29, s16, $0xb8;
	[tilespmem:$0x1C880] =	vst v63  }
0x4a: {  	p0 =	sne.s32 s28, $0x1;
	_ =	swait.ge [sflag:s20], $0x4000  }
.Ltmp4:
0x4b: {  	[sflag:s20] =	ssyncset.done $0x0;
	(pc) =	sbr.rel @!p0 .LBB2_5-.Ltmp4, $4  }
0x4c: {  	s29 =	simm.s32 $0x5080;
	[sflag:s20] =	ssyncadd.s32 $0xFFFFC000  }
0x4d: {  	[spmem:s2] =	stream.indirect.scatter.add.f32 [tilespmem:s19], [sflag:$0x3], $0x80, s29, s16, $0xb8;
	[tilespmem:$0x1C880] =	vst v63  }
0x4e: {  	_ =	swait.ge [sflag:s13], $0x4000  }
0x4f: {  	s28 =	sadd.s32 $0xFFFFFFFF, s28;
	s29 =	simm.s32 $0x180;
	[sflag:s13] =	ssyncset.done $0x0  }
.LBB2_4:
0x50: {  	[sflag:s13] =	ssyncadd.s32 $0xFFFFC000;
	s25 =	sadd.s32 $0x2, s25;
	s26 =	sadd.s32 $0x100, s26  }
0x51: {  	[tilespmem:s19], [sflag:$0x2] =	stream.indirect.gather [hbm4b:s4+s16], $0x80, s29, s16, $0xb8;
	[tilespmem:$0x1C880] =	vst v63  }
0x52: {  	p0 =	sne.s32 s28, $0x1;
	s28 =	sadd.s32 $0xFFFFFFFF, s28;
	_ =	swait.ge [sflag:s18], $0x4000  }
0x53: {  	[sflag:s18] =	ssyncset.done $0x0  }
0x54: {  	s30 =	smov.u32 s24;
	p1 =	slt.s32 s25, s24;
	[sflag:s18] =	ssyncadd.s32 $0xFFFFC000  }
0x55: {  	[spmem:s2] =	stream.indirect.scatter.add.f32 [tilespmem:s17], [sflag:$0x3], $0x80, s26, s16, $0xb8;
	[tilespmem:$0x1C880] =	vst v63  }
0x56: {  	s30 =	smov.u32 @p1 s25;
	_ =	swait.ge [sflag:s13], $0x4000  }
0x57: {  	s30 =	sshll.u32 s30, $0x9;
	[sflag:s13] =	ssyncset.done $0x0  }
0x58: {  	s30 =	sshra.s32 s30, $0x2;
	[sflag:s13] =	ssyncadd.s32 $0xFFFFC000  }
0x59: {  	[tilespmem:s17], [sflag:$0x1] =	stream.indirect.gather [hbm4b:s4+s16], $0x80, s30, s16, $0xb8;
	[tilespmem:$0x1C880] =	vst v63  }
0x5a: {  	_ =	swait.ge [sflag:s20], $0x4000  }
.Ltmp5:
0x5b: {  	[sflag:s20] =	ssyncset.done $0x0;
	(pc) =	sbr.rel @p0 .LBB2_4-.Ltmp5, $4  }
0x5c: {  	s30 =	sadd.s32 $0x80, s26;
	[sflag:s20] =	ssyncadd.s32 $0xFFFFC000  }
0x5d: {  	[spmem:s2] =	stream.indirect.scatter.add.f32 [tilespmem:s19], [sflag:$0x3], $0x80, s30, s16, $0xb8;
	[tilespmem:$0x1C880] =	vst v63  }
0x5e: {  	_ =	swait.ge [sflag:s13], $0x4000  }
0x5f: {  	s29 =	sadd.s32 $0x100, s29;
	[sflag:s13] =	ssyncset.done $0x0  }
.Ltmp6:
0x60: {  	_ = 	snop;
	(pc) =	sbr.rel .LBB2_5-.Ltmp6, $1  }
0x61: {  	_ =	sdelay $0x3  }
.LBB2_8:
0x62: {  	_ =	sfence.sel $0x180000  }
0x63: {  	[bflag:$0x0] =	sbarrier.arrive $0xFFFF  }
0x64: {  	p0 =	sne.s32 s0, $0x0;
	_ =	strace $0x90000053  }
0x65: {  	s0 =	sadd.s32 @!p0 $0x100000, s1;
	[bflag:$0x2] =	sbarrier.arrive $0xFFFF  }
0x66: {  	[sflag:s0] =	ssyncadd.tile.s32 @!p0 $0x1;
	_ =	shalt  }
.Lfunc_end2:
_tile_overlayer_lowered:
.L_overlay_start_2:
0x67: {  	(tag) =	ssettag $0x2  }
0x68: {  	s0 =	rddreg [dreg:$0x0];
	s2 =	stileid.u32  }
0x69: {  	s1 =	rddreg [dreg:$0x1];
	p0 =	sne.s32 s2, $0x0  }
0x6a: {  	s3 =	rddreg [dreg:$0x2];
	[bflag:$0x3] =	sbarrier.arrive $0xFFFF;
	s2 =	simm.s32 @!p0 $0x1C03  }
0x6b: {  	[timem:s3], [sflag:s2] =	dma.local @!p0 [hbm:s0], s1  }
0x6c: {  	s0 =	simm.s32 @!p0 $0x3  }
0x6d: {  	_ =	swait.ge @!p0 [sflag:s0], s1  }
0x6e: {  	s1 =	ssub.s32 @!p0 $0x0, s1;
	[sflag:s0] =	ssyncset.done @!p0 $0x0  }
0x6f: {  	[sflag:s0] =	ssyncadd.s32 @!p0 s1  }
0x70: {  	[bflag:$0x3] =	sbarrier.arrive $0xFFFF  }
0x71: {  	_ =	shalt  }

</sc_bundles>
